<compile_context>
chip_gen: v7x
topology: tpu7x:2x2x1
jax: 0.10.2.dev20260603
libtpu: 0.0.44.dev20260713+nightly
codegen_flags: <defaults>
</compile_context>

<pallas_src>
import functools

import jax
import jax.numpy as jnp
from jax import lax
from jax.experimental import pallas as pl
from jax.experimental.pallas import tpu as pltpu
from jax.experimental.pallas import tpu_sc as plsc

_N_TOK = 8
_N_FLT = 4
_S = 20
_D = 64
_FIELD_DIM = 100000
_NC, _NS, _LANES = 2, 16, 16
_NW = _NC * _NS
_C = 32
_OUT_FIELDS = _N_TOK + _N_FLT + 1


@functools.lru_cache(maxsize=None)
def _build(P):
  per_w = P // _NW
  n_chunks = per_w // _C
  assert per_w * _NW == P and n_chunks * _C == per_w

  mesh = plsc.VectorSubcoreMesh(
      core_axis_name="c", subcore_axis_name="s",
      num_cores=_NC, num_subcores=_NS)

  @functools.partial(
      pl.kernel,
      out_type=jax.ShapeDtypeStruct((P * _OUT_FIELDS, _D), jnp.float32),
      mesh=mesh,
      scratch_types=[
          pltpu.VMEM((_C * _N_TOK,), jnp.int32),
          pltpu.VMEM((_C * _S,), jnp.int32),
          pltpu.VMEM((_C * _N_FLT,), jnp.float32),
          pltpu.VMEM((_N_TOK, _C), jnp.int32),
          pltpu.VMEM((_N_TOK * _C, _D), jnp.float32),
          pltpu.VMEM((_C * _S, _D), jnp.float32),
          pltpu.VMEM((_C, _D), jnp.float32),
          pltpu.VMEM((_N_FLT * _C, _D), jnp.float32),
          pltpu.VMEM((_C,), jnp.float32),
          pltpu.VMEM((_C,), jnp.float32),
          pltpu.VMEM((_N_FLT, _D), jnp.float32),
          pltpu.VMEM((_D,), jnp.float32),
          pltpu.VMEM((3, 128), jnp.int32),
          pltpu.VMEM((1, _C), jnp.int32),
          pltpu.SemaphoreType.DMA,
          pltpu.SemaphoreType.DMA,
          pltpu.SemaphoreType.DMA,
      ],
      compiler_params=pltpu.CompilerParams(
          needs_layout_passes=False, use_tc_tiling_on_sc=False),
  )
  def k(tok_idx, fvals, seq_idx, tok_tab, f_tab, seq_tab, out,
        rawtok_v, seqidx_v, fvals_v, tokt_v, tokbuf_v, sbuf_v, acc_v,
        fbuf_v, inv_v, n0_v, ftab_v, row0_v, widx_v, sidx_v,
        ssem, gsem, wsem):
    wid = lax.axis_index("s") * _NC + lax.axis_index("c")
    iota = lax.iota(jnp.int32, _LANES)
    pltpu.sync_copy(f_tab, ftab_v)
    pltpu.sync_copy(seq_tab.at[0], row0_v)

    def chunk(ci, _):
      base = wid * per_w + ci * _C

      c1 = pltpu.async_copy(tok_idx.at[pl.ds(base * _N_TOK, _C * _N_TOK)],
                            rawtok_v, ssem)
      c2 = pltpu.async_copy(seq_idx.at[pl.ds(base * _S, _C * _S)],
                            seqidx_v, ssem)
      c3 = pltpu.async_copy(fvals.at[pl.ds(base * _N_FLT, _C * _N_FLT)],
                            fvals_v, ssem)
      c1.wait(); c2.wait(); c3.wait()

      for g in range(_C // _LANES):
        p16 = g * _LANES + iota
        dst16 = (base + p16) * _OUT_FIELDS
        for f in range(_N_TOK):
          src = plsc.load_gather(rawtok_v, [p16 * _N_TOK + f])
          tokt_v[f, pl.ds(g * _LANES, _LANES)] = src + f * _FIELD_DIM
          kk = f * _C + g * _LANES
          widx_v[kk // 128, pl.ds(kk % 128, _LANES)] = dst16 + f
        for f in range(_N_FLT):
          kk = f * _C + g * _LANES
          widx_v[2, pl.ds(kk, _LANES)] = dst16 + (_N_TOK + f)
        sidx_v[0, pl.ds(g * _LANES, _LANES)] = dst16 + (_N_TOK + _N_FLT)

      for g in range(_C // _LANES):
        pvec = (g * _LANES + iota) * _S
        cnt = jnp.zeros((_LANES,), jnp.int32)
        for s in range(_S):
          v = plsc.load_gather(seqidx_v, [pvec + s])
          cnt = cnt + jnp.where(v != 0, 1, 0).astype(jnp.int32)
        cntf = cnt.astype(jnp.float32)
        inv = jnp.where(cnt > 0, 1.0 / (cntf + jnp.float32(1e-8)),
                        jnp.float32(0.0))
        inv_v[pl.ds(g * _LANES, _LANES)] = inv
        n0_v[pl.ds(g * _LANES, _LANES)] = jnp.float32(_S) - cntf

      gathers = []
      for f in range(_N_TOK):
        gathers.append(pltpu.async_copy(
            tok_tab.at[tokt_v.at[f]],
            tokbuf_v.at[pl.ds(f * _C, _C)], gsem))
      for g in range(_C * _S // 128):
        gathers.append(pltpu.async_copy(
            seq_tab.at[seqidx_v.at[pl.ds(g * 128, 128)]],
            sbuf_v.at[pl.ds(g * 128, 128)], gsem))

      def fpos(p, carry):
        for f in range(_N_FLT):
          vb = plsc.load_gather(
              fvals_v, [jnp.full((_LANES,), p * _N_FLT + f, jnp.int32)])
          for j in range(_D // _LANES):
            sl = pl.ds(j * _LANES, _LANES)
            fbuf_v[f * _C + p, sl] = vb * ftab_v[f, sl]
        return carry
      lax.fori_loop(0, _C, fpos, None)

      for dsc in gathers:
        dsc.wait()

      writes = []
      for g in range(2):
        writes.append(pltpu.async_copy(
            tokbuf_v.at[pl.ds(g * 128, 128)], out.at[widx_v.at[g]], wsem))
      writes.append(pltpu.async_copy(
          fbuf_v, out.at[widx_v.at[2]], wsem))

      def spos(p, carry):
        pb = jnp.full((_LANES,), p, jnp.int32)
        invb = plsc.load_gather(inv_v, [pb])
        n0b = plsc.load_gather(n0_v, [pb])
        for j in range(_D // _LANES):
          sl = pl.ds(j * _LANES, _LANES)
          vals = [sbuf_v[p * _S + s, sl] for s in range(_S)]
          while len(vals) > 1:
            nxt = [vals[i] + vals[i + 1] for i in range(0, len(vals) - 1, 2)]
            if len(vals) % 2:
              nxt.append(vals[-1])
            vals = nxt
          acc_v[p, sl] = (vals[0] - n0b * row0_v[sl]) * invb
        return carry
      lax.fori_loop(0, _C, spos, None)

      writes.append(pltpu.async_copy(acc_v, out.at[sidx_v.at[0]], wsem))
      for dsc in writes:
        dsc.wait()
      return _

    lax.fori_loop(0, n_chunks, chunk, None)

  return k


def kernel(token_fields, float_fields, token_seq_field,
           token_table, float_table, seq_table):
  B, L, nf = token_fields.shape
  P = B * L
  k = _build(P)
  out = k(token_fields.reshape(P * nf),
          float_fields.reshape(-1),
          token_seq_field.reshape(-1),
          token_table, float_table, seq_table)
  return out.reshape(B, L, _OUT_FIELDS, _D)

# --- scband reference (transcript-rebuilt; emitter-appended) ---
"""Pipeline reference for scband-context-seq-emb-abstract-layer-66709432042342 (READ-ONLY COPY).

The authoritative reference and input builder live on the scoring server;
editing this copy changes nothing except your own understanding.
"""

import jax, jax.numpy as jnp
import numpy as np

TOKEN_FIELD_DIMS = [100000, 100000, 100000, 100000, 100000, 100000, 100000, 100000]
NUM_FLOAT_FIELDS = 4
SEQ_VOCAB = 100000
EMBED = 64
B, L, SEQ_LEN = 1024, 50, 20


def setup_inputs(seed: int = 0) -> dict:
    key = jax.random.key(seed)
    k1, k2, k3, k4, k5, k6 = jax.random.split(key, 6)
    token_fields = jax.random.randint(k1, (B, L, len(TOKEN_FIELD_DIMS)), 0, TOKEN_FIELD_DIMS[0], dtype=jnp.int32)
    float_fields = jax.random.uniform(k2, (B, L, NUM_FLOAT_FIELDS), dtype=jnp.float32)
    token_seq_field = jax.random.randint(k3, (B, L, SEQ_LEN), 0, SEQ_VOCAB, dtype=jnp.int32)
    token_table = jax.random.normal(k4, (int(np.sum(TOKEN_FIELD_DIMS)), EMBED), dtype=jnp.float32) * 0.02
    float_table = jax.random.normal(k5, (NUM_FLOAT_FIELDS, EMBED), dtype=jnp.float32) * 0.02
    seq_table = jax.random.normal(k6, (SEQ_VOCAB, EMBED), dtype=jnp.float32) * 0.02
    return {
        'token_fields': token_fields,
        'float_fields': float_fields,
        'token_seq_field': token_seq_field,
        'token_table': token_table,
        'float_table': float_table,
        'seq_table': seq_table,
    }


def reference(token_fields, float_fields, token_seq_field, token_table, float_table, seq_table):
    # --- embed_token_fields (item): FMEmbedding with per-field offsets into fused table ---
    offsets = jnp.asarray(np.array((0, *np.cumsum(TOKEN_FIELD_DIMS)[:-1])), dtype=token_fields.dtype)
    idx = token_fields + offsets[None, None, :]
    token_embedding = jnp.take(token_table, idx, axis=0)  # [B, L, n_tok, D]

    # --- embed_float_fields: gather per-field vector, scale by float value ---
    num_float_field = float_fields.shape[-1]
    findex = jnp.arange(num_float_field)
    float_embedding = jnp.take(float_table, findex, axis=0)  # [n_float, D]
    float_embedding = float_embedding[None, None, :, :] * float_fields[..., None]  # [B, L, n_float, D]

    # --- embed_token_seq_fields: mean pooling over masked sequence ---
    mask = (token_seq_field != 0).astype(jnp.float32)  # [B, L, S]
    value_cnt = jnp.sum(mask, axis=-1, keepdims=True)  # [B, L, 1]
    token_seq_embedding = jnp.take(seq_table, token_seq_field, axis=0)  # [B, L, S, D]
    masked = token_seq_embedding * mask[..., None]
    summed = jnp.sum(masked, axis=-2)  # [B, L, D]
    eps = jnp.float32(1e-08)
    mean = summed / (value_cnt + eps)
    seq_embedding = mean[..., None, :]  # [B, L, 1, D]

    # concatenate all feature-field embeddings along the field axis
    out = jnp.concatenate([token_embedding, float_embedding, seq_embedding], axis=2)  # [B, L, 13, D]
    return out

if __name__ == "__main__":
    import jax
    _d = setup_inputs()
    print(jax.jit(kernel)(*tuple(_d.values())))

</pallas_src>

<mosaic_0001>
#map = affine_map<(d0, d1) -> (0)>
#map1 = affine_map<(d0, d1) -> (0, 0)>
module attributes {stable_mosaic.version = 14 : i64} {
  func.func @k(%arg0: i32, %arg1: i32, %arg2: memref<409600xi32, #tpu.memory_space<hbm>>, %arg3: memref<204800xf32, #tpu.memory_space<hbm>>, %arg4: memref<1024000xi32, #tpu.memory_space<hbm>>, %arg5: memref<800000x64xf32, #tpu.memory_space<hbm>>, %arg6: memref<4x64xf32, #tpu.memory_space<hbm>>, %arg7: memref<100000x64xf32, #tpu.memory_space<hbm>>, %arg8: memref<665600x64xf32, #tpu.memory_space<hbm>>, %arg9: memref<256xi32, #tpu.memory_space<vmem>>, %arg10: memref<640xi32, #tpu.memory_space<vmem>>, %arg11: memref<128xf32, #tpu.memory_space<vmem>>, %arg12: memref<8x32xi32, #tpu.memory_space<vmem>>, %arg13: memref<256x64xf32, #tpu.memory_space<vmem>>, %arg14: memref<640x64xf32, #tpu.memory_space<vmem>>, %arg15: memref<32x64xf32, #tpu.memory_space<vmem>>, %arg16: memref<128x64xf32, #tpu.memory_space<vmem>>, %arg17: memref<32xf32, #tpu.memory_space<vmem>>, %arg18: memref<32xf32, #tpu.memory_space<vmem>>, %arg19: memref<4x64xf32, #tpu.memory_space<vmem>>, %arg20: memref<64xf32, #tpu.memory_space<vmem>>, %arg21: memref<3x128xi32, #tpu.memory_space<vmem>>, %arg22: memref<1x32xi32, #tpu.memory_space<vmem>>, %arg23: memref<!tpu.dma_semaphore, #tpu.memory_space<semaphore_mem>>, %arg24: memref<!tpu.dma_semaphore, #tpu.memory_space<semaphore_mem>>, %arg25: memref<!tpu.dma_semaphore, #tpu.memory_space<semaphore_mem>>) attributes {dimension_semantics = [#tpu.dimension_semantics<core_parallel>, #tpu.dimension_semantics<subcore_parallel>], iteration_bounds = array<i64: 2, 16>, scalar_prefetch = 0 : i64, scratch_operands = 17 : i64, tpu.core_type = #tpu.core_type<sc_vector_subcore>, window_params = [{transform_indices = #map}, {transform_indices = #map}, {transform_indices = #map}, {transform_indices = #map1}, {transform_indices = #map1}, {transform_indices = #map1}, {transform_indices = #map1}]} {
    %mul3A = arith.constant 2 : i32
    %mul3A_0 = arith.muli %arg1, %mul3A : i32
    %add3A = arith.addi %mul3A_0, %arg0 : i32
    %iota3A = tpu.iota {dimensions = array<i32: 0>} : vector<16xi32>
    "tpu.region"() ({
      %run_scoped3A_5 = tpu.sem_alloc : memref<!tpu.dma_semaphore, #tpu.memory_space<semaphore_mem>>
      tpu.enqueue_dma source(%arg6 : memref<4x64xf32, #tpu.memory_space<hbm>>) target(%arg19 : memref<4x64xf32, #tpu.memory_space<vmem>>) target_semaphore(%run_scoped3A_5 : memref<!tpu.dma_semaphore, #tpu.memory_space<semaphore_mem>>)
      tpu.wait_dma2 semaphore(%run_scoped3A_5 : memref<!tpu.dma_semaphore, #tpu.memory_space<semaphore_mem>>) src(%arg6 : memref<4x64xf32, #tpu.memory_space<hbm>>) dst(%arg19 : memref<4x64xf32, #tpu.memory_space<vmem>>)
      tpu.yield
    }) : () -> ()
    %run_scoped3A = arith.constant 0 : i32
    "tpu.region"() ({
      %run_scoped3A_5 = tpu.sem_alloc : memref<!tpu.dma_semaphore, #tpu.memory_space<semaphore_mem>>
      %dma_start3A = arith.constant 0 : i32
      %dma_start3A_6 = tpu.memref_slice %arg7[%run_scoped3A, %dma_start3A] : memref<100000x64xf32, #tpu.memory_space<hbm>> -> memref<1x64xf32, #tpu.memory_space<hbm>>
      %dma_start3A_7 = tpu.memref_squeeze %dma_start3A_6 : memref<1x64xf32, #tpu.memory_space<hbm>> -> memref<64xf32, #tpu.memory_space<hbm>>
      %dma_start3A_8 = arith.constant 0 : i32
      %dma_start3A_9 = tpu.memref_slice %arg7[%run_scoped3A, %dma_start3A_8] : memref<100000x64xf32, #tpu.memory_space<hbm>> -> memref<1x64xf32, #tpu.memory_space<hbm>>
      %dma_start3A_10 = tpu.memref_squeeze %dma_start3A_9 : memref<1x64xf32, #tpu.memory_space<hbm>> -> memref<64xf32, #tpu.memory_space<hbm>>
      tpu.enqueue_dma source(%dma_start3A_10 : memref<64xf32, #tpu.memory_space<hbm>>) target(%arg20 : memref<64xf32, #tpu.memory_space<vmem>>) target_semaphore(%run_scoped3A_5 : memref<!tpu.dma_semaphore, #tpu.memory_space<semaphore_mem>>)
      %dma_wait3A = arith.constant 0 : i32
      %dma_wait3A_11 = tpu.memref_slice %arg7[%run_scoped3A, %dma_wait3A] : memref<100000x64xf32, #tpu.memory_space<hbm>> -> memref<1x64xf32, #tpu.memory_space<hbm>>
      %dma_wait3A_12 = tpu.memref_squeeze %dma_wait3A_11 : memref<1x64xf32, #tpu.memory_space<hbm>> -> memref<64xf32, #tpu.memory_space<hbm>>
      %dma_wait3A_13 = arith.constant 0 : i32
      %dma_wait3A_14 = tpu.memref_slice %arg7[%run_scoped3A, %dma_wait3A_13] : memref<100000x64xf32, #tpu.memory_space<hbm>> -> memref<1x64xf32, #tpu.memory_space<hbm>>
      %dma_wait3A_15 = tpu.memref_squeeze %dma_wait3A_14 : memref<1x64xf32, #tpu.memory_space<hbm>> -> memref<64xf32, #tpu.memory_space<hbm>>
      tpu.wait_dma2 semaphore(%run_scoped3A_5 : memref<!tpu.dma_semaphore, #tpu.memory_space<semaphore_mem>>) src(%dma_wait3A_15 : memref<64xf32, #tpu.memory_space<hbm>>) dst(%arg20 : memref<64xf32, #tpu.memory_space<vmem>>)
      tpu.yield
    }) : () -> ()
    %scan3A = arith.constant 0 : i32
    %scan3A_1 = arith.constant 50 : i32
    %scan3A_2 = arith.addi %scan3A, %scan3A_1 : i32
    %scan3A_3 = arith.constant 1 : i32
    scf.for %scan3A_5 = %scan3A to %scan3A_2 step %scan3A_3  : i32 {
      %mul3A_6 = arith.constant 1600 : i32
      %mul3A_7 = arith.muli %add3A, %mul3A_6 : i32
      %mul3A_8 = arith.constant 32 : i32
      %mul3A_9 = arith.muli %scan3A_5, %mul3A_8 : i32
      %add3A_10 = arith.addi %mul3A_7, %mul3A_9 : i32
      %mul3A_11 = arith.constant 8 : i32
      %mul3A_12 = arith.muli %add3A_10, %mul3A_11 : i32
      %dma_start3A = tpu.memref_slice %arg2[%mul3A_12] : memref<409600xi32, #tpu.memory_space<hbm>> -> memref<256xi32, #tpu.memory_space<hbm>>
      %dma_start3A_13 = tpu.memref_slice %arg2[%mul3A_12] : memref<409600xi32, #tpu.memory_space<hbm>> -> memref<256xi32, #tpu.memory_space<hbm>>
      tpu.enqueue_dma source(%dma_start3A_13 : memref<256xi32, #tpu.memory_space<hbm>>) target(%arg9 : memref<256xi32, #tpu.memory_space<vmem>>) target_semaphore(%arg23 : memref<!tpu.dma_semaphore, #tpu.memory_space<semaphore_mem>>)
      %mul3A_14 = arith.constant 20 : i32
      %mul3A_15 = arith.muli %add3A_10, %mul3A_14 : i32
      %dma_start3A_16 = tpu.memref_slice %arg4[%mul3A_15] : memref<1024000xi32, #tpu.memory_space<hbm>> -> memref<640xi32, #tpu.memory_space<hbm>>
      %dma_start3A_17 = tpu.memref_slice %arg4[%mul3A_15] : memref<1024000xi32, #tpu.memory_space<hbm>> -> memref<640xi32, #tpu.memory_space<hbm>>
      tpu.enqueue_dma source(%dma_start3A_17 : memref<640xi32, #tpu.memory_space<hbm>>) target(%arg10 : memref<640xi32, #tpu.memory_space<vmem>>) target_semaphore(%arg23 : memref<!tpu.dma_semaphore, #tpu.memory_space<semaphore_mem>>)
      %mul3A_18 = arith.constant 4 : i32
      %mul3A_19 = arith.muli %add3A_10, %mul3A_18 : i32
      %dma_start3A_20 = tpu.memref_slice %arg3[%mul3A_19] : memref<204800xf32, #tpu.memory_space<hbm>> -> memref<128xf32, #tpu.memory_space<hbm>>
      %dma_start3A_21 = tpu.memref_slice %arg3[%mul3A_19] : memref<204800xf32, #tpu.memory_space<hbm>> -> memref<128xf32, #tpu.memory_space<hbm>>
      tpu.enqueue_dma source(%dma_start3A_21 : memref<128xf32, #tpu.memory_space<hbm>>) target(%arg11 : memref<128xf32, #tpu.memory_space<vmem>>) target_semaphore(%arg23 : memref<!tpu.dma_semaphore, #tpu.memory_space<semaphore_mem>>)
      %dma_wait3A = tpu.memref_slice %arg2[%mul3A_12] : memref<409600xi32, #tpu.memory_space<hbm>> -> memref<256xi32, #tpu.memory_space<hbm>>
      %dma_wait3A_22 = tpu.memref_slice %arg2[%mul3A_12] : memref<409600xi32, #tpu.memory_space<hbm>> -> memref<256xi32, #tpu.memory_space<hbm>>
      tpu.wait_dma2 semaphore(%arg23 : memref<!tpu.dma_semaphore, #tpu.memory_space<semaphore_mem>>) src(%dma_wait3A_22 : memref<256xi32, #tpu.memory_space<hbm>>) dst(%arg9 : memref<256xi32, #tpu.memory_space<vmem>>)
      %dma_wait3A_23 = tpu.memref_slice %arg4[%mul3A_15] : memref<1024000xi32, #tpu.memory_space<hbm>> -> memref<640xi32, #tpu.memory_space<hbm>>
      %dma_wait3A_24 = tpu.memref_slice %arg4[%mul3A_15] : memref<1024000xi32, #tpu.memory_space<hbm>> -> memref<640xi32, #tpu.memory_space<hbm>>
      tpu.wait_dma2 semaphore(%arg23 : memref<!tpu.dma_semaphore, #tpu.memory_space<semaphore_mem>>) src(%dma_wait3A_24 : memref<640xi32, #tpu.memory_space<hbm>>) dst(%arg10 : memref<640xi32, #tpu.memory_space<vmem>>)
      %dma_wait3A_25 = tpu.memref_slice %arg3[%mul3A_19] : memref<204800xf32, #tpu.memory_space<hbm>> -> memref<128xf32, #tpu.memory_space<hbm>>
      %dma_wait3A_26 = tpu.memref_slice %arg3[%mul3A_19] : memref<204800xf32, #tpu.memory_space<hbm>> -> memref<128xf32, #tpu.memory_space<hbm>>
      tpu.wait_dma2 semaphore(%arg23 : memref<!tpu.dma_semaphore, #tpu.memory_space<semaphore_mem>>) src(%dma_wait3A_26 : memref<128xf32, #tpu.memory_space<hbm>>) dst(%arg11 : memref<128xf32, #tpu.memory_space<vmem>>)
      %add3A_27 = arith.constant 0 : i32
      %add3A_28 = vector.broadcast %add3A_27 : i32 to vector<16xi32>
      %add3A_29 = arith.addi %add3A_28, %iota3A : vector<16xi32>
      %add3A_30 = vector.broadcast %add3A_10 : i32 to vector<16xi32>
      %add3A_31 = arith.addi %add3A_30, %add3A_29 : vector<16xi32>
      %mul3A_32 = arith.constant 13 : i32
      %mul3A_33 = vector.broadcast %mul3A_32 : i32 to vector<16xi32>
      %mul3A_34 = arith.muli %add3A_31, %mul3A_33 : vector<16xi32>
      %mul3A_35 = arith.constant 8 : i32
      %mul3A_36 = vector.broadcast %mul3A_35 : i32 to vector<16xi32>
      %mul3A_37 = arith.muli %add3A_29, %mul3A_36 : vector<16xi32>
      %add3A_38 = arith.constant 0 : i32
      %add3A_39 = vector.broadcast %add3A_38 : i32 to vector<16xi32>
      %add3A_40 = arith.addi %mul3A_37, %add3A_39 : vector<16xi32>
      %gather3A = tpu.vector_load_idx %arg9[%add3A_40] : memref<256xi32, #tpu.memory_space<vmem>>[vector<16xi32>], vector<16xi32>,
      %add3A_41 = arith.constant 0 : i32
      %add3A_42 = vector.broadcast %add3A_41 : i32 to vector<16xi32>
      %add3A_43 = arith.addi %gather3A, %add3A_42 : vector<16xi32>
      %swap3A = arith.constant 0 : i32
      %swap3A_44 = arith.index_cast %swap3A : i32 to index
      %swap3A_45 = arith.constant 0 : index
      %swap3A_46 = tpu.vector_load %arg12[%swap3A_44, %swap3A_45] {strides = array<i32>} : memref<8x32xi32, #tpu.memory_space<vmem>>, vector<16xi32>,
      tpu.vector_store %arg12[%swap3A_44, %swap3A_45], %add3A_43 {strides = array<i32>} : memref<8x32xi32, #tpu.memory_space<vmem>>, vector<16xi32>,
      %add3A_47 = arith.constant 0 : i32
      %add3A_48 = vector.broadcast %add3A_47 : i32 to vector<16xi32>
      %add3A_49 = arith.addi %mul3A_34, %add3A_48 : vector<16xi32>
      %swap3A_50 = arith.constant 0 : i32
      %swap3A_51 = arith.index_cast %swap3A_50 : i32 to index
      %swap3A_52 = arith.constant 0 : index
      %swap3A_53 = tpu.vector_load %arg21[%swap3A_51, %swap3A_52] {strides = array<i32>} : memref<3x128xi32, #tpu.memory_space<vmem>>, vector<16xi32>,
      tpu.vector_store %arg21[%swap3A_51, %swap3A_52], %add3A_49 {strides = array<i32>} : memref<3x128xi32, #tpu.memory_space<vmem>>, vector<16xi32>,
      %mul3A_54 = arith.constant 8 : i32
      %mul3A_55 = vector.broadcast %mul3A_54 : i32 to vector<16xi32>
      %mul3A_56 = arith.muli %add3A_29, %mul3A_55 : vector<16xi32>
      %add3A_57 = arith.constant 1 : i32
      %add3A_58 = vector.broadcast %add3A_57 : i32 to vector<16xi32>
      %add3A_59 = arith.addi %mul3A_56, %add3A_58 : vector<16xi32>
      %gather3A_60 = tpu.vector_load_idx %arg9[%add3A_59] : memref<256xi32, #tpu.memory_space<vmem>>[vector<16xi32>], vector<16xi32>,
      %add3A_61 = arith.constant 100000 : i32
      %add3A_62 = vector.broadcast %add3A_61 : i32 to vector<16xi32>
      %add3A_63 = arith.addi %gather3A_60, %add3A_62 : vector<16xi32>
      %swap3A_64 = arith.constant 1 : i32
      %swap3A_65 = arith.index_cast %swap3A_64 : i32 to index
      %swap3A_66 = arith.constant 0 : index
      %swap3A_67 = tpu.vector_load %arg12[%swap3A_65, %swap3A_66] {strides = array<i32>} : memref<8x32xi32, #tpu.memory_space<vmem>>, vector<16xi32>,
      tpu.vector_store %arg12[%swap3A_65, %swap3A_66], %add3A_63 {strides = array<i32>} : memref<8x32xi32, #tpu.memory_space<vmem>>, vector<16xi32>,
      %add3A_68 = arith.constant 1 : i32
      %add3A_69 = vector.broadcast %add3A_68 : i32 to vector<16xi32>
      %add3A_70 = arith.addi %mul3A_34, %add3A_69 : vector<16xi32>
      %swap3A_71 = arith.constant 0 : i32
      %swap3A_72 = arith.index_cast %swap3A_71 : i32 to index
      %swap3A_73 = arith.constant 32 : index
      %swap3A_74 = tpu.vector_load %arg21[%swap3A_72, %swap3A_73] {strides = array<i32>} : memref<3x128xi32, #tpu.memory_space<vmem>>, vector<16xi32>,
      tpu.vector_store %arg21[%swap3A_72, %swap3A_73], %add3A_70 {strides = array<i32>} : memref<3x128xi32, #tpu.memory_space<vmem>>, vector<16xi32>,
      %mul3A_75 = arith.constant 8 : i32
      %mul3A_76 = vector.broadcast %mul3A_75 : i32 to vector<16xi32>
      %mul3A_77 = arith.muli %add3A_29, %mul3A_76 : vector<16xi32>
      %add3A_78 = arith.constant 2 : i32
      %add3A_79 = vector.broadcast %add3A_78 : i32 to vector<16xi32>
      %add3A_80 = arith.addi %mul3A_77, %add3A_79 : vector<16xi32>
      %gather3A_81 = tpu.vector_load_idx %arg9[%add3A_80] : memref<256xi32, #tpu.memory_space<vmem>>[vector<16xi32>], vector<16xi32>,
      %add3A_82 = arith.constant 200000 : i32
      %add3A_83 = vector.broadcast %add3A_82 : i32 to vector<16xi32>
      %add3A_84 = arith.addi %gather3A_81, %add3A_83 : vector<16xi32>
      %swap3A_85 = arith.constant 2 : i32
      %swap3A_86 = arith.index_cast %swap3A_85 : i32 to index
      %swap3A_87 = arith.constant 0 : index
      %swap3A_88 = tpu.vector_load %arg12[%swap3A_86, %swap3A_87] {strides = array<i32>} : memref<8x32xi32, #tpu.memory_space<vmem>>, vector<16xi32>,
      tpu.vector_store %arg12[%swap3A_86, %swap3A_87], %add3A_84 {strides = array<i32>} : memref<8x32xi32, #tpu.memory_space<vmem>>, vector<16xi32>,
      %add3A_89 = arith.constant 2 : i32
      %add3A_90 = vector.broadcast %add3A_89 : i32 to vector<16xi32>
      %add3A_91 = arith.addi %mul3A_34, %add3A_90 : vector<16xi32>
      %swap3A_92 = arith.constant 0 : i32
      %swap3A_93 = arith.index_cast %swap3A_92 : i32 to index
      %swap3A_94 = arith.constant 64 : index
      %swap3A_95 = tpu.vector_load %arg21[%swap3A_93, %swap3A_94] {strides = array<i32>} : memref<3x128xi32, #tpu.memory_space<vmem>>, vector<16xi32>,
      tpu.vector_store %arg21[%swap3A_93, %swap3A_94], %add3A_91 {strides = array<i32>} : memref<3x128xi32, #tpu.memory_space<vmem>>, vector<16xi32>,
      %mul3A_96 = arith.constant 8 : i32
      %mul3A_97 = vector.broadcast %mul3A_96 : i32 to vector<16xi32>
      %mul3A_98 = arith.muli %add3A_29, %mul3A_97 : vector<16xi32>
      %add3A_99 = arith.constant 3 : i32
      %add3A_100 = vector.broadcast %add3A_99 : i32 to vector<16xi32>
      %add3A_101 = arith.addi %mul3A_98, %add3A_100 : vector<16xi32>
      %gather3A_102 = tpu.vector_load_idx %arg9[%add3A_101] : memref<256xi32, #tpu.memory_space<vmem>>[vector<16xi32>], vector<16xi32>,
      %add3A_103 = arith.constant 300000 : i32
      %add3A_104 = vector.broadcast %add3A_103 : i32 to vector<16xi32>
      %add3A_105 = arith.addi %gather3A_102, %add3A_104 : vector<16xi32>
      %swap3A_106 = arith.constant 3 : i32
      %swap3A_107 = arith.index_cast %swap3A_106 : i32 to index
      %swap3A_108 = arith.constant 0 : index
      %swap3A_109 = tpu.vector_load %arg12[%swap3A_107, %swap3A_108] {strides = array<i32>} : memref<8x32xi32, #tpu.memory_space<vmem>>, vector<16xi32>,
      tpu.vector_store %arg12[%swap3A_107, %swap3A_108], %add3A_105 {strides = array<i32>} : memref<8x32xi32, #tpu.memory_space<vmem>>, vector<16xi32>,
      %add3A_110 = arith.constant 3 : i32
      %add3A_111 = vector.broadcast %add3A_110 : i32 to vector<16xi32>
      %add3A_112 = arith.addi %mul3A_34, %add3A_111 : vector<16xi32>
      %swap3A_113 = arith.constant 0 : i32
      %swap3A_114 = arith.index_cast %swap3A_113 : i32 to index
      %swap3A_115 = arith.constant 96 : index
      %swap3A_116 = tpu.vector_load %arg21[%swap3A_114, %swap3A_115] {strides = array<i32>} : memref<3x128xi32, #tpu.memory_space<vmem>>, vector<16xi32>,
      tpu.vector_store %arg21[%swap3A_114, %swap3A_115], %add3A_112 {strides = array<i32>} : memref<3x128xi32, #tpu.memory_space<vmem>>, vector<16xi32>,
      %mul3A_117 = arith.constant 8 : i32
      %mul3A_118 = vector.broadcast %mul3A_117 : i32 to vector<16xi32>
      %mul3A_119 = arith.muli %add3A_29, %mul3A_118 : vector<16xi32>
      %add3A_120 = arith.constant 4 : i32
      %add3A_121 = vector.broadcast %add3A_120 : i32 to vector<16xi32>
      %add3A_122 = arith.addi %mul3A_119, %add3A_121 : vector<16xi32>
      %gather3A_123 = tpu.vector_load_idx %arg9[%add3A_122] : memref<256xi32, #tpu.memory_space<vmem>>[vector<16xi32>], vector<16xi32>,
      %add3A_124 = arith.constant 400000 : i32
      %add3A_125 = vector.broadcast %add3A_124 : i32 to vector<16xi32>
      %add3A_126 = arith.addi %gather3A_123, %add3A_125 : vector<16xi32>
      %swap3A_127 = arith.constant 4 : i32
      %swap3A_128 = arith.index_cast %swap3A_127 : i32 to index
      %swap3A_129 = arith.constant 0 : index
      %swap3A_130 = tpu.vector_load %arg12[%swap3A_128, %swap3A_129] {strides = array<i32>} : memref<8x32xi32, #tpu.memory_space<vmem>>, vector<16xi32>,
      tpu.vector_store %arg12[%swap3A_128, %swap3A_129], %add3A_126 {strides = array<i32>} : memref<8x32xi32, #tpu.memory_space<vmem>>, vector<16xi32>,
      %add3A_131 = arith.constant 4 : i32
      %add3A_132 = vector.broadcast %add3A_131 : i32 to vector<16xi32>
      %add3A_133 = arith.addi %mul3A_34, %add3A_132 : vector<16xi32>
      %swap3A_134 = arith.constant 1 : i32
      %swap3A_135 = arith.index_cast %swap3A_134 : i32 to index
      %swap3A_136 = arith.constant 0 : index
      %swap3A_137 = tpu.vector_load %arg21[%swap3A_135, %swap3A_136] {strides = array<i32>} : memref<3x128xi32, #tpu.memory_space<vmem>>, vector<16xi32>,
      tpu.vector_store %arg21[%swap3A_135, %swap3A_136], %add3A_133 {strides = array<i32>} : memref<3x128xi32, #tpu.memory_space<vmem>>, vector<16xi32>,
      %mul3A_138 = arith.constant 8 : i32
      %mul3A_139 = vector.broadcast %mul3A_138 : i32 to vector<16xi32>
      %mul3A_140 = arith.muli %add3A_29, %mul3A_139 : vector<16xi32>
      %add3A_141 = arith.constant 5 : i32
      %add3A_142 = vector.broadcast %add3A_141 : i32 to vector<16xi32>
      %add3A_143 = arith.addi %mul3A_140, %add3A_142 : vector<16xi32>
      %gather3A_144 = tpu.vector_load_idx %arg9[%add3A_143] : memref<256xi32, #tpu.memory_space<vmem>>[vector<16xi32>], vector<16xi32>,
      %add3A_145 = arith.constant 500000 : i32
      %add3A_146 = vector.broadcast %add3A_145 : i32 to vector<16xi32>
      %add3A_147 = arith.addi %gather3A_144, %add3A_146 : vector<16xi32>
      %swap3A_148 = arith.constant 5 : i32
      %swap3A_149 = arith.index_cast %swap3A_148 : i32 to index
      %swap3A_150 = arith.constant 0 : index
      %swap3A_151 = tpu.vector_load %arg12[%swap3A_149, %swap3A_150] {strides = array<i32>} : memref<8x32xi32, #tpu.memory_space<vmem>>, vector<16xi32>,
      tpu.vector_store %arg12[%swap3A_149, %swap3A_150], %add3A_147 {strides = array<i32>} : memref<8x32xi32, #tpu.memory_space<vmem>>, vector<16xi32>,
      %add3A_152 = arith.constant 5 : i32
      %add3A_153 = vector.broadcast %add3A_152 : i32 to vector<16xi32>
      %add3A_154 = arith.addi %mul3A_34, %add3A_153 : vector<16xi32>
      %swap3A_155 = arith.constant 1 : i32
      %swap3A_156 = arith.index_cast %swap3A_155 : i32 to index
      %swap3A_157 = arith.constant 32 : index
      %swap3A_158 = tpu.vector_load %arg21[%swap3A_156, %swap3A_157] {strides = array<i32>} : memref<3x128xi32, #tpu.memory_space<vmem>>, vector<16xi32>,
      tpu.vector_store %arg21[%swap3A_156, %swap3A_157], %add3A_154 {strides = array<i32>} : memref<3x128xi32, #tpu.memory_space<vmem>>, vector<16xi32>,
      %mul3A_159 = arith.constant 8 : i32
      %mul3A_160 = vector.broadcast %mul3A_159 : i32 to vector<16xi32>
      %mul3A_161 = arith.muli %add3A_29, %mul3A_160 : vector<16xi32>
      %add3A_162 = arith.constant 6 : i32
      %add3A_163 = vector.broadcast %add3A_162 : i32 to vector<16xi32>
      %add3A_164 = arith.addi %mul3A_161, %add3A_163 : vector<16xi32>
      %gather3A_165 = tpu.vector_load_idx %arg9[%add3A_164] : memref<256xi32, #tpu.memory_space<vmem>>[vector<16xi32>], vector<16xi32>,
      %add3A_166 = arith.constant 600000 : i32
      %add3A_167 = vector.broadcast %add3A_166 : i32 to vector<16xi32>
      %add3A_168 = arith.addi %gather3A_165, %add3A_167 : vector<16xi32>
      %swap3A_169 = arith.constant 6 : i32
      %swap3A_170 = arith.index_cast %swap3A_169 : i32 to index
      %swap3A_171 = arith.constant 0 : index
      %swap3A_172 = tpu.vector_load %arg12[%swap3A_170, %swap3A_171] {strides = array<i32>} : memref<8x32xi32, #tpu.memory_space<vmem>>, vector<16xi32>,
      tpu.vector_store %arg12[%swap3A_170, %swap3A_171], %add3A_168 {strides = array<i32>} : memref<8x32xi32, #tpu.memory_space<vmem>>, vector<16xi32>,
      %add3A_173 = arith.constant 6 : i32
      %add3A_174 = vector.broadcast %add3A_173 : i32 to vector<16xi32>
      %add3A_175 = arith.addi %mul3A_34, %add3A_174 : vector<16xi32>
      %swap3A_176 = arith.constant 1 : i32
      %swap3A_177 = arith.index_cast %swap3A_176 : i32 to index
      %swap3A_178 = arith.constant 64 : index
      %swap3A_179 = tpu.vector_load %arg21[%swap3A_177, %swap3A_178] {strides = array<i32>} : memref<3x128xi32, #tpu.memory_space<vmem>>, vector<16xi32>,
      tpu.vector_store %arg21[%swap3A_177, %swap3A_178], %add3A_175 {strides = array<i32>} : memref<3x128xi32, #tpu.memory_space<vmem>>, vector<16xi32>,
      %mul3A_180 = arith.constant 8 : i32
      %mul3A_181 = vector.broadcast %mul3A_180 : i32 to vector<16xi32>
      %mul3A_182 = arith.muli %add3A_29, %mul3A_181 : vector<16xi32>
      %add3A_183 = arith.constant 7 : i32
      %add3A_184 = vector.broadcast %add3A_183 : i32 to vector<16xi32>
      %add3A_185 = arith.addi %mul3A_182, %add3A_184 : vector<16xi32>
      %gather3A_186 = tpu.vector_load_idx %arg9[%add3A_185] : memref<256xi32, #tpu.memory_space<vmem>>[vector<16xi32>], vector<16xi32>,
      %add3A_187 = arith.constant 700000 : i32
      %add3A_188 = vector.broadcast %add3A_187 : i32 to vector<16xi32>
      %add3A_189 = arith.addi %gather3A_186, %add3A_188 : vector<16xi32>
      %swap3A_190 = arith.constant 7 : i32
      %swap3A_191 = arith.index_cast %swap3A_190 : i32 to index
      %swap3A_192 = arith.constant 0 : index
      %swap3A_193 = tpu.vector_load %arg12[%swap3A_191, %swap3A_192] {strides = array<i32>} : memref<8x32xi32, #tpu.memory_space<vmem>>, vector<16xi32>,
      tpu.vector_store %arg12[%swap3A_191, %swap3A_192], %add3A_189 {strides = array<i32>} : memref<8x32xi32, #tpu.memory_space<vmem>>, vector<16xi32>,
      %add3A_194 = arith.constant 7 : i32
      %add3A_195 = vector.broadcast %add3A_194 : i32 to vector<16xi32>
      %add3A_196 = arith.addi %mul3A_34, %add3A_195 : vector<16xi32>
      %swap3A_197 = arith.constant 1 : i32
      %swap3A_198 = arith.index_cast %swap3A_197 : i32 to index
      %swap3A_199 = arith.constant 96 : index
      %swap3A_200 = tpu.vector_load %arg21[%swap3A_198, %swap3A_199] {strides = array<i32>} : memref<3x128xi32, #tpu.memory_space<vmem>>, vector<16xi32>,
      tpu.vector_store %arg21[%swap3A_198, %swap3A_199], %add3A_196 {strides = array<i32>} : memref<3x128xi32, #tpu.memory_space<vmem>>, vector<16xi32>,
      %add3A_201 = arith.constant 8 : i32
      %add3A_202 = vector.broadcast %add3A_201 : i32 to vector<16xi32>
      %add3A_203 = arith.addi %mul3A_34, %add3A_202 : vector<16xi32>
      %swap3A_204 = arith.constant 2 : i32
      %swap3A_205 = arith.index_cast %swap3A_204 : i32 to index
      %swap3A_206 = arith.constant 0 : index
      %swap3A_207 = tpu.vector_load %arg21[%swap3A_205, %swap3A_206] {strides = array<i32>} : memref<3x128xi32, #tpu.memory_space<vmem>>, vector<16xi32>,
      tpu.vector_store %arg21[%swap3A_205, %swap3A_206], %add3A_203 {strides = array<i32>} : memref<3x128xi32, #tpu.memory_space<vmem>>, vector<16xi32>,
      %add3A_208 = arith.constant 9 : i32
      %add3A_209 = vector.broadcast %add3A_208 : i32 to vector<16xi32>
      %add3A_210 = arith.addi %mul3A_34, %add3A_209 : vector<16xi32>
      %swap3A_211 = arith.constant 2 : i32
      %swap3A_212 = arith.index_cast %swap3A_211 : i32 to index
      %swap3A_213 = arith.constant 32 : index
      %swap3A_214 = tpu.vector_load %arg21[%swap3A_212, %swap3A_213] {strides = array<i32>} : memref<3x128xi32, #tpu.memory_space<vmem>>, vector<16xi32>,
      tpu.vector_store %arg21[%swap3A_212, %swap3A_213], %add3A_210 {strides = array<i32>} : memref<3x128xi32, #tpu.memory_space<vmem>>, vector<16xi32>,
      %add3A_215 = arith.constant 10 : i32
      %add3A_216 = vector.broadcast %add3A_215 : i32 to vector<16xi32>
      %add3A_217 = arith.addi %mul3A_34, %add3A_216 : vector<16xi32>
      %swap3A_218 = arith.constant 2 : i32
      %swap3A_219 = arith.index_cast %swap3A_218 : i32 to index
      %swap3A_220 = arith.constant 64 : index
      %swap3A_221 = tpu.vector_load %arg21[%swap3A_219, %swap3A_220] {strides = array<i32>} : memref<3x128xi32, #tpu.memory_space<vmem>>, vector<16xi32>,
      tpu.vector_store %arg21[%swap3A_219, %swap3A_220], %add3A_217 {strides = array<i32>} : memref<3x128xi32, #tpu.memory_space<vmem>>, vector<16xi32>,
      %add3A_222 = arith.constant 11 : i32
      %add3A_223 = vector.broadcast %add3A_222 : i32 to vector<16xi32>
      %add3A_224 = arith.addi %mul3A_34, %add3A_223 : vector<16xi32>
      %swap3A_225 = arith.constant 2 : i32
      %swap3A_226 = arith.index_cast %swap3A_225 : i32 to index
      %swap3A_227 = arith.constant 96 : index
      %swap3A_228 = tpu.vector_load %arg21[%swap3A_226, %swap3A_227] {strides = array<i32>} : memref<3x128xi32, #tpu.memory_space<vmem>>, vector<16xi32>,
      tpu.vector_store %arg21[%swap3A_226, %swap3A_227], %add3A_224 {strides = array<i32>} : memref<3x128xi32, #tpu.memory_space<vmem>>, vector<16xi32>,
      %add3A_229 = arith.constant 12 : i32
      %add3A_230 = vector.broadcast %add3A_229 : i32 to vector<16xi32>
      %add3A_231 = arith.addi %mul3A_34, %add3A_230 : vector<16xi32>
      %swap3A_232 = arith.constant 0 : i32
      %swap3A_233 = arith.index_cast %swap3A_232 : i32 to index
      %swap3A_234 = arith.constant 0 : index
      %swap3A_235 = tpu.vector_load %arg22[%swap3A_233, %swap3A_234] {strides = array<i32>} : memref<1x32xi32, #tpu.memory_space<vmem>>, vector<16xi32>,
      tpu.vector_store %arg22[%swap3A_233, %swap3A_234], %add3A_231 {strides = array<i32>} : memref<1x32xi32, #tpu.memory_space<vmem>>, vector<16xi32>,
      %add3A_236 = arith.constant 16 : i32
      %add3A_237 = vector.broadcast %add3A_236 : i32 to vector<16xi32>
      %add3A_238 = arith.addi %add3A_237, %iota3A : vector<16xi32>
      %add3A_239 = vector.broadcast %add3A_10 : i32 to vector<16xi32>
      %add3A_240 = arith.addi %add3A_239, %add3A_238 : vector<16xi32>
      %mul3A_241 = arith.constant 13 : i32
      %mul3A_242 = vector.broadcast %mul3A_241 : i32 to vector<16xi32>
      %mul3A_243 = arith.muli %add3A_240, %mul3A_242 : vector<16xi32>
      %mul3A_244 = arith.constant 8 : i32
      %mul3A_245 = vector.broadcast %mul3A_244 : i32 to vector<16xi32>
      %mul3A_246 = arith.muli %add3A_238, %mul3A_245 : vector<16xi32>
      %add3A_247 = arith.constant 0 : i32
      %add3A_248 = vector.broadcast %add3A_247 : i32 to vector<16xi32>
      %add3A_249 = arith.addi %mul3A_246, %add3A_248 : vector<16xi32>
      %gather3A_250 = tpu.vector_load_idx %arg9[%add3A_249] : memref<256xi32, #tpu.memory_space<vmem>>[vector<16xi32>], vector<16xi32>,
      %add3A_251 = arith.constant 0 : i32
      %add3A_252 = vector.broadcast %add3A_251 : i32 to vector<16xi32>
      %add3A_253 = arith.addi %gather3A_250, %add3A_252 : vector<16xi32>
      %swap3A_254 = arith.constant 0 : i32
      %swap3A_255 = arith.index_cast %swap3A_254 : i32 to index
      %swap3A_256 = arith.constant 16 : index
      %swap3A_257 = tpu.vector_load %arg12[%swap3A_255, %swap3A_256] {strides = array<i32>} : memref<8x32xi32, #tpu.memory_space<vmem>>, vector<16xi32>,
      tpu.vector_store %arg12[%swap3A_255, %swap3A_256], %add3A_253 {strides = array<i32>} : memref<8x32xi32, #tpu.memory_space<vmem>>, vector<16xi32>,
      %add3A_258 = arith.constant 0 : i32
      %add3A_259 = vector.broadcast %add3A_258 : i32 to vector<16xi32>
      %add3A_260 = arith.addi %mul3A_243, %add3A_259 : vector<16xi32>
      %swap3A_261 = arith.constant 0 : i32
      %swap3A_262 = arith.index_cast %swap3A_261 : i32 to index
      %swap3A_263 = arith.constant 16 : index
      %swap3A_264 = tpu.vector_load %arg21[%swap3A_262, %swap3A_263] {strides = array<i32>} : memref<3x128xi32, #tpu.memory_space<vmem>>, vector<16xi32>,
      tpu.vector_store %arg21[%swap3A_262, %swap3A_263], %add3A_260 {strides = array<i32>} : memref<3x128xi32, #tpu.memory_space<vmem>>, vector<16xi32>,
      %mul3A_265 = arith.constant 8 : i32
      %mul3A_266 = vector.broadcast %mul3A_265 : i32 to vector<16xi32>
      %mul3A_267 = arith.muli %add3A_238, %mul3A_266 : vector<16xi32>
      %add3A_268 = arith.constant 1 : i32
      %add3A_269 = vector.broadcast %add3A_268 : i32 to vector<16xi32>
      %add3A_270 = arith.addi %mul3A_267, %add3A_269 : vector<16xi32>
      %gather3A_271 = tpu.vector_load_idx %arg9[%add3A_270] : memref<256xi32, #tpu.memory_space<vmem>>[vector<16xi32>], vector<16xi32>,
      %add3A_272 = arith.constant 100000 : i32
      %add3A_273 = vector.broadcast %add3A_272 : i32 to vector<16xi32>
      %add3A_274 = arith.addi %gather3A_271, %add3A_273 : vector<16xi32>
      %swap3A_275 = arith.constant 1 : i32
      %swap3A_276 = arith.index_cast %swap3A_275 : i32 to index
      %swap3A_277 = arith.constant 16 : index
      %swap3A_278 = tpu.vector_load %arg12[%swap3A_276, %swap3A_277] {strides = array<i32>} : memref<8x32xi32, #tpu.memory_space<vmem>>, vector<16xi32>,
      tpu.vector_store %arg12[%swap3A_276, %swap3A_277], %add3A_274 {strides = array<i32>} : memref<8x32xi32, #tpu.memory_space<vmem>>, vector<16xi32>,
      %add3A_279 = arith.constant 1 : i32
      %add3A_280 = vector.broadcast %add3A_279 : i32 to vector<16xi32>
      %add3A_281 = arith.addi %mul3A_243, %add3A_280 : vector<16xi32>
      %swap3A_282 = arith.constant 0 : i32
      %swap3A_283 = arith.index_cast %swap3A_282 : i32 to index
      %swap3A_284 = arith.constant 48 : index
      %swap3A_285 = tpu.vector_load %arg21[%swap3A_283, %swap3A_284] {strides = array<i32>} : memref<3x128xi32, #tpu.memory_space<vmem>>, vector<16xi32>,
      tpu.vector_store %arg21[%swap3A_283, %swap3A_284], %add3A_281 {strides = array<i32>} : memref<3x128xi32, #tpu.memory_space<vmem>>, vector<16xi32>,
      %mul3A_286 = arith.constant 8 : i32
      %mul3A_287 = vector.broadcast %mul3A_286 : i32 to vector<16xi32>
      %mul3A_288 = arith.muli %add3A_238, %mul3A_287 : vector<16xi32>
      %add3A_289 = arith.constant 2 : i32
      %add3A_290 = vector.broadcast %add3A_289 : i32 to vector<16xi32>
      %add3A_291 = arith.addi %mul3A_288, %add3A_290 : vector<16xi32>
      %gather3A_292 = tpu.vector_load_idx %arg9[%add3A_291] : memref<256xi32, #tpu.memory_space<vmem>>[vector<16xi32>], vector<16xi32>,
      %add3A_293 = arith.constant 200000 : i32
      %add3A_294 = vector.broadcast %add3A_293 : i32 to vector<16xi32>
      %add3A_295 = arith.addi %gather3A_292, %add3A_294 : vector<16xi32>
      %swap3A_296 = arith.constant 2 : i32
      %swap3A_297 = arith.index_cast %swap3A_296 : i32 to index
      %swap3A_298 = arith.constant 16 : index
      %swap3A_299 = tpu.vector_load %arg12[%swap3A_297, %swap3A_298] {strides = array<i32>} : memref<8x32xi32, #tpu.memory_space<vmem>>, vector<16xi32>,
      tpu.vector_store %arg12[%swap3A_297, %swap3A_298], %add3A_295 {strides = array<i32>} : memref<8x32xi32, #tpu.memory_space<vmem>>, vector<16xi32>,
      %add3A_300 = arith.constant 2 : i32
      %add3A_301 = vector.broadcast %add3A_300 : i32 to vector<16xi32>
      %add3A_302 = arith.addi %mul3A_243, %add3A_301 : vector<16xi32>
      %swap3A_303 = arith.constant 0 : i32
      %swap3A_304 = arith.index_cast %swap3A_303 : i32 to index
      %swap3A_305 = arith.constant 80 : index
      %swap3A_306 = tpu.vector_load %arg21[%swap3A_304, %swap3A_305] {strides = array<i32>} : memref<3x128xi32, #tpu.memory_space<vmem>>, vector<16xi32>,
      tpu.vector_store %arg21[%swap3A_304, %swap3A_305], %add3A_302 {strides = array<i32>} : memref<3x128xi32, #tpu.memory_space<vmem>>, vector<16xi32>,
      %mul3A_307 = arith.constant 8 : i32
      %mul3A_308 = vector.broadcast %mul3A_307 : i32 to vector<16xi32>
      %mul3A_309 = arith.muli %add3A_238, %mul3A_308 : vector<16xi32>
      %add3A_310 = arith.constant 3 : i32
      %add3A_311 = vector.broadcast %add3A_310 : i32 to vector<16xi32>
      %add3A_312 = arith.addi %mul3A_309, %add3A_311 : vector<16xi32>
      %gather3A_313 = tpu.vector_load_idx %arg9[%add3A_312] : memref<256xi32, #tpu.memory_space<vmem>>[vector<16xi32>], vector<16xi32>,
      %add3A_314 = arith.constant 300000 : i32
      %add3A_315 = vector.broadcast %add3A_314 : i32 to vector<16xi32>
      %add3A_316 = arith.addi %gather3A_313, %add3A_315 : vector<16xi32>
      %swap3A_317 = arith.constant 3 : i32
      %swap3A_318 = arith.index_cast %swap3A_317 : i32 to index
      %swap3A_319 = arith.constant 16 : index
      %swap3A_320 = tpu.vector_load %arg12[%swap3A_318, %swap3A_319] {strides = array<i32>} : memref<8x32xi32, #tpu.memory_space<vmem>>, vector<16xi32>,
      tpu.vector_store %arg12[%swap3A_318, %swap3A_319], %add3A_316 {strides = array<i32>} : memref<8x32xi32, #tpu.memory_space<vmem>>, vector<16xi32>,
      %add3A_321 = arith.constant 3 : i32
      %add3A_322 = vector.broadcast %add3A_321 : i32 to vector<16xi32>
      %add3A_323 = arith.addi %mul3A_243, %add3A_322 : vector<16xi32>
      %swap3A_324 = arith.constant 0 : i32
      %swap3A_325 = arith.index_cast %swap3A_324 : i32 to index
      %swap3A_326 = arith.constant 112 : index
      %swap3A_327 = tpu.vector_load %arg21[%swap3A_325, %swap3A_326] {strides = array<i32>} : memref<3x128xi32, #tpu.memory_space<vmem>>, vector<16xi32>,
      tpu.vector_store %arg21[%swap3A_325, %swap3A_326], %add3A_323 {strides = array<i32>} : memref<3x128xi32, #tpu.memory_space<vmem>>, vector<16xi32>,
      %mul3A_328 = arith.constant 8 : i32
      %mul3A_329 = vector.broadcast %mul3A_328 : i32 to vector<16xi32>
      %mul3A_330 = arith.muli %add3A_238, %mul3A_329 : vector<16xi32>
      %add3A_331 = arith.constant 4 : i32
      %add3A_332 = vector.broadcast %add3A_331 : i32 to vector<16xi32>
      %add3A_333 = arith.addi %mul3A_330, %add3A_332 : vector<16xi32>
      %gather3A_334 = tpu.vector_load_idx %arg9[%add3A_333] : memref<256xi32, #tpu.memory_space<vmem>>[vector<16xi32>], vector<16xi32>,
      %add3A_335 = arith.constant 400000 : i32
      %add3A_336 = vector.broadcast %add3A_335 : i32 to vector<16xi32>
      %add3A_337 = arith.addi %gather3A_334, %add3A_336 : vector<16xi32>
      %swap3A_338 = arith.constant 4 : i32
      %swap3A_339 = arith.index_cast %swap3A_338 : i32 to index
      %swap3A_340 = arith.constant 16 : index
      %swap3A_341 = tpu.vector_load %arg12[%swap3A_339, %swap3A_340] {strides = array<i32>} : memref<8x32xi32, #tpu.memory_space<vmem>>, vector<16xi32>,
      tpu.vector_store %arg12[%swap3A_339, %swap3A_340], %add3A_337 {strides = array<i32>} : memref<8x32xi32, #tpu.memory_space<vmem>>, vector<16xi32>,
      %add3A_342 = arith.constant 4 : i32
      %add3A_343 = vector.broadcast %add3A_342 : i32 to vector<16xi32>
      %add3A_344 = arith.addi %mul3A_243, %add3A_343 : vector<16xi32>
      %swap3A_345 = arith.constant 1 : i32
      %swap3A_346 = arith.index_cast %swap3A_345 : i32 to index
      %swap3A_347 = arith.constant 16 : index
      %swap3A_348 = tpu.vector_load %arg21[%swap3A_346, %swap3A_347] {strides = array<i32>} : memref<3x128xi32, #tpu.memory_space<vmem>>, vector<16xi32>,
      tpu.vector_store %arg21[%swap3A_346, %swap3A_347], %add3A_344 {strides = array<i32>} : memref<3x128xi32, #tpu.memory_space<vmem>>, vector<16xi32>,
      %mul3A_349 = arith.constant 8 : i32
      %mul3A_350 = vector.broadcast %mul3A_349 : i32 to vector<16xi32>
      %mul3A_351 = arith.muli %add3A_238, %mul3A_350 : vector<16xi32>
      %add3A_352 = arith.constant 5 : i32
      %add3A_353 = vector.broadcast %add3A_352 : i32 to vector<16xi32>
      %add3A_354 = arith.addi %mul3A_351, %add3A_353 : vector<16xi32>
      %gather3A_355 = tpu.vector_load_idx %arg9[%add3A_354] : memref<256xi32, #tpu.memory_space<vmem>>[vector<16xi32>], vector<16xi32>,
      %add3A_356 = arith.constant 500000 : i32
      %add3A_357 = vector.broadcast %add3A_356 : i32 to vector<16xi32>
      %add3A_358 = arith.addi %gather3A_355, %add3A_357 : vector<16xi32>
      %swap3A_359 = arith.constant 5 : i32
      %swap3A_360 = arith.index_cast %swap3A_359 : i32 to index
      %swap3A_361 = arith.constant 16 : index
      %swap3A_362 = tpu.vector_load %arg12[%swap3A_360, %swap3A_361] {strides = array<i32>} : memref<8x32xi32, #tpu.memory_space<vmem>>, vector<16xi32>,
      tpu.vector_store %arg12[%swap3A_360, %swap3A_361], %add3A_358 {strides = array<i32>} : memref<8x32xi32, #tpu.memory_space<vmem>>, vector<16xi32>,
      %add3A_363 = arith.constant 5 : i32
      %add3A_364 = vector.broadcast %add3A_363 : i32 to vector<16xi32>
      %add3A_365 = arith.addi %mul3A_243, %add3A_364 : vector<16xi32>
      %swap3A_366 = arith.constant 1 : i32
      %swap3A_367 = arith.index_cast %swap3A_366 : i32 to index
      %swap3A_368 = arith.constant 48 : index
      %swap3A_369 = tpu.vector_load %arg21[%swap3A_367, %swap3A_368] {strides = array<i32>} : memref<3x128xi32, #tpu.memory_space<vmem>>, vector<16xi32>,
      tpu.vector_store %arg21[%swap3A_367, %swap3A_368], %add3A_365 {strides = array<i32>} : memref<3x128xi32, #tpu.memory_space<vmem>>, vector<16xi32>,
      %mul3A_370 = arith.constant 8 : i32
      %mul3A_371 = vector.broadcast %mul3A_370 : i32 to vector<16xi32>
      %mul3A_372 = arith.muli %add3A_238, %mul3A_371 : vector<16xi32>
      %add3A_373 = arith.constant 6 : i32
      %add3A_374 = vector.broadcast %add3A_373 : i32 to vector<16xi32>
      %add3A_375 = arith.addi %mul3A_372, %add3A_374 : vector<16xi32>
      %gather3A_376 = tpu.vector_load_idx %arg9[%add3A_375] : memref<256xi32, #tpu.memory_space<vmem>>[vector<16xi32>], vector<16xi32>,
      %add3A_377 = arith.constant 600000 : i32
      %add3A_378 = vector.broadcast %add3A_377 : i32 to vector<16xi32>
      %add3A_379 = arith.addi %gather3A_376, %add3A_378 : vector<16xi32>
      %swap3A_380 = arith.constant 6 : i32
      %swap3A_381 = arith.index_cast %swap3A_380 : i32 to index
      %swap3A_382 = arith.constant 16 : index
      %swap3A_383 = tpu.vector_load %arg12[%swap3A_381, %swap3A_382] {strides = array<i32>} : memref<8x32xi32, #tpu.memory_space<vmem>>, vector<16xi32>,
      tpu.vector_store %arg12[%swap3A_381, %swap3A_382], %add3A_379 {strides = array<i32>} : memref<8x32xi32, #tpu.memory_space<vmem>>, vector<16xi32>,
      %add3A_384 = arith.constant 6 : i32
      %add3A_385 = vector.broadcast %add3A_384 : i32 to vector<16xi32>
      %add3A_386 = arith.addi %mul3A_243, %add3A_385 : vector<16xi32>
      %swap3A_387 = arith.constant 1 : i32
      %swap3A_388 = arith.index_cast %swap3A_387 : i32 to index
      %swap3A_389 = arith.constant 80 : index
      %swap3A_390 = tpu.vector_load %arg21[%swap3A_388, %swap3A_389] {strides = array<i32>} : memref<3x128xi32, #tpu.memory_space<vmem>>, vector<16xi32>,
      tpu.vector_store %arg21[%swap3A_388, %swap3A_389], %add3A_386 {strides = array<i32>} : memref<3x128xi32, #tpu.memory_space<vmem>>, vector<16xi32>,
      %mul3A_391 = arith.constant 8 : i32
      %mul3A_392 = vector.broadcast %mul3A_391 : i32 to vector<16xi32>
      %mul3A_393 = arith.muli %add3A_238, %mul3A_392 : vector<16xi32>
      %add3A_394 = arith.constant 7 : i32
      %add3A_395 = vector.broadcast %add3A_394 : i32 to vector<16xi32>
      %add3A_396 = arith.addi %mul3A_393, %add3A_395 : vector<16xi32>
      %gather3A_397 = tpu.vector_load_idx %arg9[%add3A_396] : memref<256xi32, #tpu.memory_space<vmem>>[vector<16xi32>], vector<16xi32>,
      %add3A_398 = arith.constant 700000 : i32
      %add3A_399 = vector.broadcast %add3A_398 : i32 to vector<16xi32>
      %add3A_400 = arith.addi %gather3A_397, %add3A_399 : vector<16xi32>
      %swap3A_401 = arith.constant 7 : i32
      %swap3A_402 = arith.index_cast %swap3A_401 : i32 to index
      %swap3A_403 = arith.constant 16 : index
      %swap3A_404 = tpu.vector_load %arg12[%swap3A_402, %swap3A_403] {strides = array<i32>} : memref<8x32xi32, #tpu.memory_space<vmem>>, vector<16xi32>,
      tpu.vector_store %arg12[%swap3A_402, %swap3A_403], %add3A_400 {strides = array<i32>} : memref<8x32xi32, #tpu.memory_space<vmem>>, vector<16xi32>,
      %add3A_405 = arith.constant 7 : i32
      %add3A_406 = vector.broadcast %add3A_405 : i32 to vector<16xi32>
      %add3A_407 = arith.addi %mul3A_243, %add3A_406 : vector<16xi32>
      %swap3A_408 = arith.constant 1 : i32
      %swap3A_409 = arith.index_cast %swap3A_408 : i32 to index
      %swap3A_410 = arith.constant 112 : index
      %swap3A_411 = tpu.vector_load %arg21[%swap3A_409, %swap3A_410] {strides = array<i32>} : memref<3x128xi32, #tpu.memory_space<vmem>>, vector<16xi32>,
      tpu.vector_store %arg21[%swap3A_409, %swap3A_410], %add3A_407 {strides = array<i32>} : memref<3x128xi32, #tpu.memory_space<vmem>>, vector<16xi32>,
      %add3A_412 = arith.constant 8 : i32
      %add3A_413 = vector.broadcast %add3A_412 : i32 to vector<16xi32>
      %add3A_414 = arith.addi %mul3A_243, %add3A_413 : vector<16xi32>
      %swap3A_415 = arith.constant 2 : i32
      %swap3A_416 = arith.index_cast %swap3A_415 : i32 to index
      %swap3A_417 = arith.constant 16 : index
      %swap3A_418 = tpu.vector_load %arg21[%swap3A_416, %swap3A_417] {strides = array<i32>} : memref<3x128xi32, #tpu.memory_space<vmem>>, vector<16xi32>,
      tpu.vector_store %arg21[%swap3A_416, %swap3A_417], %add3A_414 {strides = array<i32>} : memref<3x128xi32, #tpu.memory_space<vmem>>, vector<16xi32>,
      %add3A_419 = arith.constant 9 : i32
      %add3A_420 = vector.broadcast %add3A_419 : i32 to vector<16xi32>
      %add3A_421 = arith.addi %mul3A_243, %add3A_420 : vector<16xi32>
      %swap3A_422 = arith.constant 2 : i32
      %swap3A_423 = arith.index_cast %swap3A_422 : i32 to index
      %swap3A_424 = arith.constant 48 : index
      %swap3A_425 = tpu.vector_load %arg21[%swap3A_423, %swap3A_424] {strides = array<i32>} : memref<3x128xi32, #tpu.memory_space<vmem>>, vector<16xi32>,
      tpu.vector_store %arg21[%swap3A_423, %swap3A_424], %add3A_421 {strides = array<i32>} : memref<3x128xi32, #tpu.memory_space<vmem>>, vector<16xi32>,
      %add3A_426 = arith.constant 10 : i32
      %add3A_427 = vector.broadcast %add3A_426 : i32 to vector<16xi32>
      %add3A_428 = arith.addi %mul3A_243, %add3A_427 : vector<16xi32>
      %swap3A_429 = arith.constant 2 : i32
      %swap3A_430 = arith.index_cast %swap3A_429 : i32 to index
      %swap3A_431 = arith.constant 80 : index
      %swap3A_432 = tpu.vector_load %arg21[%swap3A_430, %swap3A_431] {strides = array<i32>} : memref<3x128xi32, #tpu.memory_space<vmem>>, vector<16xi32>,
      tpu.vector_store %arg21[%swap3A_430, %swap3A_431], %add3A_428 {strides = array<i32>} : memref<3x128xi32, #tpu.memory_space<vmem>>, vector<16xi32>,
      %add3A_433 = arith.constant 11 : i32
      %add3A_434 = vector.broadcast %add3A_433 : i32 to vector<16xi32>
      %add3A_435 = arith.addi %mul3A_243, %add3A_434 : vector<16xi32>
      %swap3A_436 = arith.constant 2 : i32
      %swap3A_437 = arith.index_cast %swap3A_436 : i32 to index
      %swap3A_438 = arith.constant 112 : index
      %swap3A_439 = tpu.vector_load %arg21[%swap3A_437, %swap3A_438] {strides = array<i32>} : memref<3x128xi32, #tpu.memory_space<vmem>>, vector<16xi32>,
      tpu.vector_store %arg21[%swap3A_437, %swap3A_438], %add3A_435 {strides = array<i32>} : memref<3x128xi32, #tpu.memory_space<vmem>>, vector<16xi32>,
      %add3A_440 = arith.constant 12 : i32
      %add3A_441 = vector.broadcast %add3A_440 : i32 to vector<16xi32>
      %add3A_442 = arith.addi %mul3A_243, %add3A_441 : vector<16xi32>
      %swap3A_443 = arith.constant 0 : i32
      %swap3A_444 = arith.index_cast %swap3A_443 : i32 to index
      %swap3A_445 = arith.constant 16 : index
      %swap3A_446 = tpu.vector_load %arg22[%swap3A_444, %swap3A_445] {strides = array<i32>} : memref<1x32xi32, #tpu.memory_space<vmem>>, vector<16xi32>,
      tpu.vector_store %arg22[%swap3A_444, %swap3A_445], %add3A_442 {strides = array<i32>} : memref<1x32xi32, #tpu.memory_space<vmem>>, vector<16xi32>,
      %add3A_447 = arith.constant 0 : i32
      %add3A_448 = vector.broadcast %add3A_447 : i32 to vector<16xi32>
      %add3A_449 = arith.addi %add3A_448, %iota3A : vector<16xi32>
      %mul3A_450 = arith.constant 20 : i32
      %mul3A_451 = vector.broadcast %mul3A_450 : i32 to vector<16xi32>
      %mul3A_452 = arith.muli %add3A_449, %mul3A_451 : vector<16xi32>
      %broadcast_in_dim3A = arith.constant 0 : i32
      %broadcast_in_dim3A_453 = vector.broadcast %broadcast_in_dim3A : i32 to vector<16xi32>
      %add3A_454 = arith.constant 0 : i32
      %add3A_455 = vector.broadcast %add3A_454 : i32 to vector<16xi32>
      %add3A_456 = arith.addi %mul3A_452, %add3A_455 : vector<16xi32>
      %gather3A_457 = tpu.vector_load_idx %arg10[%add3A_456] : memref<640xi32, #tpu.memory_space<vmem>>[vector<16xi32>], vector<16xi32>,
      %ne3A = arith.constant 0 : i32
      %ne3A_458 = vector.broadcast %ne3A : i32 to vector<16xi32>
      %ne3A_459 = arith.cmpi ne, %gather3A_457, %ne3A_458 : vector<16xi32>
      %jit3A = arith.constant 1 : i32
      %jit3A_460 = arith.constant 0 : i32
      %broadcast_in_dim3A_461 = vector.broadcast %jit3A : i32 to vector<16xi32>
      %broadcast_in_dim3A_462 = vector.broadcast %jit3A_460 : i32 to vector<16xi32>
      %select_n3A = arith.select %ne3A_459, %broadcast_in_dim3A_461, %broadcast_in_dim3A_462 : vector<16xi1>, vector<16xi32>
      %add3A_463 = arith.addi %broadcast_in_dim3A_453, %select_n3A : vector<16xi32>
      %add3A_464 = arith.constant 1 : i32
      %add3A_465 = vector.broadcast %add3A_464 : i32 to vector<16xi32>
      %add3A_466 = arith.addi %mul3A_452, %add3A_465 : vector<16xi32>
      %gather3A_467 = tpu.vector_load_idx %arg10[%add3A_466] : memref<640xi32, #tpu.memory_space<vmem>>[vector<16xi32>], vector<16xi32>,
      %ne3A_468 = arith.constant 0 : i32
      %ne3A_469 = vector.broadcast %ne3A_468 : i32 to vector<16xi32>
      %ne3A_470 = arith.cmpi ne, %gather3A_467, %ne3A_469 : vector<16xi32>
      %jit3A_471 = arith.constant 1 : i32
      %jit3A_472 = arith.constant 0 : i32
      %broadcast_in_dim3A_473 = vector.broadcast %jit3A_471 : i32 to vector<16xi32>
      %broadcast_in_dim3A_474 = vector.broadcast %jit3A_472 : i32 to vector<16xi32>
      %select_n3A_475 = arith.select %ne3A_470, %broadcast_in_dim3A_473, %broadcast_in_dim3A_474 : vector<16xi1>, vector<16xi32>
      %add3A_476 = arith.addi %add3A_463, %select_n3A_475 : vector<16xi32>
      %add3A_477 = arith.constant 2 : i32
      %add3A_478 = vector.broadcast %add3A_477 : i32 to vector<16xi32>
      %add3A_479 = arith.addi %mul3A_452, %add3A_478 : vector<16xi32>
      %gather3A_480 = tpu.vector_load_idx %arg10[%add3A_479] : memref<640xi32, #tpu.memory_space<vmem>>[vector<16xi32>], vector<16xi32>,
      %ne3A_481 = arith.constant 0 : i32
      %ne3A_482 = vector.broadcast %ne3A_481 : i32 to vector<16xi32>
      %ne3A_483 = arith.cmpi ne, %gather3A_480, %ne3A_482 : vector<16xi32>
      %jit3A_484 = arith.constant 1 : i32
      %jit3A_485 = arith.constant 0 : i32
      %broadcast_in_dim3A_486 = vector.broadcast %jit3A_484 : i32 to vector<16xi32>
      %broadcast_in_dim3A_487 = vector.broadcast %jit3A_485 : i32 to vector<16xi32>
      %select_n3A_488 = arith.select %ne3A_483, %broadcast_in_dim3A_486, %broadcast_in_dim3A_487 : vector<16xi1>, vector<16xi32>
      %add3A_489 = arith.addi %add3A_476, %select_n3A_488 : vector<16xi32>
      %add3A_490 = arith.constant 3 : i32
      %add3A_491 = vector.broadcast %add3A_490 : i32 to vector<16xi32>
      %add3A_492 = arith.addi %mul3A_452, %add3A_491 : vector<16xi32>
      %gather3A_493 = tpu.vector_load_idx %arg10[%add3A_492] : memref<640xi32, #tpu.memory_space<vmem>>[vector<16xi32>], vector<16xi32>,
      %ne3A_494 = arith.constant 0 : i32
      %ne3A_495 = vector.broadcast %ne3A_494 : i32 to vector<16xi32>
      %ne3A_496 = arith.cmpi ne, %gather3A_493, %ne3A_495 : vector<16xi32>
      %jit3A_497 = arith.constant 1 : i32
      %jit3A_498 = arith.constant 0 : i32
      %broadcast_in_dim3A_499 = vector.broadcast %jit3A_497 : i32 to vector<16xi32>
      %broadcast_in_dim3A_500 = vector.broadcast %jit3A_498 : i32 to vector<16xi32>
      %select_n3A_501 = arith.select %ne3A_496, %broadcast_in_dim3A_499, %broadcast_in_dim3A_500 : vector<16xi1>, vector<16xi32>
      %add3A_502 = arith.addi %add3A_489, %select_n3A_501 : vector<16xi32>
      %add3A_503 = arith.constant 4 : i32
      %add3A_504 = vector.broadcast %add3A_503 : i32 to vector<16xi32>
      %add3A_505 = arith.addi %mul3A_452, %add3A_504 : vector<16xi32>
      %gather3A_506 = tpu.vector_load_idx %arg10[%add3A_505] : memref<640xi32, #tpu.memory_space<vmem>>[vector<16xi32>], vector<16xi32>,
      %ne3A_507 = arith.constant 0 : i32
      %ne3A_508 = vector.broadcast %ne3A_507 : i32 to vector<16xi32>
      %ne3A_509 = arith.cmpi ne, %gather3A_506, %ne3A_508 : vector<16xi32>
      %jit3A_510 = arith.constant 1 : i32
      %jit3A_511 = arith.constant 0 : i32
      %broadcast_in_dim3A_512 = vector.broadcast %jit3A_510 : i32 to vector<16xi32>
      %broadcast_in_dim3A_513 = vector.broadcast %jit3A_511 : i32 to vector<16xi32>
      %select_n3A_514 = arith.select %ne3A_509, %broadcast_in_dim3A_512, %broadcast_in_dim3A_513 : vector<16xi1>, vector<16xi32>
      %add3A_515 = arith.addi %add3A_502, %select_n3A_514 : vector<16xi32>
      %add3A_516 = arith.constant 5 : i32
      %add3A_517 = vector.broadcast %add3A_516 : i32 to vector<16xi32>
      %add3A_518 = arith.addi %mul3A_452, %add3A_517 : vector<16xi32>
      %gather3A_519 = tpu.vector_load_idx %arg10[%add3A_518] : memref<640xi32, #tpu.memory_space<vmem>>[vector<16xi32>], vector<16xi32>,
      %ne3A_520 = arith.constant 0 : i32
      %ne3A_521 = vector.broadcast %ne3A_520 : i32 to vector<16xi32>
      %ne3A_522 = arith.cmpi ne, %gather3A_519, %ne3A_521 : vector<16xi32>
      %jit3A_523 = arith.constant 1 : i32
      %jit3A_524 = arith.constant 0 : i32
      %broadcast_in_dim3A_525 = vector.broadcast %jit3A_523 : i32 to vector<16xi32>
      %broadcast_in_dim3A_526 = vector.broadcast %jit3A_524 : i32 to vector<16xi32>
      %select_n3A_527 = arith.select %ne3A_522, %broadcast_in_dim3A_525, %broadcast_in_dim3A_526 : vector<16xi1>, vector<16xi32>
      %add3A_528 = arith.addi %add3A_515, %select_n3A_527 : vector<16xi32>
      %add3A_529 = arith.constant 6 : i32
      %add3A_530 = vector.broadcast %add3A_529 : i32 to vector<16xi32>
      %add3A_531 = arith.addi %mul3A_452, %add3A_530 : vector<16xi32>
      %gather3A_532 = tpu.vector_load_idx %arg10[%add3A_531] : memref<640xi32, #tpu.memory_space<vmem>>[vector<16xi32>], vector<16xi32>,
      %ne3A_533 = arith.constant 0 : i32
      %ne3A_534 = vector.broadcast %ne3A_533 : i32 to vector<16xi32>
      %ne3A_535 = arith.cmpi ne, %gather3A_532, %ne3A_534 : vector<16xi32>
      %jit3A_536 = arith.constant 1 : i32
      %jit3A_537 = arith.constant 0 : i32
      %broadcast_in_dim3A_538 = vector.broadcast %jit3A_536 : i32 to vector<16xi32>
      %broadcast_in_dim3A_539 = vector.broadcast %jit3A_537 : i32 to vector<16xi32>
      %select_n3A_540 = arith.select %ne3A_535, %broadcast_in_dim3A_538, %broadcast_in_dim3A_539 : vector<16xi1>, vector<16xi32>
      %add3A_541 = arith.addi %add3A_528, %select_n3A_540 : vector<16xi32>
      %add3A_542 = arith.constant 7 : i32
      %add3A_543 = vector.broadcast %add3A_542 : i32 to vector<16xi32>
      %add3A_544 = arith.addi %mul3A_452, %add3A_543 : vector<16xi32>
      %gather3A_545 = tpu.vector_load_idx %arg10[%add3A_544] : memref<640xi32, #tpu.memory_space<vmem>>[vector<16xi32>], vector<16xi32>,
      %ne3A_546 = arith.constant 0 : i32
      %ne3A_547 = vector.broadcast %ne3A_546 : i32 to vector<16xi32>
      %ne3A_548 = arith.cmpi ne, %gather3A_545, %ne3A_547 : vector<16xi32>
      %jit3A_549 = arith.constant 1 : i32
      %jit3A_550 = arith.constant 0 : i32
      %broadcast_in_dim3A_551 = vector.broadcast %jit3A_549 : i32 to vector<16xi32>
      %broadcast_in_dim3A_552 = vector.broadcast %jit3A_550 : i32 to vector<16xi32>
      %select_n3A_553 = arith.select %ne3A_548, %broadcast_in_dim3A_551, %broadcast_in_dim3A_552 : vector<16xi1>, vector<16xi32>
      %add3A_554 = arith.addi %add3A_541, %select_n3A_553 : vector<16xi32>
      %add3A_555 = arith.constant 8 : i32
      %add3A_556 = vector.broadcast %add3A_555 : i32 to vector<16xi32>
      %add3A_557 = arith.addi %mul3A_452, %add3A_556 : vector<16xi32>
      %gather3A_558 = tpu.vector_load_idx %arg10[%add3A_557] : memref<640xi32, #tpu.memory_space<vmem>>[vector<16xi32>], vector<16xi32>,
      %ne3A_559 = arith.constant 0 : i32
      %ne3A_560 = vector.broadcast %ne3A_559 : i32 to vector<16xi32>
      %ne3A_561 = arith.cmpi ne, %gather3A_558, %ne3A_560 : vector<16xi32>
      %jit3A_562 = arith.constant 1 : i32
      %jit3A_563 = arith.constant 0 : i32
      %broadcast_in_dim3A_564 = vector.broadcast %jit3A_562 : i32 to vector<16xi32>
      %broadcast_in_dim3A_565 = vector.broadcast %jit3A_563 : i32 to vector<16xi32>
      %select_n3A_566 = arith.select %ne3A_561, %broadcast_in_dim3A_564, %broadcast_in_dim3A_565 : vector<16xi1>, vector<16xi32>
      %add3A_567 = arith.addi %add3A_554, %select_n3A_566 : vector<16xi32>
      %add3A_568 = arith.constant 9 : i32
      %add3A_569 = vector.broadcast %add3A_568 : i32 to vector<16xi32>
      %add3A_570 = arith.addi %mul3A_452, %add3A_569 : vector<16xi32>
      %gather3A_571 = tpu.vector_load_idx %arg10[%add3A_570] : memref<640xi32, #tpu.memory_space<vmem>>[vector<16xi32>], vector<16xi32>,
      %ne3A_572 = arith.constant 0 : i32
      %ne3A_573 = vector.broadcast %ne3A_572 : i32 to vector<16xi32>
      %ne3A_574 = arith.cmpi ne, %gather3A_571, %ne3A_573 : vector<16xi32>
      %jit3A_575 = arith.constant 1 : i32
      %jit3A_576 = arith.constant 0 : i32
      %broadcast_in_dim3A_577 = vector.broadcast %jit3A_575 : i32 to vector<16xi32>
      %broadcast_in_dim3A_578 = vector.broadcast %jit3A_576 : i32 to vector<16xi32>
      %select_n3A_579 = arith.select %ne3A_574, %broadcast_in_dim3A_577, %broadcast_in_dim3A_578 : vector<16xi1>, vector<16xi32>
      %add3A_580 = arith.addi %add3A_567, %select_n3A_579 : vector<16xi32>
      %add3A_581 = arith.constant 10 : i32
      %add3A_582 = vector.broadcast %add3A_581 : i32 to vector<16xi32>
      %add3A_583 = arith.addi %mul3A_452, %add3A_582 : vector<16xi32>
      %gather3A_584 = tpu.vector_load_idx %arg10[%add3A_583] : memref<640xi32, #tpu.memory_space<vmem>>[vector<16xi32>], vector<16xi32>,
      %ne3A_585 = arith.constant 0 : i32
      %ne3A_586 = vector.broadcast %ne3A_585 : i32 to vector<16xi32>
      %ne3A_587 = arith.cmpi ne, %gather3A_584, %ne3A_586 : vector<16xi32>
      %jit3A_588 = arith.constant 1 : i32
      %jit3A_589 = arith.constant 0 : i32
      %broadcast_in_dim3A_590 = vector.broadcast %jit3A_588 : i32 to vector<16xi32>
      %broadcast_in_dim3A_591 = vector.broadcast %jit3A_589 : i32 to vector<16xi32>
      %select_n3A_592 = arith.select %ne3A_587, %broadcast_in_dim3A_590, %broadcast_in_dim3A_591 : vector<16xi1>, vector<16xi32>
      %add3A_593 = arith.addi %add3A_580, %select_n3A_592 : vector<16xi32>
      %add3A_594 = arith.constant 11 : i32
      %add3A_595 = vector.broadcast %add3A_594 : i32 to vector<16xi32>
      %add3A_596 = arith.addi %mul3A_452, %add3A_595 : vector<16xi32>
      %gather3A_597 = tpu.vector_load_idx %arg10[%add3A_596] : memref<640xi32, #tpu.memory_space<vmem>>[vector<16xi32>], vector<16xi32>,
      %ne3A_598 = arith.constant 0 : i32
      %ne3A_599 = vector.broadcast %ne3A_598 : i32 to vector<16xi32>
      %ne3A_600 = arith.cmpi ne, %gather3A_597, %ne3A_599 : vector<16xi32>
      %jit3A_601 = arith.constant 1 : i32
      %jit3A_602 = arith.constant 0 : i32
      %broadcast_in_dim3A_603 = vector.broadcast %jit3A_601 : i32 to vector<16xi32>
      %broadcast_in_dim3A_604 = vector.broadcast %jit3A_602 : i32 to vector<16xi32>
      %select_n3A_605 = arith.select %ne3A_600, %broadcast_in_dim3A_603, %broadcast_in_dim3A_604 : vector<16xi1>, vector<16xi32>
      %add3A_606 = arith.addi %add3A_593, %select_n3A_605 : vector<16xi32>
      %add3A_607 = arith.constant 12 : i32
      %add3A_608 = vector.broadcast %add3A_607 : i32 to vector<16xi32>
      %add3A_609 = arith.addi %mul3A_452, %add3A_608 : vector<16xi32>
      %gather3A_610 = tpu.vector_load_idx %arg10[%add3A_609] : memref<640xi32, #tpu.memory_space<vmem>>[vector<16xi32>], vector<16xi32>,
      %ne3A_611 = arith.constant 0 : i32
      %ne3A_612 = vector.broadcast %ne3A_611 : i32 to vector<16xi32>
      %ne3A_613 = arith.cmpi ne, %gather3A_610, %ne3A_612 : vector<16xi32>
      %jit3A_614 = arith.constant 1 : i32
      %jit3A_615 = arith.constant 0 : i32
      %broadcast_in_dim3A_616 = vector.broadcast %jit3A_614 : i32 to vector<16xi32>
      %broadcast_in_dim3A_617 = vector.broadcast %jit3A_615 : i32 to vector<16xi32>
      %select_n3A_618 = arith.select %ne3A_613, %broadcast_in_dim3A_616, %broadcast_in_dim3A_617 : vector<16xi1>, vector<16xi32>
      %add3A_619 = arith.addi %add3A_606, %select_n3A_618 : vector<16xi32>
      %add3A_620 = arith.constant 13 : i32
      %add3A_621 = vector.broadcast %add3A_620 : i32 to vector<16xi32>
      %add3A_622 = arith.addi %mul3A_452, %add3A_621 : vector<16xi32>
      %gather3A_623 = tpu.vector_load_idx %arg10[%add3A_622] : memref<640xi32, #tpu.memory_space<vmem>>[vector<16xi32>], vector<16xi32>,
      %ne3A_624 = arith.constant 0 : i32
      %ne3A_625 = vector.broadcast %ne3A_624 : i32 to vector<16xi32>
      %ne3A_626 = arith.cmpi ne, %gather3A_623, %ne3A_625 : vector<16xi32>
      %jit3A_627 = arith.constant 1 : i32
      %jit3A_628 = arith.constant 0 : i32
      %broadcast_in_dim3A_629 = vector.broadcast %jit3A_627 : i32 to vector<16xi32>
      %broadcast_in_dim3A_630 = vector.broadcast %jit3A_628 : i32 to vector<16xi32>
      %select_n3A_631 = arith.select %ne3A_626, %broadcast_in_dim3A_629, %broadcast_in_dim3A_630 : vector<16xi1>, vector<16xi32>
      %add3A_632 = arith.addi %add3A_619, %select_n3A_631 : vector<16xi32>
      %add3A_633 = arith.constant 14 : i32
      %add3A_634 = vector.broadcast %add3A_633 : i32 to vector<16xi32>
      %add3A_635 = arith.addi %mul3A_452, %add3A_634 : vector<16xi32>
      %gather3A_636 = tpu.vector_load_idx %arg10[%add3A_635] : memref<640xi32, #tpu.memory_space<vmem>>[vector<16xi32>], vector<16xi32>,
      %ne3A_637 = arith.constant 0 : i32
      %ne3A_638 = vector.broadcast %ne3A_637 : i32 to vector<16xi32>
      %ne3A_639 = arith.cmpi ne, %gather3A_636, %ne3A_638 : vector<16xi32>
      %jit3A_640 = arith.constant 1 : i32
      %jit3A_641 = arith.constant 0 : i32
      %broadcast_in_dim3A_642 = vector.broadcast %jit3A_640 : i32 to vector<16xi32>
      %broadcast_in_dim3A_643 = vector.broadcast %jit3A_641 : i32 to vector<16xi32>
      %select_n3A_644 = arith.select %ne3A_639, %broadcast_in_dim3A_642, %broadcast_in_dim3A_643 : vector<16xi1>, vector<16xi32>
      %add3A_645 = arith.addi %add3A_632, %select_n3A_644 : vector<16xi32>
      %add3A_646 = arith.constant 15 : i32
      %add3A_647 = vector.broadcast %add3A_646 : i32 to vector<16xi32>
      %add3A_648 = arith.addi %mul3A_452, %add3A_647 : vector<16xi32>
      %gather3A_649 = tpu.vector_load_idx %arg10[%add3A_648] : memref<640xi32, #tpu.memory_space<vmem>>[vector<16xi32>], vector<16xi32>,
      %ne3A_650 = arith.constant 0 : i32
      %ne3A_651 = vector.broadcast %ne3A_650 : i32 to vector<16xi32>
      %ne3A_652 = arith.cmpi ne, %gather3A_649, %ne3A_651 : vector<16xi32>
      %jit3A_653 = arith.constant 1 : i32
      %jit3A_654 = arith.constant 0 : i32
      %broadcast_in_dim3A_655 = vector.broadcast %jit3A_653 : i32 to vector<16xi32>
      %broadcast_in_dim3A_656 = vector.broadcast %jit3A_654 : i32 to vector<16xi32>
      %select_n3A_657 = arith.select %ne3A_652, %broadcast_in_dim3A_655, %broadcast_in_dim3A_656 : vector<16xi1>, vector<16xi32>
      %add3A_658 = arith.addi %add3A_645, %select_n3A_657 : vector<16xi32>
      %add3A_659 = arith.constant 16 : i32
      %add3A_660 = vector.broadcast %add3A_659 : i32 to vector<16xi32>
      %add3A_661 = arith.addi %mul3A_452, %add3A_660 : vector<16xi32>
      %gather3A_662 = tpu.vector_load_idx %arg10[%add3A_661] : memref<640xi32, #tpu.memory_space<vmem>>[vector<16xi32>], vector<16xi32>,
      %ne3A_663 = arith.constant 0 : i32
      %ne3A_664 = vector.broadcast %ne3A_663 : i32 to vector<16xi32>
      %ne3A_665 = arith.cmpi ne, %gather3A_662, %ne3A_664 : vector<16xi32>
      %jit3A_666 = arith.constant 1 : i32
      %jit3A_667 = arith.constant 0 : i32
      %broadcast_in_dim3A_668 = vector.broadcast %jit3A_666 : i32 to vector<16xi32>
      %broadcast_in_dim3A_669 = vector.broadcast %jit3A_667 : i32 to vector<16xi32>
      %select_n3A_670 = arith.select %ne3A_665, %broadcast_in_dim3A_668, %broadcast_in_dim3A_669 : vector<16xi1>, vector<16xi32>
      %add3A_671 = arith.addi %add3A_658, %select_n3A_670 : vector<16xi32>
      %add3A_672 = arith.constant 17 : i32
      %add3A_673 = vector.broadcast %add3A_672 : i32 to vector<16xi32>
      %add3A_674 = arith.addi %mul3A_452, %add3A_673 : vector<16xi32>
      %gather3A_675 = tpu.vector_load_idx %arg10[%add3A_674] : memref<640xi32, #tpu.memory_space<vmem>>[vector<16xi32>], vector<16xi32>,
      %ne3A_676 = arith.constant 0 : i32
      %ne3A_677 = vector.broadcast %ne3A_676 : i32 to vector<16xi32>
      %ne3A_678 = arith.cmpi ne, %gather3A_675, %ne3A_677 : vector<16xi32>
      %jit3A_679 = arith.constant 1 : i32
      %jit3A_680 = arith.constant 0 : i32
      %broadcast_in_dim3A_681 = vector.broadcast %jit3A_679 : i32 to vector<16xi32>
      %broadcast_in_dim3A_682 = vector.broadcast %jit3A_680 : i32 to vector<16xi32>
      %select_n3A_683 = arith.select %ne3A_678, %broadcast_in_dim3A_681, %broadcast_in_dim3A_682 : vector<16xi1>, vector<16xi32>
      %add3A_684 = arith.addi %add3A_671, %select_n3A_683 : vector<16xi32>
      %add3A_685 = arith.constant 18 : i32
      %add3A_686 = vector.broadcast %add3A_685 : i32 to vector<16xi32>
      %add3A_687 = arith.addi %mul3A_452, %add3A_686 : vector<16xi32>
      %gather3A_688 = tpu.vector_load_idx %arg10[%add3A_687] : memref<640xi32, #tpu.memory_space<vmem>>[vector<16xi32>], vector<16xi32>,
      %ne3A_689 = arith.constant 0 : i32
      %ne3A_690 = vector.broadcast %ne3A_689 : i32 to vector<16xi32>
      %ne3A_691 = arith.cmpi ne, %gather3A_688, %ne3A_690 : vector<16xi32>
      %jit3A_692 = arith.constant 1 : i32
      %jit3A_693 = arith.constant 0 : i32
      %broadcast_in_dim3A_694 = vector.broadcast %jit3A_692 : i32 to vector<16xi32>
      %broadcast_in_dim3A_695 = vector.broadcast %jit3A_693 : i32 to vector<16xi32>
      %select_n3A_696 = arith.select %ne3A_691, %broadcast_in_dim3A_694, %broadcast_in_dim3A_695 : vector<16xi1>, vector<16xi32>
      %add3A_697 = arith.addi %add3A_684, %select_n3A_696 : vector<16xi32>
      %add3A_698 = arith.constant 19 : i32
      %add3A_699 = vector.broadcast %add3A_698 : i32 to vector<16xi32>
      %add3A_700 = arith.addi %mul3A_452, %add3A_699 : vector<16xi32>
      %gather3A_701 = tpu.vector_load_idx %arg10[%add3A_700] : memref<640xi32, #tpu.memory_space<vmem>>[vector<16xi32>], vector<16xi32>,
      %ne3A_702 = arith.constant 0 : i32
      %ne3A_703 = vector.broadcast %ne3A_702 : i32 to vector<16xi32>
      %ne3A_704 = arith.cmpi ne, %gather3A_701, %ne3A_703 : vector<16xi32>
      %jit3A_705 = arith.constant 1 : i32
      %jit3A_706 = arith.constant 0 : i32
      %broadcast_in_dim3A_707 = vector.broadcast %jit3A_705 : i32 to vector<16xi32>
      %broadcast_in_dim3A_708 = vector.broadcast %jit3A_706 : i32 to vector<16xi32>
      %select_n3A_709 = arith.select %ne3A_704, %broadcast_in_dim3A_707, %broadcast_in_dim3A_708 : vector<16xi1>, vector<16xi32>
      %add3A_710 = arith.addi %add3A_697, %select_n3A_709 : vector<16xi32>
      %convert_element_type3A = arith.sitofp %add3A_710 : vector<16xi32> to vector<16xf32>
      %gt3A = arith.constant 0 : i32
      %gt3A_711 = vector.broadcast %gt3A : i32 to vector<16xi32>
      %gt3A_712 = arith.cmpi sgt, %add3A_710, %gt3A_711 : vector<16xi32>
      %add3A_713 = arith.constant 9.99999993E-9 : f32
      %add3A_714 = vector.broadcast %add3A_713 : f32 to vector<16xf32>
      %add3A_715 = arith.addf %convert_element_type3A, %add3A_714 : vector<16xf32>
      %div3A = arith.constant 1.000000e+00 : f32
      %div3A_716 = vector.broadcast %div3A : f32 to vector<16xf32>
      %div3A_717 = arith.divf %div3A_716, %add3A_715 : vector<16xf32>
      %jit3A_718 = arith.constant 0.000000e+00 : f32
      %broadcast_in_dim3A_719 = vector.broadcast %jit3A_718 : f32 to vector<16xf32>
      %select_n3A_720 = arith.select %gt3A_712, %div3A_717, %broadcast_in_dim3A_719 : vector<16xi1>, vector<16xf32>
      %swap3A_721 = arith.constant 0 : index
      %swap3A_722 = tpu.vector_load %arg17[%swap3A_721] {strides = array<i32>} : memref<32xf32, #tpu.memory_space<vmem>>, vector<16xf32>,
      tpu.vector_store %arg17[%swap3A_721], %select_n3A_720 {strides = array<i32>} : memref<32xf32, #tpu.memory_space<vmem>>, vector<16xf32>,
      %sub3A = arith.constant 2.000000e+01 : f32
      %sub3A_723 = vector.broadcast %sub3A : f32 to vector<16xf32>
      %sub3A_724 = arith.subf %sub3A_723, %convert_element_type3A : vector<16xf32>
      %swap3A_725 = arith.constant 0 : index
      %swap3A_726 = tpu.vector_load %arg18[%swap3A_725] {strides = array<i32>} : memref<32xf32, #tpu.memory_space<vmem>>, vector<16xf32>,
      tpu.vector_store %arg18[%swap3A_725], %sub3A_724 {strides = array<i32>} : memref<32xf32, #tpu.memory_space<vmem>>, vector<16xf32>,
      %add3A_727 = arith.constant 16 : i32
      %add3A_728 = vector.broadcast %add3A_727 : i32 to vector<16xi32>
      %add3A_729 = arith.addi %add3A_728, %iota3A : vector<16xi32>
      %mul3A_730 = arith.constant 20 : i32
      %mul3A_731 = vector.broadcast %mul3A_730 : i32 to vector<16xi32>
      %mul3A_732 = arith.muli %add3A_729, %mul3A_731 : vector<16xi32>
      %broadcast_in_dim3A_733 = arith.constant 0 : i32
      %broadcast_in_dim3A_734 = vector.broadcast %broadcast_in_dim3A_733 : i32 to vector<16xi32>
      %add3A_735 = arith.constant 0 : i32
      %add3A_736 = vector.broadcast %add3A_735 : i32 to vector<16xi32>
      %add3A_737 = arith.addi %mul3A_732, %add3A_736 : vector<16xi32>
      %gather3A_738 = tpu.vector_load_idx %arg10[%add3A_737] : memref<640xi32, #tpu.memory_space<vmem>>[vector<16xi32>], vector<16xi32>,
      %ne3A_739 = arith.constant 0 : i32
      %ne3A_740 = vector.broadcast %ne3A_739 : i32 to vector<16xi32>
      %ne3A_741 = arith.cmpi ne, %gather3A_738, %ne3A_740 : vector<16xi32>
      %jit3A_742 = arith.constant 1 : i32
      %jit3A_743 = arith.constant 0 : i32
      %broadcast_in_dim3A_744 = vector.broadcast %jit3A_742 : i32 to vector<16xi32>
      %broadcast_in_dim3A_745 = vector.broadcast %jit3A_743 : i32 to vector<16xi32>
      %select_n3A_746 = arith.select %ne3A_741, %broadcast_in_dim3A_744, %broadcast_in_dim3A_745 : vector<16xi1>, vector<16xi32>
      %add3A_747 = arith.addi %broadcast_in_dim3A_734, %select_n3A_746 : vector<16xi32>
      %add3A_748 = arith.constant 1 : i32
      %add3A_749 = vector.broadcast %add3A_748 : i32 to vector<16xi32>
      %add3A_750 = arith.addi %mul3A_732, %add3A_749 : vector<16xi32>
      %gather3A_751 = tpu.vector_load_idx %arg10[%add3A_750] : memref<640xi32, #tpu.memory_space<vmem>>[vector<16xi32>], vector<16xi32>,
      %ne3A_752 = arith.constant 0 : i32
      %ne3A_753 = vector.broadcast %ne3A_752 : i32 to vector<16xi32>
      %ne3A_754 = arith.cmpi ne, %gather3A_751, %ne3A_753 : vector<16xi32>
      %jit3A_755 = arith.constant 1 : i32
      %jit3A_756 = arith.constant 0 : i32
      %broadcast_in_dim3A_757 = vector.broadcast %jit3A_755 : i32 to vector<16xi32>
      %broadcast_in_dim3A_758 = vector.broadcast %jit3A_756 : i32 to vector<16xi32>
      %select_n3A_759 = arith.select %ne3A_754, %broadcast_in_dim3A_757, %broadcast_in_dim3A_758 : vector<16xi1>, vector<16xi32>
      %add3A_760 = arith.addi %add3A_747, %select_n3A_759 : vector<16xi32>
      %add3A_761 = arith.constant 2 : i32
      %add3A_762 = vector.broadcast %add3A_761 : i32 to vector<16xi32>
      %add3A_763 = arith.addi %mul3A_732, %add3A_762 : vector<16xi32>
      %gather3A_764 = tpu.vector_load_idx %arg10[%add3A_763] : memref<640xi32, #tpu.memory_space<vmem>>[vector<16xi32>], vector<16xi32>,
      %ne3A_765 = arith.constant 0 : i32
      %ne3A_766 = vector.broadcast %ne3A_765 : i32 to vector<16xi32>
      %ne3A_767 = arith.cmpi ne, %gather3A_764, %ne3A_766 : vector<16xi32>
      %jit3A_768 = arith.constant 1 : i32
      %jit3A_769 = arith.constant 0 : i32
      %broadcast_in_dim3A_770 = vector.broadcast %jit3A_768 : i32 to vector<16xi32>
      %broadcast_in_dim3A_771 = vector.broadcast %jit3A_769 : i32 to vector<16xi32>
      %select_n3A_772 = arith.select %ne3A_767, %broadcast_in_dim3A_770, %broadcast_in_dim3A_771 : vector<16xi1>, vector<16xi32>
      %add3A_773 = arith.addi %add3A_760, %select_n3A_772 : vector<16xi32>
      %add3A_774 = arith.constant 3 : i32
      %add3A_775 = vector.broadcast %add3A_774 : i32 to vector<16xi32>
      %add3A_776 = arith.addi %mul3A_732, %add3A_775 : vector<16xi32>
      %gather3A_777 = tpu.vector_load_idx %arg10[%add3A_776] : memref<640xi32, #tpu.memory_space<vmem>>[vector<16xi32>], vector<16xi32>,
      %ne3A_778 = arith.constant 0 : i32
      %ne3A_779 = vector.broadcast %ne3A_778 : i32 to vector<16xi32>
      %ne3A_780 = arith.cmpi ne, %gather3A_777, %ne3A_779 : vector<16xi32>
      %jit3A_781 = arith.constant 1 : i32
      %jit3A_782 = arith.constant 0 : i32
      %broadcast_in_dim3A_783 = vector.broadcast %jit3A_781 : i32 to vector<16xi32>
      %broadcast_in_dim3A_784 = vector.broadcast %jit3A_782 : i32 to vector<16xi32>
      %select_n3A_785 = arith.select %ne3A_780, %broadcast_in_dim3A_783, %broadcast_in_dim3A_784 : vector<16xi1>, vector<16xi32>
      %add3A_786 = arith.addi %add3A_773, %select_n3A_785 : vector<16xi32>
      %add3A_787 = arith.constant 4 : i32
      %add3A_788 = vector.broadcast %add3A_787 : i32 to vector<16xi32>
      %add3A_789 = arith.addi %mul3A_732, %add3A_788 : vector<16xi32>
      %gather3A_790 = tpu.vector_load_idx %arg10[%add3A_789] : memref<640xi32, #tpu.memory_space<vmem>>[vector<16xi32>], vector<16xi32>,
      %ne3A_791 = arith.constant 0 : i32
      %ne3A_792 = vector.broadcast %ne3A_791 : i32 to vector<16xi32>
      %ne3A_793 = arith.cmpi ne, %gather3A_790, %ne3A_792 : vector<16xi32>
      %jit3A_794 = arith.constant 1 : i32
      %jit3A_795 = arith.constant 0 : i32
      %broadcast_in_dim3A_796 = vector.broadcast %jit3A_794 : i32 to vector<16xi32>
      %broadcast_in_dim3A_797 = vector.broadcast %jit3A_795 : i32 to vector<16xi32>
      %select_n3A_798 = arith.select %ne3A_793, %broadcast_in_dim3A_796, %broadcast_in_dim3A_797 : vector<16xi1>, vector<16xi32>
      %add3A_799 = arith.addi %add3A_786, %select_n3A_798 : vector<16xi32>
      %add3A_800 = arith.constant 5 : i32
      %add3A_801 = vector.broadcast %add3A_800 : i32 to vector<16xi32>
      %add3A_802 = arith.addi %mul3A_732, %add3A_801 : vector<16xi32>
      %gather3A_803 = tpu.vector_load_idx %arg10[%add3A_802] : memref<640xi32, #tpu.memory_space<vmem>>[vector<16xi32>], vector<16xi32>,
      %ne3A_804 = arith.constant 0 : i32
      %ne3A_805 = vector.broadcast %ne3A_804 : i32 to vector<16xi32>
      %ne3A_806 = arith.cmpi ne, %gather3A_803, %ne3A_805 : vector<16xi32>
      %jit3A_807 = arith.constant 1 : i32
      %jit3A_808 = arith.constant 0 : i32
      %broadcast_in_dim3A_809 = vector.broadcast %jit3A_807 : i32 to vector<16xi32>
      %broadcast_in_dim3A_810 = vector.broadcast %jit3A_808 : i32 to vector<16xi32>
      %select_n3A_811 = arith.select %ne3A_806, %broadcast_in_dim3A_809, %broadcast_in_dim3A_810 : vector<16xi1>, vector<16xi32>
      %add3A_812 = arith.addi %add3A_799, %select_n3A_811 : vector<16xi32>
      %add3A_813 = arith.constant 6 : i32
      %add3A_814 = vector.broadcast %add3A_813 : i32 to vector<16xi32>
      %add3A_815 = arith.addi %mul3A_732, %add3A_814 : vector<16xi32>
      %gather3A_816 = tpu.vector_load_idx %arg10[%add3A_815] : memref<640xi32, #tpu.memory_space<vmem>>[vector<16xi32>], vector<16xi32>,
      %ne3A_817 = arith.constant 0 : i32
      %ne3A_818 = vector.broadcast %ne3A_817 : i32 to vector<16xi32>
      %ne3A_819 = arith.cmpi ne, %gather3A_816, %ne3A_818 : vector<16xi32>
      %jit3A_820 = arith.constant 1 : i32
      %jit3A_821 = arith.constant 0 : i32
      %broadcast_in_dim3A_822 = vector.broadcast %jit3A_820 : i32 to vector<16xi32>
      %broadcast_in_dim3A_823 = vector.broadcast %jit3A_821 : i32 to vector<16xi32>
      %select_n3A_824 = arith.select %ne3A_819, %broadcast_in_dim3A_822, %broadcast_in_dim3A_823 : vector<16xi1>, vector<16xi32>
      %add3A_825 = arith.addi %add3A_812, %select_n3A_824 : vector<16xi32>
      %add3A_826 = arith.constant 7 : i32
      %add3A_827 = vector.broadcast %add3A_826 : i32 to vector<16xi32>
      %add3A_828 = arith.addi %mul3A_732, %add3A_827 : vector<16xi32>
      %gather3A_829 = tpu.vector_load_idx %arg10[%add3A_828] : memref<640xi32, #tpu.memory_space<vmem>>[vector<16xi32>], vector<16xi32>,
      %ne3A_830 = arith.constant 0 : i32
      %ne3A_831 = vector.broadcast %ne3A_830 : i32 to vector<16xi32>
      %ne3A_832 = arith.cmpi ne, %gather3A_829, %ne3A_831 : vector<16xi32>
      %jit3A_833 = arith.constant 1 : i32
      %jit3A_834 = arith.constant 0 : i32
      %broadcast_in_dim3A_835 = vector.broadcast %jit3A_833 : i32 to vector<16xi32>
      %broadcast_in_dim3A_836 = vector.broadcast %jit3A_834 : i32 to vector<16xi32>
      %select_n3A_837 = arith.select %ne3A_832, %broadcast_in_dim3A_835, %broadcast_in_dim3A_836 : vector<16xi1>, vector<16xi32>
      %add3A_838 = arith.addi %add3A_825, %select_n3A_837 : vector<16xi32>
      %add3A_839 = arith.constant 8 : i32
      %add3A_840 = vector.broadcast %add3A_839 : i32 to vector<16xi32>
      %add3A_841 = arith.addi %mul3A_732, %add3A_840 : vector<16xi32>
      %gather3A_842 = tpu.vector_load_idx %arg10[%add3A_841] : memref<640xi32, #tpu.memory_space<vmem>>[vector<16xi32>], vector<16xi32>,
      %ne3A_843 = arith.constant 0 : i32
      %ne3A_844 = vector.broadcast %ne3A_843 : i32 to vector<16xi32>
      %ne3A_845 = arith.cmpi ne, %gather3A_842, %ne3A_844 : vector<16xi32>
      %jit3A_846 = arith.constant 1 : i32
      %jit3A_847 = arith.constant 0 : i32
      %broadcast_in_dim3A_848 = vector.broadcast %jit3A_846 : i32 to vector<16xi32>
      %broadcast_in_dim3A_849 = vector.broadcast %jit3A_847 : i32 to vector<16xi32>
      %select_n3A_850 = arith.select %ne3A_845, %broadcast_in_dim3A_848, %broadcast_in_dim3A_849 : vector<16xi1>, vector<16xi32>
      %add3A_851 = arith.addi %add3A_838, %select_n3A_850 : vector<16xi32>
      %add3A_852 = arith.constant 9 : i32
      %add3A_853 = vector.broadcast %add3A_852 : i32 to vector<16xi32>
      %add3A_854 = arith.addi %mul3A_732, %add3A_853 : vector<16xi32>
      %gather3A_855 = tpu.vector_load_idx %arg10[%add3A_854] : memref<640xi32, #tpu.memory_space<vmem>>[vector<16xi32>], vector<16xi32>,
      %ne3A_856 = arith.constant 0 : i32
      %ne3A_857 = vector.broadcast %ne3A_856 : i32 to vector<16xi32>
      %ne3A_858 = arith.cmpi ne, %gather3A_855, %ne3A_857 : vector<16xi32>
      %jit3A_859 = arith.constant 1 : i32
      %jit3A_860 = arith.constant 0 : i32
      %broadcast_in_dim3A_861 = vector.broadcast %jit3A_859 : i32 to vector<16xi32>
      %broadcast_in_dim3A_862 = vector.broadcast %jit3A_860 : i32 to vector<16xi32>
      %select_n3A_863 = arith.select %ne3A_858, %broadcast_in_dim3A_861, %broadcast_in_dim3A_862 : vector<16xi1>, vector<16xi32>
      %add3A_864 = arith.addi %add3A_851, %select_n3A_863 : vector<16xi32>
      %add3A_865 = arith.constant 10 : i32
      %add3A_866 = vector.broadcast %add3A_865 : i32 to vector<16xi32>
      %add3A_867 = arith.addi %mul3A_732, %add3A_866 : vector<16xi32>
      %gather3A_868 = tpu.vector_load_idx %arg10[%add3A_867] : memref<640xi32, #tpu.memory_space<vmem>>[vector<16xi32>], vector<16xi32>,
      %ne3A_869 = arith.constant 0 : i32
      %ne3A_870 = vector.broadcast %ne3A_869 : i32 to vector<16xi32>
      %ne3A_871 = arith.cmpi ne, %gather3A_868, %ne3A_870 : vector<16xi32>
      %jit3A_872 = arith.constant 1 : i32
      %jit3A_873 = arith.constant 0 : i32
      %broadcast_in_dim3A_874 = vector.broadcast %jit3A_872 : i32 to vector<16xi32>
      %broadcast_in_dim3A_875 = vector.broadcast %jit3A_873 : i32 to vector<16xi32>
      %select_n3A_876 = arith.select %ne3A_871, %broadcast_in_dim3A_874, %broadcast_in_dim3A_875 : vector<16xi1>, vector<16xi32>
      %add3A_877 = arith.addi %add3A_864, %select_n3A_876 : vector<16xi32>
      %add3A_878 = arith.constant 11 : i32
      %add3A_879 = vector.broadcast %add3A_878 : i32 to vector<16xi32>
      %add3A_880 = arith.addi %mul3A_732, %add3A_879 : vector<16xi32>
      %gather3A_881 = tpu.vector_load_idx %arg10[%add3A_880] : memref<640xi32, #tpu.memory_space<vmem>>[vector<16xi32>], vector<16xi32>,
      %ne3A_882 = arith.constant 0 : i32
      %ne3A_883 = vector.broadcast %ne3A_882 : i32 to vector<16xi32>
      %ne3A_884 = arith.cmpi ne, %gather3A_881, %ne3A_883 : vector<16xi32>
      %jit3A_885 = arith.constant 1 : i32
      %jit3A_886 = arith.constant 0 : i32
      %broadcast_in_dim3A_887 = vector.broadcast %jit3A_885 : i32 to vector<16xi32>
      %broadcast_in_dim3A_888 = vector.broadcast %jit3A_886 : i32 to vector<16xi32>
      %select_n3A_889 = arith.select %ne3A_884, %broadcast_in_dim3A_887, %broadcast_in_dim3A_888 : vector<16xi1>, vector<16xi32>
      %add3A_890 = arith.addi %add3A_877, %select_n3A_889 : vector<16xi32>
      %add3A_891 = arith.constant 12 : i32
      %add3A_892 = vector.broadcast %add3A_891 : i32 to vector<16xi32>
      %add3A_893 = arith.addi %mul3A_732, %add3A_892 : vector<16xi32>
      %gather3A_894 = tpu.vector_load_idx %arg10[%add3A_893] : memref<640xi32, #tpu.memory_space<vmem>>[vector<16xi32>], vector<16xi32>,
      %ne3A_895 = arith.constant 0 : i32
      %ne3A_896 = vector.broadcast %ne3A_895 : i32 to vector<16xi32>
      %ne3A_897 = arith.cmpi ne, %gather3A_894, %ne3A_896 : vector<16xi32>
      %jit3A_898 = arith.constant 1 : i32
      %jit3A_899 = arith.constant 0 : i32
      %broadcast_in_dim3A_900 = vector.broadcast %jit3A_898 : i32 to vector<16xi32>
      %broadcast_in_dim3A_901 = vector.broadcast %jit3A_899 : i32 to vector<16xi32>
      %select_n3A_902 = arith.select %ne3A_897, %broadcast_in_dim3A_900, %broadcast_in_dim3A_901 : vector<16xi1>, vector<16xi32>
      %add3A_903 = arith.addi %add3A_890, %select_n3A_902 : vector<16xi32>
      %add3A_904 = arith.constant 13 : i32
      %add3A_905 = vector.broadcast %add3A_904 : i32 to vector<16xi32>
      %add3A_906 = arith.addi %mul3A_732, %add3A_905 : vector<16xi32>
      %gather3A_907 = tpu.vector_load_idx %arg10[%add3A_906] : memref<640xi32, #tpu.memory_space<vmem>>[vector<16xi32>], vector<16xi32>,
      %ne3A_908 = arith.constant 0 : i32
      %ne3A_909 = vector.broadcast %ne3A_908 : i32 to vector<16xi32>
      %ne3A_910 = arith.cmpi ne, %gather3A_907, %ne3A_909 : vector<16xi32>
      %jit3A_911 = arith.constant 1 : i32
      %jit3A_912 = arith.constant 0 : i32
      %broadcast_in_dim3A_913 = vector.broadcast %jit3A_911 : i32 to vector<16xi32>
      %broadcast_in_dim3A_914 = vector.broadcast %jit3A_912 : i32 to vector<16xi32>
      %select_n3A_915 = arith.select %ne3A_910, %broadcast_in_dim3A_913, %broadcast_in_dim3A_914 : vector<16xi1>, vector<16xi32>
      %add3A_916 = arith.addi %add3A_903, %select_n3A_915 : vector<16xi32>
      %add3A_917 = arith.constant 14 : i32
      %add3A_918 = vector.broadcast %add3A_917 : i32 to vector<16xi32>
      %add3A_919 = arith.addi %mul3A_732, %add3A_918 : vector<16xi32>
      %gather3A_920 = tpu.vector_load_idx %arg10[%add3A_919] : memref<640xi32, #tpu.memory_space<vmem>>[vector<16xi32>], vector<16xi32>,
      %ne3A_921 = arith.constant 0 : i32
      %ne3A_922 = vector.broadcast %ne3A_921 : i32 to vector<16xi32>
      %ne3A_923 = arith.cmpi ne, %gather3A_920, %ne3A_922 : vector<16xi32>
      %jit3A_924 = arith.constant 1 : i32
      %jit3A_925 = arith.constant 0 : i32
      %broadcast_in_dim3A_926 = vector.broadcast %jit3A_924 : i32 to vector<16xi32>
      %broadcast_in_dim3A_927 = vector.broadcast %jit3A_925 : i32 to vector<16xi32>
      %select_n3A_928 = arith.select %ne3A_923, %broadcast_in_dim3A_926, %broadcast_in_dim3A_927 : vector<16xi1>, vector<16xi32>
      %add3A_929 = arith.addi %add3A_916, %select_n3A_928 : vector<16xi32>
      %add3A_930 = arith.constant 15 : i32
      %add3A_931 = vector.broadcast %add3A_930 : i32 to vector<16xi32>
      %add3A_932 = arith.addi %mul3A_732, %add3A_931 : vector<16xi32>
      %gather3A_933 = tpu.vector_load_idx %arg10[%add3A_932] : memref<640xi32, #tpu.memory_space<vmem>>[vector<16xi32>], vector<16xi32>,
      %ne3A_934 = arith.constant 0 : i32
      %ne3A_935 = vector.broadcast %ne3A_934 : i32 to vector<16xi32>
      %ne3A_936 = arith.cmpi ne, %gather3A_933, %ne3A_935 : vector<16xi32>
      %jit3A_937 = arith.constant 1 : i32
      %jit3A_938 = arith.constant 0 : i32
      %broadcast_in_dim3A_939 = vector.broadcast %jit3A_937 : i32 to vector<16xi32>
      %broadcast_in_dim3A_940 = vector.broadcast %jit3A_938 : i32 to vector<16xi32>
      %select_n3A_941 = arith.select %ne3A_936, %broadcast_in_dim3A_939, %broadcast_in_dim3A_940 : vector<16xi1>, vector<16xi32>
      %add3A_942 = arith.addi %add3A_929, %select_n3A_941 : vector<16xi32>
      %add3A_943 = arith.constant 16 : i32
      %add3A_944 = vector.broadcast %add3A_943 : i32 to vector<16xi32>
      %add3A_945 = arith.addi %mul3A_732, %add3A_944 : vector<16xi32>
      %gather3A_946 = tpu.vector_load_idx %arg10[%add3A_945] : memref<640xi32, #tpu.memory_space<vmem>>[vector<16xi32>], vector<16xi32>,
      %ne3A_947 = arith.constant 0 : i32
      %ne3A_948 = vector.broadcast %ne3A_947 : i32 to vector<16xi32>
      %ne3A_949 = arith.cmpi ne, %gather3A_946, %ne3A_948 : vector<16xi32>
      %jit3A_950 = arith.constant 1 : i32
      %jit3A_951 = arith.constant 0 : i32
      %broadcast_in_dim3A_952 = vector.broadcast %jit3A_950 : i32 to vector<16xi32>
      %broadcast_in_dim3A_953 = vector.broadcast %jit3A_951 : i32 to vector<16xi32>
      %select_n3A_954 = arith.select %ne3A_949, %broadcast_in_dim3A_952, %broadcast_in_dim3A_953 : vector<16xi1>, vector<16xi32>
      %add3A_955 = arith.addi %add3A_942, %select_n3A_954 : vector<16xi32>
      %add3A_956 = arith.constant 17 : i32
      %add3A_957 = vector.broadcast %add3A_956 : i32 to vector<16xi32>
      %add3A_958 = arith.addi %mul3A_732, %add3A_957 : vector<16xi32>
      %gather3A_959 = tpu.vector_load_idx %arg10[%add3A_958] : memref<640xi32, #tpu.memory_space<vmem>>[vector<16xi32>], vector<16xi32>,
      %ne3A_960 = arith.constant 0 : i32
      %ne3A_961 = vector.broadcast %ne3A_960 : i32 to vector<16xi32>
      %ne3A_962 = arith.cmpi ne, %gather3A_959, %ne3A_961 : vector<16xi32>
      %jit3A_963 = arith.constant 1 : i32
      %jit3A_964 = arith.constant 0 : i32
      %broadcast_in_dim3A_965 = vector.broadcast %jit3A_963 : i32 to vector<16xi32>
      %broadcast_in_dim3A_966 = vector.broadcast %jit3A_964 : i32 to vector<16xi32>
      %select_n3A_967 = arith.select %ne3A_962, %broadcast_in_dim3A_965, %broadcast_in_dim3A_966 : vector<16xi1>, vector<16xi32>
      %add3A_968 = arith.addi %add3A_955, %select_n3A_967 : vector<16xi32>
      %add3A_969 = arith.constant 18 : i32
      %add3A_970 = vector.broadcast %add3A_969 : i32 to vector<16xi32>
      %add3A_971 = arith.addi %mul3A_732, %add3A_970 : vector<16xi32>
      %gather3A_972 = tpu.vector_load_idx %arg10[%add3A_971] : memref<640xi32, #tpu.memory_space<vmem>>[vector<16xi32>], vector<16xi32>,
      %ne3A_973 = arith.constant 0 : i32
      %ne3A_974 = vector.broadcast %ne3A_973 : i32 to vector<16xi32>
      %ne3A_975 = arith.cmpi ne, %gather3A_972, %ne3A_974 : vector<16xi32>
      %jit3A_976 = arith.constant 1 : i32
      %jit3A_977 = arith.constant 0 : i32
      %broadcast_in_dim3A_978 = vector.broadcast %jit3A_976 : i32 to vector<16xi32>
      %broadcast_in_dim3A_979 = vector.broadcast %jit3A_977 : i32 to vector<16xi32>
      %select_n3A_980 = arith.select %ne3A_975, %broadcast_in_dim3A_978, %broadcast_in_dim3A_979 : vector<16xi1>, vector<16xi32>
      %add3A_981 = arith.addi %add3A_968, %select_n3A_980 : vector<16xi32>
      %add3A_982 = arith.constant 19 : i32
      %add3A_983 = vector.broadcast %add3A_982 : i32 to vector<16xi32>
      %add3A_984 = arith.addi %mul3A_732, %add3A_983 : vector<16xi32>
      %gather3A_985 = tpu.vector_load_idx %arg10[%add3A_984] : memref<640xi32, #tpu.memory_space<vmem>>[vector<16xi32>], vector<16xi32>,
      %ne3A_986 = arith.constant 0 : i32
      %ne3A_987 = vector.broadcast %ne3A_986 : i32 to vector<16xi32>
      %ne3A_988 = arith.cmpi ne, %gather3A_985, %ne3A_987 : vector<16xi32>
      %jit3A_989 = arith.constant 1 : i32
      %jit3A_990 = arith.constant 0 : i32
      %broadcast_in_dim3A_991 = vector.broadcast %jit3A_989 : i32 to vector<16xi32>
      %broadcast_in_dim3A_992 = vector.broadcast %jit3A_990 : i32 to vector<16xi32>
      %select_n3A_993 = arith.select %ne3A_988, %broadcast_in_dim3A_991, %broadcast_in_dim3A_992 : vector<16xi1>, vector<16xi32>
      %add3A_994 = arith.addi %add3A_981, %select_n3A_993 : vector<16xi32>
      %convert_element_type3A_995 = arith.sitofp %add3A_994 : vector<16xi32> to vector<16xf32>
      %gt3A_996 = arith.constant 0 : i32
      %gt3A_997 = vector.broadcast %gt3A_996 : i32 to vector<16xi32>
      %gt3A_998 = arith.cmpi sgt, %add3A_994, %gt3A_997 : vector<16xi32>
      %add3A_999 = arith.constant 9.99999993E-9 : f32
      %add3A_1000 = vector.broadcast %add3A_999 : f32 to vector<16xf32>
      %add3A_1001 = arith.addf %convert_element_type3A_995, %add3A_1000 : vector<16xf32>
      %div3A_1002 = arith.constant 1.000000e+00 : f32
      %div3A_1003 = vector.broadcast %div3A_1002 : f32 to vector<16xf32>
      %div3A_1004 = arith.divf %div3A_1003, %add3A_1001 : vector<16xf32>
      %jit3A_1005 = arith.constant 0.000000e+00 : f32
      %broadcast_in_dim3A_1006 = vector.broadcast %jit3A_1005 : f32 to vector<16xf32>
      %select_n3A_1007 = arith.select %gt3A_998, %div3A_1004, %broadcast_in_dim3A_1006 : vector<16xi1>, vector<16xf32>
      %swap3A_1008 = arith.constant 16 : index
      %swap3A_1009 = tpu.vector_load %arg17[%swap3A_1008] {strides = array<i32>} : memref<32xf32, #tpu.memory_space<vmem>>, vector<16xf32>,
      tpu.vector_store %arg17[%swap3A_1008], %select_n3A_1007 {strides = array<i32>} : memref<32xf32, #tpu.memory_space<vmem>>, vector<16xf32>,
      %sub3A_1010 = arith.constant 2.000000e+01 : f32
      %sub3A_1011 = vector.broadcast %sub3A_1010 : f32 to vector<16xf32>
      %sub3A_1012 = arith.subf %sub3A_1011, %convert_element_type3A_995 : vector<16xf32>
      %swap3A_1013 = arith.constant 16 : index
      %swap3A_1014 = tpu.vector_load %arg18[%swap3A_1013] {strides = array<i32>} : memref<32xf32, #tpu.memory_space<vmem>>, vector<16xf32>,
      tpu.vector_store %arg18[%swap3A_1013], %sub3A_1012 {strides = array<i32>} : memref<32xf32, #tpu.memory_space<vmem>>, vector<16xf32>,
      %dma_start3A_1015 = arith.constant 0 : i32
      %dma_start3A_1016 = arith.constant 0 : i32
      %dma_start3A_1017 = arith.constant 0 : i32
      %dma_start3A_1018 = tpu.memref_slice %arg13[%dma_start3A_1016, %dma_start3A_1017] : memref<256x64xf32, #tpu.memory_space<vmem>> -> memref<32x64xf32, #tpu.memory_space<vmem>>
      %dma_start3A_1019 = arith.constant 0 : i32
      %dma_start3A_1020 = tpu.memref_slice %arg12[%dma_start3A_1015, %dma_start3A_1019] : memref<8x32xi32, #tpu.memory_space<vmem>> -> memref<1x32xi32, #tpu.memory_space<vmem>>
      %dma_start3A_1021 = tpu.memref_squeeze %dma_start3A_1020 : memref<1x32xi32, #tpu.memory_space<vmem>> -> memref<32xi32, #tpu.memory_space<vmem>>
      %dma_start3A_1022 = arith.constant 0 : i32
      %dma_start3A_1023 = arith.constant 0 : i32
      %dma_start3A_1024 = tpu.memref_slice %arg5[%dma_start3A_1022, %dma_start3A_1023] : memref<800000x64xf32, #tpu.memory_space<hbm>> -> memref<800000x64xf32, #tpu.memory_space<hbm>>
      tpu.enqueue_indirect_dma source(%dma_start3A_1024 : memref<800000x64xf32, #tpu.memory_space<hbm>>) target(%dma_start3A_1018 : memref<32x64xf32, #tpu.memory_space<vmem>>) offsets(%dma_start3A_1021 : memref<32xi32, #tpu.memory_space<vmem>>) semaphore(%arg24 : memref<!tpu.dma_semaphore, #tpu.memory_space<semaphore_mem>>)
      %dma_start3A_1025 = arith.constant 1 : i32
      %dma_start3A_1026 = arith.constant 32 : i32
      %dma_start3A_1027 = arith.constant 0 : i32
      %dma_start3A_1028 = tpu.memref_slice %arg13[%dma_start3A_1026, %dma_start3A_1027] : memref<256x64xf32, #tpu.memory_space<vmem>> -> memref<32x64xf32, #tpu.memory_space<vmem>>
      %dma_start3A_1029 = arith.constant 0 : i32
      %dma_start3A_1030 = tpu.memref_slice %arg12[%dma_start3A_1025, %dma_start3A_1029] : memref<8x32xi32, #tpu.memory_space<vmem>> -> memref<1x32xi32, #tpu.memory_space<vmem>>
      %dma_start3A_1031 = tpu.memref_squeeze %dma_start3A_1030 : memref<1x32xi32, #tpu.memory_space<vmem>> -> memref<32xi32, #tpu.memory_space<vmem>>
      %dma_start3A_1032 = arith.constant 0 : i32
      %dma_start3A_1033 = arith.constant 0 : i32
      %dma_start3A_1034 = tpu.memref_slice %arg5[%dma_start3A_1032, %dma_start3A_1033] : memref<800000x64xf32, #tpu.memory_space<hbm>> -> memref<800000x64xf32, #tpu.memory_space<hbm>>
      tpu.enqueue_indirect_dma source(%dma_start3A_1034 : memref<800000x64xf32, #tpu.memory_space<hbm>>) target(%dma_start3A_1028 : memref<32x64xf32, #tpu.memory_space<vmem>>) offsets(%dma_start3A_1031 : memref<32xi32, #tpu.memory_space<vmem>>) semaphore(%arg24 : memref<!tpu.dma_semaphore, #tpu.memory_space<semaphore_mem>>)
      %dma_start3A_1035 = arith.constant 2 : i32
      %dma_start3A_1036 = arith.constant 64 : i32
      %dma_start3A_1037 = arith.constant 0 : i32
      %dma_start3A_1038 = tpu.memref_slice %arg13[%dma_start3A_1036, %dma_start3A_1037] : memref<256x64xf32, #tpu.memory_space<vmem>> -> memref<32x64xf32, #tpu.memory_space<vmem>>
      %dma_start3A_1039 = arith.constant 0 : i32
      %dma_start3A_1040 = tpu.memref_slice %arg12[%dma_start3A_1035, %dma_start3A_1039] : memref<8x32xi32, #tpu.memory_space<vmem>> -> memref<1x32xi32, #tpu.memory_space<vmem>>
      %dma_start3A_1041 = tpu.memref_squeeze %dma_start3A_1040 : memref<1x32xi32, #tpu.memory_space<vmem>> -> memref<32xi32, #tpu.memory_space<vmem>>
      %dma_start3A_1042 = arith.constant 0 : i32
      %dma_start3A_1043 = arith.constant 0 : i32
      %dma_start3A_1044 = tpu.memref_slice %arg5[%dma_start3A_1042, %dma_start3A_1043] : memref<800000x64xf32, #tpu.memory_space<hbm>> -> memref<800000x64xf32, #tpu.memory_space<hbm>>
      tpu.enqueue_indirect_dma source(%dma_start3A_1044 : memref<800000x64xf32, #tpu.memory_space<hbm>>) target(%dma_start3A_1038 : memref<32x64xf32, #tpu.memory_space<vmem>>) offsets(%dma_start3A_1041 : memref<32xi32, #tpu.memory_space<vmem>>) semaphore(%arg24 : memref<!tpu.dma_semaphore, #tpu.memory_space<semaphore_mem>>)
      %dma_start3A_1045 = arith.constant 3 : i32
      %dma_start3A_1046 = arith.constant 96 : i32
      %dma_start3A_1047 = arith.constant 0 : i32
      %dma_start3A_1048 = tpu.memref_slice %arg13[%dma_start3A_1046, %dma_start3A_1047] : memref<256x64xf32, #tpu.memory_space<vmem>> -> memref<32x64xf32, #tpu.memory_space<vmem>>
      %dma_start3A_1049 = arith.constant 0 : i32
      %dma_start3A_1050 = tpu.memref_slice %arg12[%dma_start3A_1045, %dma_start3A_1049] : memref<8x32xi32, #tpu.memory_space<vmem>> -> memref<1x32xi32, #tpu.memory_space<vmem>>
      %dma_start3A_1051 = tpu.memref_squeeze %dma_start3A_1050 : memref<1x32xi32, #tpu.memory_space<vmem>> -> memref<32xi32, #tpu.memory_space<vmem>>
      %dma_start3A_1052 = arith.constant 0 : i32
      %dma_start3A_1053 = arith.constant 0 : i32
      %dma_start3A_1054 = tpu.memref_slice %arg5[%dma_start3A_1052, %dma_start3A_1053] : memref<800000x64xf32, #tpu.memory_space<hbm>> -> memref<800000x64xf32, #tpu.memory_space<hbm>>
      tpu.enqueue_indirect_dma source(%dma_start3A_1054 : memref<800000x64xf32, #tpu.memory_space<hbm>>) target(%dma_start3A_1048 : memref<32x64xf32, #tpu.memory_space<vmem>>) offsets(%dma_start3A_1051 : memref<32xi32, #tpu.memory_space<vmem>>) semaphore(%arg24 : memref<!tpu.dma_semaphore, #tpu.memory_space<semaphore_mem>>)
      %dma_start3A_1055 = arith.constant 4 : i32
      %dma_start3A_1056 = arith.constant 128 : i32
      %dma_start3A_1057 = arith.constant 0 : i32
      %dma_start3A_1058 = tpu.memref_slice %arg13[%dma_start3A_1056, %dma_start3A_1057] : memref<256x64xf32, #tpu.memory_space<vmem>> -> memref<32x64xf32, #tpu.memory_space<vmem>>
      %dma_start3A_1059 = arith.constant 0 : i32
      %dma_start3A_1060 = tpu.memref_slice %arg12[%dma_start3A_1055, %dma_start3A_1059] : memref<8x32xi32, #tpu.memory_space<vmem>> -> memref<1x32xi32, #tpu.memory_space<vmem>>
      %dma_start3A_1061 = tpu.memref_squeeze %dma_start3A_1060 : memref<1x32xi32, #tpu.memory_space<vmem>> -> memref<32xi32, #tpu.memory_space<vmem>>
      %dma_start3A_1062 = arith.constant 0 : i32
      %dma_start3A_1063 = arith.constant 0 : i32
      %dma_start3A_1064 = tpu.memref_slice %arg5[%dma_start3A_1062, %dma_start3A_1063] : memref<800000x64xf32, #tpu.memory_space<hbm>> -> memref<800000x64xf32, #tpu.memory_space<hbm>>
      tpu.enqueue_indirect_dma source(%dma_start3A_1064 : memref<800000x64xf32, #tpu.memory_space<hbm>>) target(%dma_start3A_1058 : memref<32x64xf32, #tpu.memory_space<vmem>>) offsets(%dma_start3A_1061 : memref<32xi32, #tpu.memory_space<vmem>>) semaphore(%arg24 : memref<!tpu.dma_semaphore, #tpu.memory_space<semaphore_mem>>)
      %dma_start3A_1065 = arith.constant 5 : i32
      %dma_start3A_1066 = arith.constant 160 : i32
      %dma_start3A_1067 = arith.constant 0 : i32
      %dma_start3A_1068 = tpu.memref_slice %arg13[%dma_start3A_1066, %dma_start3A_1067] : memref<256x64xf32, #tpu.memory_space<vmem>> -> memref<32x64xf32, #tpu.memory_space<vmem>>
      %dma_start3A_1069 = arith.constant 0 : i32
      %dma_start3A_1070 = tpu.memref_slice %arg12[%dma_start3A_1065, %dma_start3A_1069] : memref<8x32xi32, #tpu.memory_space<vmem>> -> memref<1x32xi32, #tpu.memory_space<vmem>>
      %dma_start3A_1071 = tpu.memref_squeeze %dma_start3A_1070 : memref<1x32xi32, #tpu.memory_space<vmem>> -> memref<32xi32, #tpu.memory_space<vmem>>
      %dma_start3A_1072 = arith.constant 0 : i32
      %dma_start3A_1073 = arith.constant 0 : i32
      %dma_start3A_1074 = tpu.memref_slice %arg5[%dma_start3A_1072, %dma_start3A_1073] : memref<800000x64xf32, #tpu.memory_space<hbm>> -> memref<800000x64xf32, #tpu.memory_space<hbm>>
      tpu.enqueue_indirect_dma source(%dma_start3A_1074 : memref<800000x64xf32, #tpu.memory_space<hbm>>) target(%dma_start3A_1068 : memref<32x64xf32, #tpu.memory_space<vmem>>) offsets(%dma_start3A_1071 : memref<32xi32, #tpu.memory_space<vmem>>) semaphore(%arg24 : memref<!tpu.dma_semaphore, #tpu.memory_space<semaphore_mem>>)
      %dma_start3A_1075 = arith.constant 6 : i32
      %dma_start3A_1076 = arith.constant 192 : i32
      %dma_start3A_1077 = arith.constant 0 : i32
      %dma_start3A_1078 = tpu.memref_slice %arg13[%dma_start3A_1076, %dma_start3A_1077] : memref<256x64xf32, #tpu.memory_space<vmem>> -> memref<32x64xf32, #tpu.memory_space<vmem>>
      %dma_start3A_1079 = arith.constant 0 : i32
      %dma_start3A_1080 = tpu.memref_slice %arg12[%dma_start3A_1075, %dma_start3A_1079] : memref<8x32xi32, #tpu.memory_space<vmem>> -> memref<1x32xi32, #tpu.memory_space<vmem>>
      %dma_start3A_1081 = tpu.memref_squeeze %dma_start3A_1080 : memref<1x32xi32, #tpu.memory_space<vmem>> -> memref<32xi32, #tpu.memory_space<vmem>>
      %dma_start3A_1082 = arith.constant 0 : i32
      %dma_start3A_1083 = arith.constant 0 : i32
      %dma_start3A_1084 = tpu.memref_slice %arg5[%dma_start3A_1082, %dma_start3A_1083] : memref<800000x64xf32, #tpu.memory_space<hbm>> -> memref<800000x64xf32, #tpu.memory_space<hbm>>
      tpu.enqueue_indirect_dma source(%dma_start3A_1084 : memref<800000x64xf32, #tpu.memory_space<hbm>>) target(%dma_start3A_1078 : memref<32x64xf32, #tpu.memory_space<vmem>>) offsets(%dma_start3A_1081 : memref<32xi32, #tpu.memory_space<vmem>>) semaphore(%arg24 : memref<!tpu.dma_semaphore, #tpu.memory_space<semaphore_mem>>)
      %dma_start3A_1085 = arith.constant 7 : i32
      %dma_start3A_1086 = arith.constant 224 : i32
      %dma_start3A_1087 = arith.constant 0 : i32
      %dma_start3A_1088 = tpu.memref_slice %arg13[%dma_start3A_1086, %dma_start3A_1087] : memref<256x64xf32, #tpu.memory_space<vmem>> -> memref<32x64xf32, #tpu.memory_space<vmem>>
      %dma_start3A_1089 = arith.constant 0 : i32
      %dma_start3A_1090 = tpu.memref_slice %arg12[%dma_start3A_1085, %dma_start3A_1089] : memref<8x32xi32, #tpu.memory_space<vmem>> -> memref<1x32xi32, #tpu.memory_space<vmem>>
      %dma_start3A_1091 = tpu.memref_squeeze %dma_start3A_1090 : memref<1x32xi32, #tpu.memory_space<vmem>> -> memref<32xi32, #tpu.memory_space<vmem>>
      %dma_start3A_1092 = arith.constant 0 : i32
      %dma_start3A_1093 = arith.constant 0 : i32
      %dma_start3A_1094 = tpu.memref_slice %arg5[%dma_start3A_1092, %dma_start3A_1093] : memref<800000x64xf32, #tpu.memory_space<hbm>> -> memref<800000x64xf32, #tpu.memory_space<hbm>>
      tpu.enqueue_indirect_dma source(%dma_start3A_1094 : memref<800000x64xf32, #tpu.memory_space<hbm>>) target(%dma_start3A_1088 : memref<32x64xf32, #tpu.memory_space<vmem>>) offsets(%dma_start3A_1091 : memref<32xi32, #tpu.memory_space<vmem>>) semaphore(%arg24 : memref<!tpu.dma_semaphore, #tpu.memory_space<semaphore_mem>>)
      %dma_start3A_1095 = arith.constant 0 : i32
      %dma_start3A_1096 = arith.constant 0 : i32
      %dma_start3A_1097 = tpu.memref_slice %arg14[%dma_start3A_1095, %dma_start3A_1096] : memref<640x64xf32, #tpu.memory_space<vmem>> -> memref<128x64xf32, #tpu.memory_space<vmem>>
      %dma_start3A_1098 = arith.constant 0 : i32
      %dma_start3A_1099 = tpu.memref_slice %arg10[%dma_start3A_1098] : memref<640xi32, #tpu.memory_space<vmem>> -> memref<128xi32, #tpu.memory_space<vmem>>
      %dma_start3A_1100 = arith.constant 0 : i32
      %dma_start3A_1101 = arith.constant 0 : i32
      %dma_start3A_1102 = tpu.memref_slice %arg7[%dma_start3A_1100, %dma_start3A_1101] : memref<100000x64xf32, #tpu.memory_space<hbm>> -> memref<100000x64xf32, #tpu.memory_space<hbm>>
      tpu.enqueue_indirect_dma source(%dma_start3A_1102 : memref<100000x64xf32, #tpu.memory_space<hbm>>) target(%dma_start3A_1097 : memref<128x64xf32, #tpu.memory_space<vmem>>) offsets(%dma_start3A_1099 : memref<128xi32, #tpu.memory_space<vmem>>) semaphore(%arg24 : memref<!tpu.dma_semaphore, #tpu.memory_space<semaphore_mem>>)
      %dma_start3A_1103 = arith.constant 128 : i32
      %dma_start3A_1104 = arith.constant 0 : i32
      %dma_start3A_1105 = tpu.memref_slice %arg14[%dma_start3A_1103, %dma_start3A_1104] : memref<640x64xf32, #tpu.memory_space<vmem>> -> memref<128x64xf32, #tpu.memory_space<vmem>>
      %dma_start3A_1106 = arith.constant 128 : i32
      %dma_start3A_1107 = tpu.memref_slice %arg10[%dma_start3A_1106] : memref<640xi32, #tpu.memory_space<vmem>> -> memref<128xi32, #tpu.memory_space<vmem>>
      %dma_start3A_1108 = arith.constant 0 : i32
      %dma_start3A_1109 = arith.constant 0 : i32
      %dma_start3A_1110 = tpu.memref_slice %arg7[%dma_start3A_1108, %dma_start3A_1109] : memref<100000x64xf32, #tpu.memory_space<hbm>> -> memref<100000x64xf32, #tpu.memory_space<hbm>>
      tpu.enqueue_indirect_dma source(%dma_start3A_1110 : memref<100000x64xf32, #tpu.memory_space<hbm>>) target(%dma_start3A_1105 : memref<128x64xf32, #tpu.memory_space<vmem>>) offsets(%dma_start3A_1107 : memref<128xi32, #tpu.memory_space<vmem>>) semaphore(%arg24 : memref<!tpu.dma_semaphore, #tpu.memory_space<semaphore_mem>>)
      %dma_start3A_1111 = arith.constant 256 : i32
      %dma_start3A_1112 = arith.constant 0 : i32
      %dma_start3A_1113 = tpu.memref_slice %arg14[%dma_start3A_1111, %dma_start3A_1112] : memref<640x64xf32, #tpu.memory_space<vmem>> -> memref<128x64xf32, #tpu.memory_space<vmem>>
      %dma_start3A_1114 = arith.constant 256 : i32
      %dma_start3A_1115 = tpu.memref_slice %arg10[%dma_start3A_1114] : memref<640xi32, #tpu.memory_space<vmem>> -> memref<128xi32, #tpu.memory_space<vmem>>
      %dma_start3A_1116 = arith.constant 0 : i32
      %dma_start3A_1117 = arith.constant 0 : i32
      %dma_start3A_1118 = tpu.memref_slice %arg7[%dma_start3A_1116, %dma_start3A_1117] : memref<100000x64xf32, #tpu.memory_space<hbm>> -> memref<100000x64xf32, #tpu.memory_space<hbm>>
      tpu.enqueue_indirect_dma source(%dma_start3A_1118 : memref<100000x64xf32, #tpu.memory_space<hbm>>) target(%dma_start3A_1113 : memref<128x64xf32, #tpu.memory_space<vmem>>) offsets(%dma_start3A_1115 : memref<128xi32, #tpu.memory_space<vmem>>) semaphore(%arg24 : memref<!tpu.dma_semaphore, #tpu.memory_space<semaphore_mem>>)
      %dma_start3A_1119 = arith.constant 384 : i32
      %dma_start3A_1120 = arith.constant 0 : i32
      %dma_start3A_1121 = tpu.memref_slice %arg14[%dma_start3A_1119, %dma_start3A_1120] : memref<640x64xf32, #tpu.memory_space<vmem>> -> memref<128x64xf32, #tpu.memory_space<vmem>>
      %dma_start3A_1122 = arith.constant 384 : i32
      %dma_start3A_1123 = tpu.memref_slice %arg10[%dma_start3A_1122] : memref<640xi32, #tpu.memory_space<vmem>> -> memref<128xi32, #tpu.memory_space<vmem>>
      %dma_start3A_1124 = arith.constant 0 : i32
      %dma_start3A_1125 = arith.constant 0 : i32
      %dma_start3A_1126 = tpu.memref_slice %arg7[%dma_start3A_1124, %dma_start3A_1125] : memref<100000x64xf32, #tpu.memory_space<hbm>> -> memref<100000x64xf32, #tpu.memory_space<hbm>>
      tpu.enqueue_indirect_dma source(%dma_start3A_1126 : memref<100000x64xf32, #tpu.memory_space<hbm>>) target(%dma_start3A_1121 : memref<128x64xf32, #tpu.memory_space<vmem>>) offsets(%dma_start3A_1123 : memref<128xi32, #tpu.memory_space<vmem>>) semaphore(%arg24 : memref<!tpu.dma_semaphore, #tpu.memory_space<semaphore_mem>>)
      %dma_start3A_1127 = arith.constant 512 : i32
      %dma_start3A_1128 = arith.constant 0 : i32
      %dma_start3A_1129 = tpu.memref_slice %arg14[%dma_start3A_1127, %dma_start3A_1128] : memref<640x64xf32, #tpu.memory_space<vmem>> -> memref<128x64xf32, #tpu.memory_space<vmem>>
      %dma_start3A_1130 = arith.constant 512 : i32
      %dma_start3A_1131 = tpu.memref_slice %arg10[%dma_start3A_1130] : memref<640xi32, #tpu.memory_space<vmem>> -> memref<128xi32, #tpu.memory_space<vmem>>
      %dma_start3A_1132 = arith.constant 0 : i32
      %dma_start3A_1133 = arith.constant 0 : i32
      %dma_start3A_1134 = tpu.memref_slice %arg7[%dma_start3A_1132, %dma_start3A_1133] : memref<100000x64xf32, #tpu.memory_space<hbm>> -> memref<100000x64xf32, #tpu.memory_space<hbm>>
      tpu.enqueue_indirect_dma source(%dma_start3A_1134 : memref<100000x64xf32, #tpu.memory_space<hbm>>) target(%dma_start3A_1129 : memref<128x64xf32, #tpu.memory_space<vmem>>) offsets(%dma_start3A_1131 : memref<128xi32, #tpu.memory_space<vmem>>) semaphore(%arg24 : memref<!tpu.dma_semaphore, #tpu.memory_space<semaphore_mem>>)
      %scan3A_1135 = arith.constant 0 : i32
      %scan3A_1136 = arith.constant 32 : i32
      %scan3A_1137 = arith.addi %scan3A_1135, %scan3A_1136 : i32
      %scan3A_1138 = arith.constant 1 : i32
      scf.for %scan3A_1333 = %scan3A_1135 to %scan3A_1137 step %scan3A_1138  : i32 {
        %mul3A_1334 = arith.constant 4 : i32
        %mul3A_1335 = arith.muli %scan3A_1333, %mul3A_1334 : i32
        %add3A_1336 = arith.constant 0 : i32
        %add3A_1337 = arith.addi %mul3A_1335, %add3A_1336 : i32
        %broadcast_in_dim3A_1338 = vector.broadcast %add3A_1337 : i32 to vector<16xi32>
        %gather3A_1339 = tpu.vector_load_idx %arg11[%broadcast_in_dim3A_1338] : memref<128xf32, #tpu.memory_space<vmem>>[vector<16xi32>], vector<16xf32>,
        %get3A = arith.constant 0 : i32
        %get3A_1340 = arith.index_cast %get3A : i32 to index
        %get3A_1341 = arith.constant 0 : index
        %get3A_1342 = tpu.vector_load %arg19[%get3A_1340, %get3A_1341] {strides = array<i32>} : memref<4x64xf32, #tpu.memory_space<vmem>>, vector<16xf32>,
        %mul3A_1343 = arith.mulf %gather3A_1339, %get3A_1342 : vector<16xf32>
        %add3A_1344 = arith.constant 0 : i32
        %add3A_1345 = arith.addi %add3A_1344, %scan3A_1333 : i32
        %swap3A_1346 = arith.index_cast %add3A_1345 : i32 to index
        %swap3A_1347 = arith.constant 0 : index
        %swap3A_1348 = tpu.vector_load %arg16[%swap3A_1346, %swap3A_1347] {strides = array<i32>} : memref<128x64xf32, #tpu.memory_space<vmem>>, vector<16xf32>,
        tpu.vector_store %arg16[%swap3A_1346, %swap3A_1347], %mul3A_1343 {strides = array<i32>} : memref<128x64xf32, #tpu.memory_space<vmem>>, vector<16xf32>,
        %get3A_1349 = arith.constant 0 : i32
        %get3A_1350 = arith.index_cast %get3A_1349 : i32 to index
        %get3A_1351 = arith.constant 16 : index
        %get3A_1352 = tpu.vector_load %arg19[%get3A_1350, %get3A_1351] {strides = array<i32>} : memref<4x64xf32, #tpu.memory_space<vmem>>, vector<16xf32>,
        %mul3A_1353 = arith.mulf %gather3A_1339, %get3A_1352 : vector<16xf32>
        %add3A_1354 = arith.constant 0 : i32
        %add3A_1355 = arith.addi %add3A_1354, %scan3A_1333 : i32
        %swap3A_1356 = arith.index_cast %add3A_1355 : i32 to index
        %swap3A_1357 = arith.constant 16 : index
        %swap3A_1358 = tpu.vector_load %arg16[%swap3A_1356, %swap3A_1357] {strides = array<i32>} : memref<128x64xf32, #tpu.memory_space<vmem>>, vector<16xf32>,
        tpu.vector_store %arg16[%swap3A_1356, %swap3A_1357], %mul3A_1353 {strides = array<i32>} : memref<128x64xf32, #tpu.memory_space<vmem>>, vector<16xf32>,
        %get3A_1359 = arith.constant 0 : i32
        %get3A_1360 = arith.index_cast %get3A_1359 : i32 to index
        %get3A_1361 = arith.constant 32 : index
        %get3A_1362 = tpu.vector_load %arg19[%get3A_1360, %get3A_1361] {strides = array<i32>} : memref<4x64xf32, #tpu.memory_space<vmem>>, vector<16xf32>,
        %mul3A_1363 = arith.mulf %gather3A_1339, %get3A_1362 : vector<16xf32>
        %add3A_1364 = arith.constant 0 : i32
        %add3A_1365 = arith.addi %add3A_1364, %scan3A_1333 : i32
        %swap3A_1366 = arith.index_cast %add3A_1365 : i32 to index
        %swap3A_1367 = arith.constant 32 : index
        %swap3A_1368 = tpu.vector_load %arg16[%swap3A_1366, %swap3A_1367] {strides = array<i32>} : memref<128x64xf32, #tpu.memory_space<vmem>>, vector<16xf32>,
        tpu.vector_store %arg16[%swap3A_1366, %swap3A_1367], %mul3A_1363 {strides = array<i32>} : memref<128x64xf32, #tpu.memory_space<vmem>>, vector<16xf32>,
        %get3A_1369 = arith.constant 0 : i32
        %get3A_1370 = arith.index_cast %get3A_1369 : i32 to index
        %get3A_1371 = arith.constant 48 : index
        %get3A_1372 = tpu.vector_load %arg19[%get3A_1370, %get3A_1371] {strides = array<i32>} : memref<4x64xf32, #tpu.memory_space<vmem>>, vector<16xf32>,
        %mul3A_1373 = arith.mulf %gather3A_1339, %get3A_1372 : vector<16xf32>
        %add3A_1374 = arith.constant 0 : i32
        %add3A_1375 = arith.addi %add3A_1374, %scan3A_1333 : i32
        %swap3A_1376 = arith.index_cast %add3A_1375 : i32 to index
        %swap3A_1377 = arith.constant 48 : index
        %swap3A_1378 = tpu.vector_load %arg16[%swap3A_1376, %swap3A_1377] {strides = array<i32>} : memref<128x64xf32, #tpu.memory_space<vmem>>, vector<16xf32>,
        tpu.vector_store %arg16[%swap3A_1376, %swap3A_1377], %mul3A_1373 {strides = array<i32>} : memref<128x64xf32, #tpu.memory_space<vmem>>, vector<16xf32>,
        %mul3A_1379 = arith.constant 4 : i32
        %mul3A_1380 = arith.muli %scan3A_1333, %mul3A_1379 : i32
        %add3A_1381 = arith.constant 1 : i32
        %add3A_1382 = arith.addi %mul3A_1380, %add3A_1381 : i32
        %broadcast_in_dim3A_1383 = vector.broadcast %add3A_1382 : i32 to vector<16xi32>
        %gather3A_1384 = tpu.vector_load_idx %arg11[%broadcast_in_dim3A_1383] : memref<128xf32, #tpu.memory_space<vmem>>[vector<16xi32>], vector<16xf32>,
        %get3A_1385 = arith.constant 1 : i32
        %get3A_1386 = arith.index_cast %get3A_1385 : i32 to index
        %get3A_1387 = arith.constant 0 : index
        %get3A_1388 = tpu.vector_load %arg19[%get3A_1386, %get3A_1387] {strides = array<i32>} : memref<4x64xf32, #tpu.memory_space<vmem>>, vector<16xf32>,
        %mul3A_1389 = arith.mulf %gather3A_1384, %get3A_1388 : vector<16xf32>
        %add3A_1390 = arith.constant 32 : i32
        %add3A_1391 = arith.addi %add3A_1390, %scan3A_1333 : i32
        %swap3A_1392 = arith.index_cast %add3A_1391 : i32 to index
        %swap3A_1393 = arith.constant 0 : index
        %swap3A_1394 = tpu.vector_load %arg16[%swap3A_1392, %swap3A_1393] {strides = array<i32>} : memref<128x64xf32, #tpu.memory_space<vmem>>, vector<16xf32>,
        tpu.vector_store %arg16[%swap3A_1392, %swap3A_1393], %mul3A_1389 {strides = array<i32>} : memref<128x64xf32, #tpu.memory_space<vmem>>, vector<16xf32>,
        %get3A_1395 = arith.constant 1 : i32
        %get3A_1396 = arith.index_cast %get3A_1395 : i32 to index
        %get3A_1397 = arith.constant 16 : index
        %get3A_1398 = tpu.vector_load %arg19[%get3A_1396, %get3A_1397] {strides = array<i32>} : memref<4x64xf32, #tpu.memory_space<vmem>>, vector<16xf32>,
        %mul3A_1399 = arith.mulf %gather3A_1384, %get3A_1398 : vector<16xf32>
        %add3A_1400 = arith.constant 32 : i32
        %add3A_1401 = arith.addi %add3A_1400, %scan3A_1333 : i32
        %swap3A_1402 = arith.index_cast %add3A_1401 : i32 to index
        %swap3A_1403 = arith.constant 16 : index
        %swap3A_1404 = tpu.vector_load %arg16[%swap3A_1402, %swap3A_1403] {strides = array<i32>} : memref<128x64xf32, #tpu.memory_space<vmem>>, vector<16xf32>,
        tpu.vector_store %arg16[%swap3A_1402, %swap3A_1403], %mul3A_1399 {strides = array<i32>} : memref<128x64xf32, #tpu.memory_space<vmem>>, vector<16xf32>,
        %get3A_1405 = arith.constant 1 : i32
        %get3A_1406 = arith.index_cast %get3A_1405 : i32 to index
        %get3A_1407 = arith.constant 32 : index
        %get3A_1408 = tpu.vector_load %arg19[%get3A_1406, %get3A_1407] {strides = array<i32>} : memref<4x64xf32, #tpu.memory_space<vmem>>, vector<16xf32>,
        %mul3A_1409 = arith.mulf %gather3A_1384, %get3A_1408 : vector<16xf32>
        %add3A_1410 = arith.constant 32 : i32
        %add3A_1411 = arith.addi %add3A_1410, %scan3A_1333 : i32
        %swap3A_1412 = arith.index_cast %add3A_1411 : i32 to index
        %swap3A_1413 = arith.constant 32 : index
        %swap3A_1414 = tpu.vector_load %arg16[%swap3A_1412, %swap3A_1413] {strides = array<i32>} : memref<128x64xf32, #tpu.memory_space<vmem>>, vector<16xf32>,
        tpu.vector_store %arg16[%swap3A_1412, %swap3A_1413], %mul3A_1409 {strides = array<i32>} : memref<128x64xf32, #tpu.memory_space<vmem>>, vector<16xf32>,
        %get3A_1415 = arith.constant 1 : i32
        %get3A_1416 = arith.index_cast %get3A_1415 : i32 to index
        %get3A_1417 = arith.constant 48 : index
        %get3A_1418 = tpu.vector_load %arg19[%get3A_1416, %get3A_1417] {strides = array<i32>} : memref<4x64xf32, #tpu.memory_space<vmem>>, vector<16xf32>,
        %mul3A_1419 = arith.mulf %gather3A_1384, %get3A_1418 : vector<16xf32>
        %add3A_1420 = arith.constant 32 : i32
        %add3A_1421 = arith.addi %add3A_1420, %scan3A_1333 : i32
        %swap3A_1422 = arith.index_cast %add3A_1421 : i32 to index
        %swap3A_1423 = arith.constant 48 : index
        %swap3A_1424 = tpu.vector_load %arg16[%swap3A_1422, %swap3A_1423] {strides = array<i32>} : memref<128x64xf32, #tpu.memory_space<vmem>>, vector<16xf32>,
        tpu.vector_store %arg16[%swap3A_1422, %swap3A_1423], %mul3A_1419 {strides = array<i32>} : memref<128x64xf32, #tpu.memory_space<vmem>>, vector<16xf32>,
        %mul3A_1425 = arith.constant 4 : i32
        %mul3A_1426 = arith.muli %scan3A_1333, %mul3A_1425 : i32
        %add3A_1427 = arith.constant 2 : i32
        %add3A_1428 = arith.addi %mul3A_1426, %add3A_1427 : i32
        %broadcast_in_dim3A_1429 = vector.broadcast %add3A_1428 : i32 to vector<16xi32>
        %gather3A_1430 = tpu.vector_load_idx %arg11[%broadcast_in_dim3A_1429] : memref<128xf32, #tpu.memory_space<vmem>>[vector<16xi32>], vector<16xf32>,
        %get3A_1431 = arith.constant 2 : i32
        %get3A_1432 = arith.index_cast %get3A_1431 : i32 to index
        %get3A_1433 = arith.constant 0 : index
        %get3A_1434 = tpu.vector_load %arg19[%get3A_1432, %get3A_1433] {strides = array<i32>} : memref<4x64xf32, #tpu.memory_space<vmem>>, vector<16xf32>,
        %mul3A_1435 = arith.mulf %gather3A_1430, %get3A_1434 : vector<16xf32>
        %add3A_1436 = arith.constant 64 : i32
        %add3A_1437 = arith.addi %add3A_1436, %scan3A_1333 : i32
        %swap3A_1438 = arith.index_cast %add3A_1437 : i32 to index
        %swap3A_1439 = arith.constant 0 : index
        %swap3A_1440 = tpu.vector_load %arg16[%swap3A_1438, %swap3A_1439] {strides = array<i32>} : memref<128x64xf32, #tpu.memory_space<vmem>>, vector<16xf32>,
        tpu.vector_store %arg16[%swap3A_1438, %swap3A_1439], %mul3A_1435 {strides = array<i32>} : memref<128x64xf32, #tpu.memory_space<vmem>>, vector<16xf32>,
        %get3A_1441 = arith.constant 2 : i32
        %get3A_1442 = arith.index_cast %get3A_1441 : i32 to index
        %get3A_1443 = arith.constant 16 : index
        %get3A_1444 = tpu.vector_load %arg19[%get3A_1442, %get3A_1443] {strides = array<i32>} : memref<4x64xf32, #tpu.memory_space<vmem>>, vector<16xf32>,
        %mul3A_1445 = arith.mulf %gather3A_1430, %get3A_1444 : vector<16xf32>
        %add3A_1446 = arith.constant 64 : i32
        %add3A_1447 = arith.addi %add3A_1446, %scan3A_1333 : i32
        %swap3A_1448 = arith.index_cast %add3A_1447 : i32 to index
        %swap3A_1449 = arith.constant 16 : index
        %swap3A_1450 = tpu.vector_load %arg16[%swap3A_1448, %swap3A_1449] {strides = array<i32>} : memref<128x64xf32, #tpu.memory_space<vmem>>, vector<16xf32>,
        tpu.vector_store %arg16[%swap3A_1448, %swap3A_1449], %mul3A_1445 {strides = array<i32>} : memref<128x64xf32, #tpu.memory_space<vmem>>, vector<16xf32>,
        %get3A_1451 = arith.constant 2 : i32
        %get3A_1452 = arith.index_cast %get3A_1451 : i32 to index
        %get3A_1453 = arith.constant 32 : index
        %get3A_1454 = tpu.vector_load %arg19[%get3A_1452, %get3A_1453] {strides = array<i32>} : memref<4x64xf32, #tpu.memory_space<vmem>>, vector<16xf32>,
        %mul3A_1455 = arith.mulf %gather3A_1430, %get3A_1454 : vector<16xf32>
        %add3A_1456 = arith.constant 64 : i32
        %add3A_1457 = arith.addi %add3A_1456, %scan3A_1333 : i32
        %swap3A_1458 = arith.index_cast %add3A_1457 : i32 to index
        %swap3A_1459 = arith.constant 32 : index
        %swap3A_1460 = tpu.vector_load %arg16[%swap3A_1458, %swap3A_1459] {strides = array<i32>} : memref<128x64xf32, #tpu.memory_space<vmem>>, vector<16xf32>,
        tpu.vector_store %arg16[%swap3A_1458, %swap3A_1459], %mul3A_1455 {strides = array<i32>} : memref<128x64xf32, #tpu.memory_space<vmem>>, vector<16xf32>,
        %get3A_1461 = arith.constant 2 : i32
        %get3A_1462 = arith.index_cast %get3A_1461 : i32 to index
        %get3A_1463 = arith.constant 48 : index
        %get3A_1464 = tpu.vector_load %arg19[%get3A_1462, %get3A_1463] {strides = array<i32>} : memref<4x64xf32, #tpu.memory_space<vmem>>, vector<16xf32>,
        %mul3A_1465 = arith.mulf %gather3A_1430, %get3A_1464 : vector<16xf32>
        %add3A_1466 = arith.constant 64 : i32
        %add3A_1467 = arith.addi %add3A_1466, %scan3A_1333 : i32
        %swap3A_1468 = arith.index_cast %add3A_1467 : i32 to index
        %swap3A_1469 = arith.constant 48 : index
        %swap3A_1470 = tpu.vector_load %arg16[%swap3A_1468, %swap3A_1469] {strides = array<i32>} : memref<128x64xf32, #tpu.memory_space<vmem>>, vector<16xf32>,
        tpu.vector_store %arg16[%swap3A_1468, %swap3A_1469], %mul3A_1465 {strides = array<i32>} : memref<128x64xf32, #tpu.memory_space<vmem>>, vector<16xf32>,
        %mul3A_1471 = arith.constant 4 : i32
        %mul3A_1472 = arith.muli %scan3A_1333, %mul3A_1471 : i32
        %add3A_1473 = arith.constant 3 : i32
        %add3A_1474 = arith.addi %mul3A_1472, %add3A_1473 : i32
        %broadcast_in_dim3A_1475 = vector.broadcast %add3A_1474 : i32 to vector<16xi32>
        %gather3A_1476 = tpu.vector_load_idx %arg11[%broadcast_in_dim3A_1475] : memref<128xf32, #tpu.memory_space<vmem>>[vector<16xi32>], vector<16xf32>,
        %get3A_1477 = arith.constant 3 : i32
        %get3A_1478 = arith.index_cast %get3A_1477 : i32 to index
        %get3A_1479 = arith.constant 0 : index
        %get3A_1480 = tpu.vector_load %arg19[%get3A_1478, %get3A_1479] {strides = array<i32>} : memref<4x64xf32, #tpu.memory_space<vmem>>, vector<16xf32>,
        %mul3A_1481 = arith.mulf %gather3A_1476, %get3A_1480 : vector<16xf32>
        %add3A_1482 = arith.constant 96 : i32
        %add3A_1483 = arith.addi %add3A_1482, %scan3A_1333 : i32
        %swap3A_1484 = arith.index_cast %add3A_1483 : i32 to index
        %swap3A_1485 = arith.constant 0 : index
        %swap3A_1486 = tpu.vector_load %arg16[%swap3A_1484, %swap3A_1485] {strides = array<i32>} : memref<128x64xf32, #tpu.memory_space<vmem>>, vector<16xf32>,
        tpu.vector_store %arg16[%swap3A_1484, %swap3A_1485], %mul3A_1481 {strides = array<i32>} : memref<128x64xf32, #tpu.memory_space<vmem>>, vector<16xf32>,
        %get3A_1487 = arith.constant 3 : i32
        %get3A_1488 = arith.index_cast %get3A_1487 : i32 to index
        %get3A_1489 = arith.constant 16 : index
        %get3A_1490 = tpu.vector_load %arg19[%get3A_1488, %get3A_1489] {strides = array<i32>} : memref<4x64xf32, #tpu.memory_space<vmem>>, vector<16xf32>,
        %mul3A_1491 = arith.mulf %gather3A_1476, %get3A_1490 : vector<16xf32>
        %add3A_1492 = arith.constant 96 : i32
        %add3A_1493 = arith.addi %add3A_1492, %scan3A_1333 : i32
        %swap3A_1494 = arith.index_cast %add3A_1493 : i32 to index
        %swap3A_1495 = arith.constant 16 : index
        %swap3A_1496 = tpu.vector_load %arg16[%swap3A_1494, %swap3A_1495] {strides = array<i32>} : memref<128x64xf32, #tpu.memory_space<vmem>>, vector<16xf32>,
        tpu.vector_store %arg16[%swap3A_1494, %swap3A_1495], %mul3A_1491 {strides = array<i32>} : memref<128x64xf32, #tpu.memory_space<vmem>>, vector<16xf32>,
        %get3A_1497 = arith.constant 3 : i32
        %get3A_1498 = arith.index_cast %get3A_1497 : i32 to index
        %get3A_1499 = arith.constant 32 : index
        %get3A_1500 = tpu.vector_load %arg19[%get3A_1498, %get3A_1499] {strides = array<i32>} : memref<4x64xf32, #tpu.memory_space<vmem>>, vector<16xf32>,
        %mul3A_1501 = arith.mulf %gather3A_1476, %get3A_1500 : vector<16xf32>
        %add3A_1502 = arith.constant 96 : i32
        %add3A_1503 = arith.addi %add3A_1502, %scan3A_1333 : i32
        %swap3A_1504 = arith.index_cast %add3A_1503 : i32 to index
        %swap3A_1505 = arith.constant 32 : index
        %swap3A_1506 = tpu.vector_load %arg16[%swap3A_1504, %swap3A_1505] {strides = array<i32>} : memref<128x64xf32, #tpu.memory_space<vmem>>, vector<16xf32>,
        tpu.vector_store %arg16[%swap3A_1504, %swap3A_1505], %mul3A_1501 {strides = array<i32>} : memref<128x64xf32, #tpu.memory_space<vmem>>, vector<16xf32>,
        %get3A_1507 = arith.constant 3 : i32
        %get3A_1508 = arith.index_cast %get3A_1507 : i32 to index
        %get3A_1509 = arith.constant 48 : index
        %get3A_1510 = tpu.vector_load %arg19[%get3A_1508, %get3A_1509] {strides = array<i32>} : memref<4x64xf32, #tpu.memory_space<vmem>>, vector<16xf32>,
        %mul3A_1511 = arith.mulf %gather3A_1476, %get3A_1510 : vector<16xf32>
        %add3A_1512 = arith.constant 96 : i32
        %add3A_1513 = arith.addi %add3A_1512, %scan3A_1333 : i32
        %swap3A_1514 = arith.index_cast %add3A_1513 : i32 to index
        %swap3A_1515 = arith.constant 48 : index
        %swap3A_1516 = tpu.vector_load %arg16[%swap3A_1514, %swap3A_1515] {strides = array<i32>} : memref<128x64xf32, #tpu.memory_space<vmem>>, vector<16xf32>,
        tpu.vector_store %arg16[%swap3A_1514, %swap3A_1515], %mul3A_1511 {strides = array<i32>} : memref<128x64xf32, #tpu.memory_space<vmem>>, vector<16xf32>,
      }
      %scan3A_1139 = arith.constant 32 : i32
      %dma_wait3A_1140 = arith.constant 0 : i32
      %dma_wait3A_1141 = arith.constant 0 : i32
      %dma_wait3A_1142 = arith.constant 0 : i32
      %dma_wait3A_1143 = tpu.memref_slice %arg13[%dma_wait3A_1141, %dma_wait3A_1142] : memref<256x64xf32, #tpu.memory_space<vmem>> -> memref<32x64xf32, #tpu.memory_space<vmem>>
      %dma_wait3A_1144 = arith.constant 0 : i32
      %dma_wait3A_1145 = tpu.memref_slice %arg12[%dma_wait3A_1140, %dma_wait3A_1144] : memref<8x32xi32, #tpu.memory_space<vmem>> -> memref<1x32xi32, #tpu.memory_space<vmem>>
      %dma_wait3A_1146 = tpu.memref_squeeze %dma_wait3A_1145 : memref<1x32xi32, #tpu.memory_space<vmem>> -> memref<32xi32, #tpu.memory_space<vmem>>
      %dma_wait3A_1147 = arith.constant 0 : i32
      %dma_wait3A_1148 = arith.constant 0 : i32
      %dma_wait3A_1149 = tpu.memref_slice %arg5[%dma_wait3A_1147, %dma_wait3A_1148] : memref<800000x64xf32, #tpu.memory_space<hbm>> -> memref<800000x64xf32, #tpu.memory_space<hbm>>
      tpu.wait_indirect_dma semaphore(%arg24 : memref<!tpu.dma_semaphore, #tpu.memory_space<semaphore_mem>>) src(%dma_wait3A_1149 : memref<800000x64xf32, #tpu.memory_space<hbm>>) dst(%dma_wait3A_1143 : memref<32x64xf32, #tpu.memory_space<vmem>>)
      %dma_wait3A_1150 = arith.constant 1 : i32
      %dma_wait3A_1151 = arith.constant 32 : i32
      %dma_wait3A_1152 = arith.constant 0 : i32
      %dma_wait3A_1153 = tpu.memref_slice %arg13[%dma_wait3A_1151, %dma_wait3A_1152] : memref<256x64xf32, #tpu.memory_space<vmem>> -> memref<32x64xf32, #tpu.memory_space<vmem>>
      %dma_wait3A_1154 = arith.constant 0 : i32
      %dma_wait3A_1155 = tpu.memref_slice %arg12[%dma_wait3A_1150, %dma_wait3A_1154] : memref<8x32xi32, #tpu.memory_space<vmem>> -> memref<1x32xi32, #tpu.memory_space<vmem>>
      %dma_wait3A_1156 = tpu.memref_squeeze %dma_wait3A_1155 : memref<1x32xi32, #tpu.memory_space<vmem>> -> memref<32xi32, #tpu.memory_space<vmem>>
      %dma_wait3A_1157 = arith.constant 0 : i32
      %dma_wait3A_1158 = arith.constant 0 : i32
      %dma_wait3A_1159 = tpu.memref_slice %arg5[%dma_wait3A_1157, %dma_wait3A_1158] : memref<800000x64xf32, #tpu.memory_space<hbm>> -> memref<800000x64xf32, #tpu.memory_space<hbm>>
      tpu.wait_indirect_dma semaphore(%arg24 : memref<!tpu.dma_semaphore, #tpu.memory_space<semaphore_mem>>) src(%dma_wait3A_1159 : memref<800000x64xf32, #tpu.memory_space<hbm>>) dst(%dma_wait3A_1153 : memref<32x64xf32, #tpu.memory_space<vmem>>)
      %dma_wait3A_1160 = arith.constant 2 : i32
      %dma_wait3A_1161 = arith.constant 64 : i32
      %dma_wait3A_1162 = arith.constant 0 : i32
      %dma_wait3A_1163 = tpu.memref_slice %arg13[%dma_wait3A_1161, %dma_wait3A_1162] : memref<256x64xf32, #tpu.memory_space<vmem>> -> memref<32x64xf32, #tpu.memory_space<vmem>>
      %dma_wait3A_1164 = arith.constant 0 : i32
      %dma_wait3A_1165 = tpu.memref_slice %arg12[%dma_wait3A_1160, %dma_wait3A_1164] : memref<8x32xi32, #tpu.memory_space<vmem>> -> memref<1x32xi32, #tpu.memory_space<vmem>>
      %dma_wait3A_1166 = tpu.memref_squeeze %dma_wait3A_1165 : memref<1x32xi32, #tpu.memory_space<vmem>> -> memref<32xi32, #tpu.memory_space<vmem>>
      %dma_wait3A_1167 = arith.constant 0 : i32
      %dma_wait3A_1168 = arith.constant 0 : i32
      %dma_wait3A_1169 = tpu.memref_slice %arg5[%dma_wait3A_1167, %dma_wait3A_1168] : memref<800000x64xf32, #tpu.memory_space<hbm>> -> memref<800000x64xf32, #tpu.memory_space<hbm>>
      tpu.wait_indirect_dma semaphore(%arg24 : memref<!tpu.dma_semaphore, #tpu.memory_space<semaphore_mem>>) src(%dma_wait3A_1169 : memref<800000x64xf32, #tpu.memory_space<hbm>>) dst(%dma_wait3A_1163 : memref<32x64xf32, #tpu.memory_space<vmem>>)
      %dma_wait3A_1170 = arith.constant 3 : i32
      %dma_wait3A_1171 = arith.constant 96 : i32
      %dma_wait3A_1172 = arith.constant 0 : i32
      %dma_wait3A_1173 = tpu.memref_slice %arg13[%dma_wait3A_1171, %dma_wait3A_1172] : memref<256x64xf32, #tpu.memory_space<vmem>> -> memref<32x64xf32, #tpu.memory_space<vmem>>
      %dma_wait3A_1174 = arith.constant 0 : i32
      %dma_wait3A_1175 = tpu.memref_slice %arg12[%dma_wait3A_1170, %dma_wait3A_1174] : memref<8x32xi32, #tpu.memory_space<vmem>> -> memref<1x32xi32, #tpu.memory_space<vmem>>
      %dma_wait3A_1176 = tpu.memref_squeeze %dma_wait3A_1175 : memref<1x32xi32, #tpu.memory_space<vmem>> -> memref<32xi32, #tpu.memory_space<vmem>>
      %dma_wait3A_1177 = arith.constant 0 : i32
      %dma_wait3A_1178 = arith.constant 0 : i32
      %dma_wait3A_1179 = tpu.memref_slice %arg5[%dma_wait3A_1177, %dma_wait3A_1178] : memref<800000x64xf32, #tpu.memory_space<hbm>> -> memref<800000x64xf32, #tpu.memory_space<hbm>>
      tpu.wait_indirect_dma semaphore(%arg24 : memref<!tpu.dma_semaphore, #tpu.memory_space<semaphore_mem>>) src(%dma_wait3A_1179 : memref<800000x64xf32, #tpu.memory_space<hbm>>) dst(%dma_wait3A_1173 : memref<32x64xf32, #tpu.memory_space<vmem>>)
      %dma_wait3A_1180 = arith.constant 4 : i32
      %dma_wait3A_1181 = arith.constant 128 : i32
      %dma_wait3A_1182 = arith.constant 0 : i32
      %dma_wait3A_1183 = tpu.memref_slice %arg13[%dma_wait3A_1181, %dma_wait3A_1182] : memref<256x64xf32, #tpu.memory_space<vmem>> -> memref<32x64xf32, #tpu.memory_space<vmem>>
      %dma_wait3A_1184 = arith.constant 0 : i32
      %dma_wait3A_1185 = tpu.memref_slice %arg12[%dma_wait3A_1180, %dma_wait3A_1184] : memref<8x32xi32, #tpu.memory_space<vmem>> -> memref<1x32xi32, #tpu.memory_space<vmem>>
      %dma_wait3A_1186 = tpu.memref_squeeze %dma_wait3A_1185 : memref<1x32xi32, #tpu.memory_space<vmem>> -> memref<32xi32, #tpu.memory_space<vmem>>
      %dma_wait3A_1187 = arith.constant 0 : i32
      %dma_wait3A_1188 = arith.constant 0 : i32
      %dma_wait3A_1189 = tpu.memref_slice %arg5[%dma_wait3A_1187, %dma_wait3A_1188] : memref<800000x64xf32, #tpu.memory_space<hbm>> -> memref<800000x64xf32, #tpu.memory_space<hbm>>
      tpu.wait_indirect_dma semaphore(%arg24 : memref<!tpu.dma_semaphore, #tpu.memory_space<semaphore_mem>>) src(%dma_wait3A_1189 : memref<800000x64xf32, #tpu.memory_space<hbm>>) dst(%dma_wait3A_1183 : memref<32x64xf32, #tpu.memory_space<vmem>>)
      %dma_wait3A_1190 = arith.constant 5 : i32
      %dma_wait3A_1191 = arith.constant 160 : i32
      %dma_wait3A_1192 = arith.constant 0 : i32
      %dma_wait3A_1193 = tpu.memref_slice %arg13[%dma_wait3A_1191, %dma_wait3A_1192] : memref<256x64xf32, #tpu.memory_space<vmem>> -> memref<32x64xf32, #tpu.memory_space<vmem>>
      %dma_wait3A_1194 = arith.constant 0 : i32
      %dma_wait3A_1195 = tpu.memref_slice %arg12[%dma_wait3A_1190, %dma_wait3A_1194] : memref<8x32xi32, #tpu.memory_space<vmem>> -> memref<1x32xi32, #tpu.memory_space<vmem>>
      %dma_wait3A_1196 = tpu.memref_squeeze %dma_wait3A_1195 : memref<1x32xi32, #tpu.memory_space<vmem>> -> memref<32xi32, #tpu.memory_space<vmem>>
      %dma_wait3A_1197 = arith.constant 0 : i32
      %dma_wait3A_1198 = arith.constant 0 : i32
      %dma_wait3A_1199 = tpu.memref_slice %arg5[%dma_wait3A_1197, %dma_wait3A_1198] : memref<800000x64xf32, #tpu.memory_space<hbm>> -> memref<800000x64xf32, #tpu.memory_space<hbm>>
      tpu.wait_indirect_dma semaphore(%arg24 : memref<!tpu.dma_semaphore, #tpu.memory_space<semaphore_mem>>) src(%dma_wait3A_1199 : memref<800000x64xf32, #tpu.memory_space<hbm>>) dst(%dma_wait3A_1193 : memref<32x64xf32, #tpu.memory_space<vmem>>)
      %dma_wait3A_1200 = arith.constant 6 : i32
      %dma_wait3A_1201 = arith.constant 192 : i32
      %dma_wait3A_1202 = arith.constant 0 : i32
      %dma_wait3A_1203 = tpu.memref_slice %arg13[%dma_wait3A_1201, %dma_wait3A_1202] : memref<256x64xf32, #tpu.memory_space<vmem>> -> memref<32x64xf32, #tpu.memory_space<vmem>>
      %dma_wait3A_1204 = arith.constant 0 : i32
      %dma_wait3A_1205 = tpu.memref_slice %arg12[%dma_wait3A_1200, %dma_wait3A_1204] : memref<8x32xi32, #tpu.memory_space<vmem>> -> memref<1x32xi32, #tpu.memory_space<vmem>>
      %dma_wait3A_1206 = tpu.memref_squeeze %dma_wait3A_1205 : memref<1x32xi32, #tpu.memory_space<vmem>> -> memref<32xi32, #tpu.memory_space<vmem>>
      %dma_wait3A_1207 = arith.constant 0 : i32
      %dma_wait3A_1208 = arith.constant 0 : i32
      %dma_wait3A_1209 = tpu.memref_slice %arg5[%dma_wait3A_1207, %dma_wait3A_1208] : memref<800000x64xf32, #tpu.memory_space<hbm>> -> memref<800000x64xf32, #tpu.memory_space<hbm>>
      tpu.wait_indirect_dma semaphore(%arg24 : memref<!tpu.dma_semaphore, #tpu.memory_space<semaphore_mem>>) src(%dma_wait3A_1209 : memref<800000x64xf32, #tpu.memory_space<hbm>>) dst(%dma_wait3A_1203 : memref<32x64xf32, #tpu.memory_space<vmem>>)
      %dma_wait3A_1210 = arith.constant 7 : i32
      %dma_wait3A_1211 = arith.constant 224 : i32
      %dma_wait3A_1212 = arith.constant 0 : i32
      %dma_wait3A_1213 = tpu.memref_slice %arg13[%dma_wait3A_1211, %dma_wait3A_1212] : memref<256x64xf32, #tpu.memory_space<vmem>> -> memref<32x64xf32, #tpu.memory_space<vmem>>
      %dma_wait3A_1214 = arith.constant 0 : i32
      %dma_wait3A_1215 = tpu.memref_slice %arg12[%dma_wait3A_1210, %dma_wait3A_1214] : memref<8x32xi32, #tpu.memory_space<vmem>> -> memref<1x32xi32, #tpu.memory_space<vmem>>
      %dma_wait3A_1216 = tpu.memref_squeeze %dma_wait3A_1215 : memref<1x32xi32, #tpu.memory_space<vmem>> -> memref<32xi32, #tpu.memory_space<vmem>>
      %dma_wait3A_1217 = arith.constant 0 : i32
      %dma_wait3A_1218 = arith.constant 0 : i32
      %dma_wait3A_1219 = tpu.memref_slice %arg5[%dma_wait3A_1217, %dma_wait3A_1218] : memref<800000x64xf32, #tpu.memory_space<hbm>> -> memref<800000x64xf32, #tpu.memory_space<hbm>>
      tpu.wait_indirect_dma semaphore(%arg24 : memref<!tpu.dma_semaphore, #tpu.memory_space<semaphore_mem>>) src(%dma_wait3A_1219 : memref<800000x64xf32, #tpu.memory_space<hbm>>) dst(%dma_wait3A_1213 : memref<32x64xf32, #tpu.memory_space<vmem>>)
      %dma_wait3A_1220 = arith.constant 0 : i32
      %dma_wait3A_1221 = arith.constant 0 : i32
      %dma_wait3A_1222 = tpu.memref_slice %arg14[%dma_wait3A_1220, %dma_wait3A_1221] : memref<640x64xf32, #tpu.memory_space<vmem>> -> memref<128x64xf32, #tpu.memory_space<vmem>>
      %dma_wait3A_1223 = arith.constant 0 : i32
      %dma_wait3A_1224 = tpu.memref_slice %arg10[%dma_wait3A_1223] : memref<640xi32, #tpu.memory_space<vmem>> -> memref<128xi32, #tpu.memory_space<vmem>>
      %dma_wait3A_1225 = arith.constant 0 : i32
      %dma_wait3A_1226 = arith.constant 0 : i32
      %dma_wait3A_1227 = tpu.memref_slice %arg7[%dma_wait3A_1225, %dma_wait3A_1226] : memref<100000x64xf32, #tpu.memory_space<hbm>> -> memref<100000x64xf32, #tpu.memory_space<hbm>>
      tpu.wait_indirect_dma semaphore(%arg24 : memref<!tpu.dma_semaphore, #tpu.memory_space<semaphore_mem>>) src(%dma_wait3A_1227 : memref<100000x64xf32, #tpu.memory_space<hbm>>) dst(%dma_wait3A_1222 : memref<128x64xf32, #tpu.memory_space<vmem>>)
      %dma_wait3A_1228 = arith.constant 128 : i32
      %dma_wait3A_1229 = arith.constant 0 : i32
      %dma_wait3A_1230 = tpu.memref_slice %arg14[%dma_wait3A_1228, %dma_wait3A_1229] : memref<640x64xf32, #tpu.memory_space<vmem>> -> memref<128x64xf32, #tpu.memory_space<vmem>>
      %dma_wait3A_1231 = arith.constant 128 : i32
      %dma_wait3A_1232 = tpu.memref_slice %arg10[%dma_wait3A_1231] : memref<640xi32, #tpu.memory_space<vmem>> -> memref<128xi32, #tpu.memory_space<vmem>>
      %dma_wait3A_1233 = arith.constant 0 : i32
      %dma_wait3A_1234 = arith.constant 0 : i32
      %dma_wait3A_1235 = tpu.memref_slice %arg7[%dma_wait3A_1233, %dma_wait3A_1234] : memref<100000x64xf32, #tpu.memory_space<hbm>> -> memref<100000x64xf32, #tpu.memory_space<hbm>>
      tpu.wait_indirect_dma semaphore(%arg24 : memref<!tpu.dma_semaphore, #tpu.memory_space<semaphore_mem>>) src(%dma_wait3A_1235 : memref<100000x64xf32, #tpu.memory_space<hbm>>) dst(%dma_wait3A_1230 : memref<128x64xf32, #tpu.memory_space<vmem>>)
      %dma_wait3A_1236 = arith.constant 256 : i32
      %dma_wait3A_1237 = arith.constant 0 : i32
      %dma_wait3A_1238 = tpu.memref_slice %arg14[%dma_wait3A_1236, %dma_wait3A_1237] : memref<640x64xf32, #tpu.memory_space<vmem>> -> memref<128x64xf32, #tpu.memory_space<vmem>>
      %dma_wait3A_1239 = arith.constant 256 : i32
      %dma_wait3A_1240 = tpu.memref_slice %arg10[%dma_wait3A_1239] : memref<640xi32, #tpu.memory_space<vmem>> -> memref<128xi32, #tpu.memory_space<vmem>>
      %dma_wait3A_1241 = arith.constant 0 : i32
      %dma_wait3A_1242 = arith.constant 0 : i32
      %dma_wait3A_1243 = tpu.memref_slice %arg7[%dma_wait3A_1241, %dma_wait3A_1242] : memref<100000x64xf32, #tpu.memory_space<hbm>> -> memref<100000x64xf32, #tpu.memory_space<hbm>>
      tpu.wait_indirect_dma semaphore(%arg24 : memref<!tpu.dma_semaphore, #tpu.memory_space<semaphore_mem>>) src(%dma_wait3A_1243 : memref<100000x64xf32, #tpu.memory_space<hbm>>) dst(%dma_wait3A_1238 : memref<128x64xf32, #tpu.memory_space<vmem>>)
      %dma_wait3A_1244 = arith.constant 384 : i32
      %dma_wait3A_1245 = arith.constant 0 : i32
      %dma_wait3A_1246 = tpu.memref_slice %arg14[%dma_wait3A_1244, %dma_wait3A_1245] : memref<640x64xf32, #tpu.memory_space<vmem>> -> memref<128x64xf32, #tpu.memory_space<vmem>>
      %dma_wait3A_1247 = arith.constant 384 : i32
      %dma_wait3A_1248 = tpu.memref_slice %arg10[%dma_wait3A_1247] : memref<640xi32, #tpu.memory_space<vmem>> -> memref<128xi32, #tpu.memory_space<vmem>>
      %dma_wait3A_1249 = arith.constant 0 : i32
      %dma_wait3A_1250 = arith.constant 0 : i32
      %dma_wait3A_1251 = tpu.memref_slice %arg7[%dma_wait3A_1249, %dma_wait3A_1250] : memref<100000x64xf32, #tpu.memory_space<hbm>> -> memref<100000x64xf32, #tpu.memory_space<hbm>>
      tpu.wait_indirect_dma semaphore(%arg24 : memref<!tpu.dma_semaphore, #tpu.memory_space<semaphore_mem>>) src(%dma_wait3A_1251 : memref<100000x64xf32, #tpu.memory_space<hbm>>) dst(%dma_wait3A_1246 : memref<128x64xf32, #tpu.memory_space<vmem>>)
      %dma_wait3A_1252 = arith.constant 512 : i32
      %dma_wait3A_1253 = arith.constant 0 : i32
      %dma_wait3A_1254 = tpu.memref_slice %arg14[%dma_wait3A_1252, %dma_wait3A_1253] : memref<640x64xf32, #tpu.memory_space<vmem>> -> memref<128x64xf32, #tpu.memory_space<vmem>>
      %dma_wait3A_1255 = arith.constant 512 : i32
      %dma_wait3A_1256 = tpu.memref_slice %arg10[%dma_wait3A_1255] : memref<640xi32, #tpu.memory_space<vmem>> -> memref<128xi32, #tpu.memory_space<vmem>>
      %dma_wait3A_1257 = arith.constant 0 : i32
      %dma_wait3A_1258 = arith.constant 0 : i32
      %dma_wait3A_1259 = tpu.memref_slice %arg7[%dma_wait3A_1257, %dma_wait3A_1258] : memref<100000x64xf32, #tpu.memory_space<hbm>> -> memref<100000x64xf32, #tpu.memory_space<hbm>>
      tpu.wait_indirect_dma semaphore(%arg24 : memref<!tpu.dma_semaphore, #tpu.memory_space<semaphore_mem>>) src(%dma_wait3A_1259 : memref<100000x64xf32, #tpu.memory_space<hbm>>) dst(%dma_wait3A_1254 : memref<128x64xf32, #tpu.memory_space<vmem>>)
      %dma_start3A_1260 = arith.constant 0 : i32
      %dma_start3A_1261 = arith.constant 0 : i32
      %dma_start3A_1262 = arith.constant 0 : i32
      %dma_start3A_1263 = tpu.memref_slice %arg13[%dma_start3A_1261, %dma_start3A_1262] : memref<256x64xf32, #tpu.memory_space<vmem>> -> memref<128x64xf32, #tpu.memory_space<vmem>>
      %dma_start3A_1264 = arith.constant 0 : i32
      %dma_start3A_1265 = tpu.memref_slice %arg21[%dma_start3A_1260, %dma_start3A_1264] : memref<3x128xi32, #tpu.memory_space<vmem>> -> memref<1x128xi32, #tpu.memory_space<vmem>>
      %dma_start3A_1266 = tpu.memref_squeeze %dma_start3A_1265 : memref<1x128xi32, #tpu.memory_space<vmem>> -> memref<128xi32, #tpu.memory_space<vmem>>
      %dma_start3A_1267 = arith.constant 0 : i32
      %dma_start3A_1268 = arith.constant 0 : i32
      %dma_start3A_1269 = tpu.memref_slice %arg8[%dma_start3A_1267, %dma_start3A_1268] : memref<665600x64xf32, #tpu.memory_space<hbm>> -> memref<665600x64xf32, #tpu.memory_space<hbm>>
      tpu.enqueue_indirect_dma source(%dma_start3A_1263 : memref<128x64xf32, #tpu.memory_space<vmem>>) target(%dma_start3A_1269 : memref<665600x64xf32, #tpu.memory_space<hbm>>) offsets(%dma_start3A_1266 : memref<128xi32, #tpu.memory_space<vmem>>) semaphore(%arg25 : memref<!tpu.dma_semaphore, #tpu.memory_space<semaphore_mem>>)
      %dma_start3A_1270 = arith.constant 1 : i32
      %dma_start3A_1271 = arith.constant 128 : i32
      %dma_start3A_1272 = arith.constant 0 : i32
      %dma_start3A_1273 = tpu.memref_slice %arg13[%dma_start3A_1271, %dma_start3A_1272] : memref<256x64xf32, #tpu.memory_space<vmem>> -> memref<128x64xf32, #tpu.memory_space<vmem>>
      %dma_start3A_1274 = arith.constant 0 : i32
      %dma_start3A_1275 = tpu.memref_slice %arg21[%dma_start3A_1270, %dma_start3A_1274] : memref<3x128xi32, #tpu.memory_space<vmem>> -> memref<1x128xi32, #tpu.memory_space<vmem>>
      %dma_start3A_1276 = tpu.memref_squeeze %dma_start3A_1275 : memref<1x128xi32, #tpu.memory_space<vmem>> -> memref<128xi32, #tpu.memory_space<vmem>>
      %dma_start3A_1277 = arith.constant 0 : i32
      %dma_start3A_1278 = arith.constant 0 : i32
      %dma_start3A_1279 = tpu.memref_slice %arg8[%dma_start3A_1277, %dma_start3A_1278] : memref<665600x64xf32, #tpu.memory_space<hbm>> -> memref<665600x64xf32, #tpu.memory_space<hbm>>
      tpu.enqueue_indirect_dma source(%dma_start3A_1273 : memref<128x64xf32, #tpu.memory_space<vmem>>) target(%dma_start3A_1279 : memref<665600x64xf32, #tpu.memory_space<hbm>>) offsets(%dma_start3A_1276 : memref<128xi32, #tpu.memory_space<vmem>>) semaphore(%arg25 : memref<!tpu.dma_semaphore, #tpu.memory_space<semaphore_mem>>)
      %dma_start3A_1280 = arith.constant 2 : i32
      %dma_start3A_1281 = arith.constant 0 : i32
      %dma_start3A_1282 = tpu.memref_slice %arg21[%dma_start3A_1280, %dma_start3A_1281] : memref<3x128xi32, #tpu.memory_space<vmem>> -> memref<1x128xi32, #tpu.memory_space<vmem>>
      %dma_start3A_1283 = tpu.memref_squeeze %dma_start3A_1282 : memref<1x128xi32, #tpu.memory_space<vmem>> -> memref<128xi32, #tpu.memory_space<vmem>>
      %dma_start3A_1284 = arith.constant 0 : i32
      %dma_start3A_1285 = arith.constant 0 : i32
      %dma_start3A_1286 = tpu.memref_slice %arg8[%dma_start3A_1284, %dma_start3A_1285] : memref<665600x64xf32, #tpu.memory_space<hbm>> -> memref<665600x64xf32, #tpu.memory_space<hbm>>
      tpu.enqueue_indirect_dma source(%arg16 : memref<128x64xf32, #tpu.memory_space<vmem>>) target(%dma_start3A_1286 : memref<665600x64xf32, #tpu.memory_space<hbm>>) offsets(%dma_start3A_1283 : memref<128xi32, #tpu.memory_space<vmem>>) semaphore(%arg25 : memref<!tpu.dma_semaphore, #tpu.memory_space<semaphore_mem>>)
      %scan3A_1287 = arith.constant 0 : i32
      %scan3A_1288 = arith.constant 32 : i32
      %scan3A_1289 = arith.addi %scan3A_1287, %scan3A_1288 : i32
      %scan3A_1290 = arith.constant 1 : i32
      scf.for %scan3A_1333 = %scan3A_1287 to %scan3A_1289 step %scan3A_1290  : i32 {
        %broadcast_in_dim3A_1334 = vector.broadcast %scan3A_1333 : i32 to vector<16xi32>
        %gather3A_1335 = tpu.vector_load_idx %arg17[%broadcast_in_dim3A_1334] : memref<32xf32, #tpu.memory_space<vmem>>[vector<16xi32>], vector<16xf32>,
        %gather3A_1336 = tpu.vector_load_idx %arg18[%broadcast_in_dim3A_1334] : memref<32xf32, #tpu.memory_space<vmem>>[vector<16xi32>], vector<16xf32>,
        %mul3A_1337 = arith.constant 20 : i32
        %mul3A_1338 = arith.muli %scan3A_1333, %mul3A_1337 : i32
        %add3A_1339 = arith.constant 0 : i32
        %add3A_1340 = arith.addi %mul3A_1338, %add3A_1339 : i32
        %get3A = arith.index_cast %add3A_1340 : i32 to index
        %get3A_1341 = arith.constant 0 : index
        %get3A_1342 = tpu.vector_load %arg14[%get3A, %get3A_1341] {strides = array<i32>} : memref<640x64xf32, #tpu.memory_space<vmem>>, vector<16xf32>,
        %mul3A_1343 = arith.constant 20 : i32
        %mul3A_1344 = arith.muli %scan3A_1333, %mul3A_1343 : i32
        %add3A_1345 = arith.constant 1 : i32
        %add3A_1346 = arith.addi %mul3A_1344, %add3A_1345 : i32
        %get3A_1347 = arith.index_cast %add3A_1346 : i32 to index
        %get3A_1348 = arith.constant 0 : index
        %get3A_1349 = tpu.vector_load %arg14[%get3A_1347, %get3A_1348] {strides = array<i32>} : memref<640x64xf32, #tpu.memory_space<vmem>>, vector<16xf32>,
        %mul3A_1350 = arith.constant 20 : i32
        %mul3A_1351 = arith.muli %scan3A_1333, %mul3A_1350 : i32
        %add3A_1352 = arith.constant 2 : i32
        %add3A_1353 = arith.addi %mul3A_1351, %add3A_1352 : i32
        %get3A_1354 = arith.index_cast %add3A_1353 : i32 to index
        %get3A_1355 = arith.constant 0 : index
        %get3A_1356 = tpu.vector_load %arg14[%get3A_1354, %get3A_1355] {strides = array<i32>} : memref<640x64xf32, #tpu.memory_space<vmem>>, vector<16xf32>,
        %mul3A_1357 = arith.constant 20 : i32
        %mul3A_1358 = arith.muli %scan3A_1333, %mul3A_1357 : i32
        %add3A_1359 = arith.constant 3 : i32
        %add3A_1360 = arith.addi %mul3A_1358, %add3A_1359 : i32
        %get3A_1361 = arith.index_cast %add3A_1360 : i32 to index
        %get3A_1362 = arith.constant 0 : index
        %get3A_1363 = tpu.vector_load %arg14[%get3A_1361, %get3A_1362] {strides = array<i32>} : memref<640x64xf32, #tpu.memory_space<vmem>>, vector<16xf32>,
        %mul3A_1364 = arith.constant 20 : i32
        %mul3A_1365 = arith.muli %scan3A_1333, %mul3A_1364 : i32
        %add3A_1366 = arith.constant 4 : i32
        %add3A_1367 = arith.addi %mul3A_1365, %add3A_1366 : i32
        %get3A_1368 = arith.index_cast %add3A_1367 : i32 to index
        %get3A_1369 = arith.constant 0 : index
        %get3A_1370 = tpu.vector_load %arg14[%get3A_1368, %get3A_1369] {strides = array<i32>} : memref<640x64xf32, #tpu.memory_space<vmem>>, vector<16xf32>,
        %mul3A_1371 = arith.constant 20 : i32
        %mul3A_1372 = arith.muli %scan3A_1333, %mul3A_1371 : i32
        %add3A_1373 = arith.constant 5 : i32
        %add3A_1374 = arith.addi %mul3A_1372, %add3A_1373 : i32
        %get3A_1375 = arith.index_cast %add3A_1374 : i32 to index
        %get3A_1376 = arith.constant 0 : index
        %get3A_1377 = tpu.vector_load %arg14[%get3A_1375, %get3A_1376] {strides = array<i32>} : memref<640x64xf32, #tpu.memory_space<vmem>>, vector<16xf32>,
        %mul3A_1378 = arith.constant 20 : i32
        %mul3A_1379 = arith.muli %scan3A_1333, %mul3A_1378 : i32
        %add3A_1380 = arith.constant 6 : i32
        %add3A_1381 = arith.addi %mul3A_1379, %add3A_1380 : i32
        %get3A_1382 = arith.index_cast %add3A_1381 : i32 to index
        %get3A_1383 = arith.constant 0 : index
        %get3A_1384 = tpu.vector_load %arg14[%get3A_1382, %get3A_1383] {strides = array<i32>} : memref<640x64xf32, #tpu.memory_space<vmem>>, vector<16xf32>,
        %mul3A_1385 = arith.constant 20 : i32
        %mul3A_1386 = arith.muli %scan3A_1333, %mul3A_1385 : i32
        %add3A_1387 = arith.constant 7 : i32
        %add3A_1388 = arith.addi %mul3A_1386, %add3A_1387 : i32
        %get3A_1389 = arith.index_cast %add3A_1388 : i32 to index
        %get3A_1390 = arith.constant 0 : index
        %get3A_1391 = tpu.vector_load %arg14[%get3A_1389, %get3A_1390] {strides = array<i32>} : memref<640x64xf32, #tpu.memory_space<vmem>>, vector<16xf32>,
        %mul3A_1392 = arith.constant 20 : i32
        %mul3A_1393 = arith.muli %scan3A_1333, %mul3A_1392 : i32
        %add3A_1394 = arith.constant 8 : i32
        %add3A_1395 = arith.addi %mul3A_1393, %add3A_1394 : i32
        %get3A_1396 = arith.index_cast %add3A_1395 : i32 to index
        %get3A_1397 = arith.constant 0 : index
        %get3A_1398 = tpu.vector_load %arg14[%get3A_1396, %get3A_1397] {strides = array<i32>} : memref<640x64xf32, #tpu.memory_space<vmem>>, vector<16xf32>,
        %mul3A_1399 = arith.constant 20 : i32
        %mul3A_1400 = arith.muli %scan3A_1333, %mul3A_1399 : i32
        %add3A_1401 = arith.constant 9 : i32
        %add3A_1402 = arith.addi %mul3A_1400, %add3A_1401 : i32
        %get3A_1403 = arith.index_cast %add3A_1402 : i32 to index
        %get3A_1404 = arith.constant 0 : index
        %get3A_1405 = tpu.vector_load %arg14[%get3A_1403, %get3A_1404] {strides = array<i32>} : memref<640x64xf32, #tpu.memory_space<vmem>>, vector<16xf32>,
        %mul3A_1406 = arith.constant 20 : i32
        %mul3A_1407 = arith.muli %scan3A_1333, %mul3A_1406 : i32
        %add3A_1408 = arith.constant 10 : i32
        %add3A_1409 = arith.addi %mul3A_1407, %add3A_1408 : i32
        %get3A_1410 = arith.index_cast %add3A_1409 : i32 to index
        %get3A_1411 = arith.constant 0 : index
        %get3A_1412 = tpu.vector_load %arg14[%get3A_1410, %get3A_1411] {strides = array<i32>} : memref<640x64xf32, #tpu.memory_space<vmem>>, vector<16xf32>,
        %mul3A_1413 = arith.constant 20 : i32
        %mul3A_1414 = arith.muli %scan3A_1333, %mul3A_1413 : i32
        %add3A_1415 = arith.constant 11 : i32
        %add3A_1416 = arith.addi %mul3A_1414, %add3A_1415 : i32
        %get3A_1417 = arith.index_cast %add3A_1416 : i32 to index
        %get3A_1418 = arith.constant 0 : index
        %get3A_1419 = tpu.vector_load %arg14[%get3A_1417, %get3A_1418] {strides = array<i32>} : memref<640x64xf32, #tpu.memory_space<vmem>>, vector<16xf32>,
        %mul3A_1420 = arith.constant 20 : i32
        %mul3A_1421 = arith.muli %scan3A_1333, %mul3A_1420 : i32
        %add3A_1422 = arith.constant 12 : i32
        %add3A_1423 = arith.addi %mul3A_1421, %add3A_1422 : i32
        %get3A_1424 = arith.index_cast %add3A_1423 : i32 to index
        %get3A_1425 = arith.constant 0 : index
        %get3A_1426 = tpu.vector_load %arg14[%get3A_1424, %get3A_1425] {strides = array<i32>} : memref<640x64xf32, #tpu.memory_space<vmem>>, vector<16xf32>,
        %mul3A_1427 = arith.constant 20 : i32
        %mul3A_1428 = arith.muli %scan3A_1333, %mul3A_1427 : i32
        %add3A_1429 = arith.constant 13 : i32
        %add3A_1430 = arith.addi %mul3A_1428, %add3A_1429 : i32
        %get3A_1431 = arith.index_cast %add3A_1430 : i32 to index
        %get3A_1432 = arith.constant 0 : index
        %get3A_1433 = tpu.vector_load %arg14[%get3A_1431, %get3A_1432] {strides = array<i32>} : memref<640x64xf32, #tpu.memory_space<vmem>>, vector<16xf32>,
        %mul3A_1434 = arith.constant 20 : i32
        %mul3A_1435 = arith.muli %scan3A_1333, %mul3A_1434 : i32
        %add3A_1436 = arith.constant 14 : i32
        %add3A_1437 = arith.addi %mul3A_1435, %add3A_1436 : i32
        %get3A_1438 = arith.index_cast %add3A_1437 : i32 to index
        %get3A_1439 = arith.constant 0 : index
        %get3A_1440 = tpu.vector_load %arg14[%get3A_1438, %get3A_1439] {strides = array<i32>} : memref<640x64xf32, #tpu.memory_space<vmem>>, vector<16xf32>,
        %mul3A_1441 = arith.constant 20 : i32
        %mul3A_1442 = arith.muli %scan3A_1333, %mul3A_1441 : i32
        %add3A_1443 = arith.constant 15 : i32
        %add3A_1444 = arith.addi %mul3A_1442, %add3A_1443 : i32
        %get3A_1445 = arith.index_cast %add3A_1444 : i32 to index
        %get3A_1446 = arith.constant 0 : index
        %get3A_1447 = tpu.vector_load %arg14[%get3A_1445, %get3A_1446] {strides = array<i32>} : memref<640x64xf32, #tpu.memory_space<vmem>>, vector<16xf32>,
        %mul3A_1448 = arith.constant 20 : i32
        %mul3A_1449 = arith.muli %scan3A_1333, %mul3A_1448 : i32
        %add3A_1450 = arith.constant 16 : i32
        %add3A_1451 = arith.addi %mul3A_1449, %add3A_1450 : i32
        %get3A_1452 = arith.index_cast %add3A_1451 : i32 to index
        %get3A_1453 = arith.constant 0 : index
        %get3A_1454 = tpu.vector_load %arg14[%get3A_1452, %get3A_1453] {strides = array<i32>} : memref<640x64xf32, #tpu.memory_space<vmem>>, vector<16xf32>,
        %mul3A_1455 = arith.constant 20 : i32
        %mul3A_1456 = arith.muli %scan3A_1333, %mul3A_1455 : i32
        %add3A_1457 = arith.constant 17 : i32
        %add3A_1458 = arith.addi %mul3A_1456, %add3A_1457 : i32
        %get3A_1459 = arith.index_cast %add3A_1458 : i32 to index
        %get3A_1460 = arith.constant 0 : index
        %get3A_1461 = tpu.vector_load %arg14[%get3A_1459, %get3A_1460] {strides = array<i32>} : memref<640x64xf32, #tpu.memory_space<vmem>>, vector<16xf32>,
        %mul3A_1462 = arith.constant 20 : i32
        %mul3A_1463 = arith.muli %scan3A_1333, %mul3A_1462 : i32
        %add3A_1464 = arith.constant 18 : i32
        %add3A_1465 = arith.addi %mul3A_1463, %add3A_1464 : i32
        %get3A_1466 = arith.index_cast %add3A_1465 : i32 to index
        %get3A_1467 = arith.constant 0 : index
        %get3A_1468 = tpu.vector_load %arg14[%get3A_1466, %get3A_1467] {strides = array<i32>} : memref<640x64xf32, #tpu.memory_space<vmem>>, vector<16xf32>,
        %mul3A_1469 = arith.constant 20 : i32
        %mul3A_1470 = arith.muli %scan3A_1333, %mul3A_1469 : i32
        %add3A_1471 = arith.constant 19 : i32
        %add3A_1472 = arith.addi %mul3A_1470, %add3A_1471 : i32
        %get3A_1473 = arith.index_cast %add3A_1472 : i32 to index
        %get3A_1474 = arith.constant 0 : index
        %get3A_1475 = tpu.vector_load %arg14[%get3A_1473, %get3A_1474] {strides = array<i32>} : memref<640x64xf32, #tpu.memory_space<vmem>>, vector<16xf32>,
        %add3A_1476 = arith.addf %get3A_1342, %get3A_1349 : vector<16xf32>
        %add3A_1477 = arith.addf %get3A_1356, %get3A_1363 : vector<16xf32>
        %add3A_1478 = arith.addf %get3A_1370, %get3A_1377 : vector<16xf32>
        %add3A_1479 = arith.addf %get3A_1384, %get3A_1391 : vector<16xf32>
        %add3A_1480 = arith.addf %get3A_1398, %get3A_1405 : vector<16xf32>
        %add3A_1481 = arith.addf %get3A_1412, %get3A_1419 : vector<16xf32>
        %add3A_1482 = arith.addf %get3A_1426, %get3A_1433 : vector<16xf32>
        %add3A_1483 = arith.addf %get3A_1440, %get3A_1447 : vector<16xf32>
        %add3A_1484 = arith.addf %get3A_1454, %get3A_1461 : vector<16xf32>
        %add3A_1485 = arith.addf %get3A_1468, %get3A_1475 : vector<16xf32>
        %add3A_1486 = arith.addf %add3A_1476, %add3A_1477 : vector<16xf32>
        %add3A_1487 = arith.addf %add3A_1478, %add3A_1479 : vector<16xf32>
        %add3A_1488 = arith.addf %add3A_1480, %add3A_1481 : vector<16xf32>
        %add3A_1489 = arith.addf %add3A_1482, %add3A_1483 : vector<16xf32>
        %add3A_1490 = arith.addf %add3A_1484, %add3A_1485 : vector<16xf32>
        %add3A_1491 = arith.addf %add3A_1486, %add3A_1487 : vector<16xf32>
        %add3A_1492 = arith.addf %add3A_1488, %add3A_1489 : vector<16xf32>
        %add3A_1493 = arith.addf %add3A_1491, %add3A_1492 : vector<16xf32>
        %add3A_1494 = arith.addf %add3A_1493, %add3A_1490 : vector<16xf32>
        %get3A_1495 = arith.constant 0 : index
        %get3A_1496 = tpu.vector_load %arg20[%get3A_1495] {strides = array<i32>} : memref<64xf32, #tpu.memory_space<vmem>>, vector<16xf32>,
        %mul3A_1497 = arith.mulf %gather3A_1336, %get3A_1496 : vector<16xf32>
        %sub3A_1498 = arith.subf %add3A_1494, %mul3A_1497 : vector<16xf32>
        %mul3A_1499 = arith.mulf %sub3A_1498, %gather3A_1335 : vector<16xf32>
        %swap3A_1500 = arith.index_cast %scan3A_1333 : i32 to index
        %swap3A_1501 = arith.constant 0 : index
        %swap3A_1502 = tpu.vector_load %arg15[%swap3A_1500, %swap3A_1501] {strides = array<i32>} : memref<32x64xf32, #tpu.memory_space<vmem>>, vector<16xf32>,
        tpu.vector_store %arg15[%swap3A_1500, %swap3A_1501], %mul3A_1499 {strides = array<i32>} : memref<32x64xf32, #tpu.memory_space<vmem>>, vector<16xf32>,
        %mul3A_1503 = arith.constant 20 : i32
        %mul3A_1504 = arith.muli %scan3A_1333, %mul3A_1503 : i32
        %add3A_1505 = arith.constant 0 : i32
        %add3A_1506 = arith.addi %mul3A_1504, %add3A_1505 : i32
        %get3A_1507 = arith.index_cast %add3A_1506 : i32 to index
        %get3A_1508 = arith.constant 16 : index
        %get3A_1509 = tpu.vector_load %arg14[%get3A_1507, %get3A_1508] {strides = array<i32>} : memref<640x64xf32, #tpu.memory_space<vmem>>, vector<16xf32>,
        %mul3A_1510 = arith.constant 20 : i32
        %mul3A_1511 = arith.muli %scan3A_1333, %mul3A_1510 : i32
        %add3A_1512 = arith.constant 1 : i32
        %add3A_1513 = arith.addi %mul3A_1511, %add3A_1512 : i32
        %get3A_1514 = arith.index_cast %add3A_1513 : i32 to index
        %get3A_1515 = arith.constant 16 : index
        %get3A_1516 = tpu.vector_load %arg14[%get3A_1514, %get3A_1515] {strides = array<i32>} : memref<640x64xf32, #tpu.memory_space<vmem>>, vector<16xf32>,
        %mul3A_1517 = arith.constant 20 : i32
        %mul3A_1518 = arith.muli %scan3A_1333, %mul3A_1517 : i32
        %add3A_1519 = arith.constant 2 : i32
        %add3A_1520 = arith.addi %mul3A_1518, %add3A_1519 : i32
        %get3A_1521 = arith.index_cast %add3A_1520 : i32 to index
        %get3A_1522 = arith.constant 16 : index
        %get3A_1523 = tpu.vector_load %arg14[%get3A_1521, %get3A_1522] {strides = array<i32>} : memref<640x64xf32, #tpu.memory_space<vmem>>, vector<16xf32>,
        %mul3A_1524 = arith.constant 20 : i32
        %mul3A_1525 = arith.muli %scan3A_1333, %mul3A_1524 : i32
        %add3A_1526 = arith.constant 3 : i32
        %add3A_1527 = arith.addi %mul3A_1525, %add3A_1526 : i32
        %get3A_1528 = arith.index_cast %add3A_1527 : i32 to index
        %get3A_1529 = arith.constant 16 : index
        %get3A_1530 = tpu.vector_load %arg14[%get3A_1528, %get3A_1529] {strides = array<i32>} : memref<640x64xf32, #tpu.memory_space<vmem>>, vector<16xf32>,
        %mul3A_1531 = arith.constant 20 : i32
        %mul3A_1532 = arith.muli %scan3A_1333, %mul3A_1531 : i32
        %add3A_1533 = arith.constant 4 : i32
        %add3A_1534 = arith.addi %mul3A_1532, %add3A_1533 : i32
        %get3A_1535 = arith.index_cast %add3A_1534 : i32 to index
        %get3A_1536 = arith.constant 16 : index
        %get3A_1537 = tpu.vector_load %arg14[%get3A_1535, %get3A_1536] {strides = array<i32>} : memref<640x64xf32, #tpu.memory_space<vmem>>, vector<16xf32>,
        %mul3A_1538 = arith.constant 20 : i32
        %mul3A_1539 = arith.muli %scan3A_1333, %mul3A_1538 : i32
        %add3A_1540 = arith.constant 5 : i32
        %add3A_1541 = arith.addi %mul3A_1539, %add3A_1540 : i32
        %get3A_1542 = arith.index_cast %add3A_1541 : i32 to index
        %get3A_1543 = arith.constant 16 : index
        %get3A_1544 = tpu.vector_load %arg14[%get3A_1542, %get3A_1543] {strides = array<i32>} : memref<640x64xf32, #tpu.memory_space<vmem>>, vector<16xf32>,
        %mul3A_1545 = arith.constant 20 : i32
        %mul3A_1546 = arith.muli %scan3A_1333, %mul3A_1545 : i32
        %add3A_1547 = arith.constant 6 : i32
        %add3A_1548 = arith.addi %mul3A_1546, %add3A_1547 : i32
        %get3A_1549 = arith.index_cast %add3A_1548 : i32 to index
        %get3A_1550 = arith.constant 16 : index
        %get3A_1551 = tpu.vector_load %arg14[%get3A_1549, %get3A_1550] {strides = array<i32>} : memref<640x64xf32, #tpu.memory_space<vmem>>, vector<16xf32>,
        %mul3A_1552 = arith.constant 20 : i32
        %mul3A_1553 = arith.muli %scan3A_1333, %mul3A_1552 : i32
        %add3A_1554 = arith.constant 7 : i32
        %add3A_1555 = arith.addi %mul3A_1553, %add3A_1554 : i32
        %get3A_1556 = arith.index_cast %add3A_1555 : i32 to index
        %get3A_1557 = arith.constant 16 : index
        %get3A_1558 = tpu.vector_load %arg14[%get3A_1556, %get3A_1557] {strides = array<i32>} : memref<640x64xf32, #tpu.memory_space<vmem>>, vector<16xf32>,
        %mul3A_1559 = arith.constant 20 : i32
        %mul3A_1560 = arith.muli %scan3A_1333, %mul3A_1559 : i32
        %add3A_1561 = arith.constant 8 : i32
        %add3A_1562 = arith.addi %mul3A_1560, %add3A_1561 : i32
        %get3A_1563 = arith.index_cast %add3A_1562 : i32 to index
        %get3A_1564 = arith.constant 16 : index
        %get3A_1565 = tpu.vector_load %arg14[%get3A_1563, %get3A_1564] {strides = array<i32>} : memref<640x64xf32, #tpu.memory_space<vmem>>, vector<16xf32>,
        %mul3A_1566 = arith.constant 20 : i32
        %mul3A_1567 = arith.muli %scan3A_1333, %mul3A_1566 : i32
        %add3A_1568 = arith.constant 9 : i32
        %add3A_1569 = arith.addi %mul3A_1567, %add3A_1568 : i32
        %get3A_1570 = arith.index_cast %add3A_1569 : i32 to index
        %get3A_1571 = arith.constant 16 : index
        %get3A_1572 = tpu.vector_load %arg14[%get3A_1570, %get3A_1571] {strides = array<i32>} : memref<640x64xf32, #tpu.memory_space<vmem>>, vector<16xf32>,
        %mul3A_1573 = arith.constant 20 : i32
        %mul3A_1574 = arith.muli %scan3A_1333, %mul3A_1573 : i32
        %add3A_1575 = arith.constant 10 : i32
        %add3A_1576 = arith.addi %mul3A_1574, %add3A_1575 : i32
        %get3A_1577 = arith.index_cast %add3A_1576 : i32 to index
        %get3A_1578 = arith.constant 16 : index
        %get3A_1579 = tpu.vector_load %arg14[%get3A_1577, %get3A_1578] {strides = array<i32>} : memref<640x64xf32, #tpu.memory_space<vmem>>, vector<16xf32>,
        %mul3A_1580 = arith.constant 20 : i32
        %mul3A_1581 = arith.muli %scan3A_1333, %mul3A_1580 : i32
        %add3A_1582 = arith.constant 11 : i32
        %add3A_1583 = arith.addi %mul3A_1581, %add3A_1582 : i32
        %get3A_1584 = arith.index_cast %add3A_1583 : i32 to index
        %get3A_1585 = arith.constant 16 : index
        %get3A_1586 = tpu.vector_load %arg14[%get3A_1584, %get3A_1585] {strides = array<i32>} : memref<640x64xf32, #tpu.memory_space<vmem>>, vector<16xf32>,
        %mul3A_1587 = arith.constant 20 : i32
        %mul3A_1588 = arith.muli %scan3A_1333, %mul3A_1587 : i32
        %add3A_1589 = arith.constant 12 : i32
        %add3A_1590 = arith.addi %mul3A_1588, %add3A_1589 : i32
        %get3A_1591 = arith.index_cast %add3A_1590 : i32 to index
        %get3A_1592 = arith.constant 16 : index
        %get3A_1593 = tpu.vector_load %arg14[%get3A_1591, %get3A_1592] {strides = array<i32>} : memref<640x64xf32, #tpu.memory_space<vmem>>, vector<16xf32>,
        %mul3A_1594 = arith.constant 20 : i32
        %mul3A_1595 = arith.muli %scan3A_1333, %mul3A_1594 : i32
        %add3A_1596 = arith.constant 13 : i32
        %add3A_1597 = arith.addi %mul3A_1595, %add3A_1596 : i32
        %get3A_1598 = arith.index_cast %add3A_1597 : i32 to index
        %get3A_1599 = arith.constant 16 : index
        %get3A_1600 = tpu.vector_load %arg14[%get3A_1598, %get3A_1599] {strides = array<i32>} : memref<640x64xf32, #tpu.memory_space<vmem>>, vector<16xf32>,
        %mul3A_1601 = arith.constant 20 : i32
        %mul3A_1602 = arith.muli %scan3A_1333, %mul3A_1601 : i32
        %add3A_1603 = arith.constant 14 : i32
        %add3A_1604 = arith.addi %mul3A_1602, %add3A_1603 : i32
        %get3A_1605 = arith.index_cast %add3A_1604 : i32 to index
        %get3A_1606 = arith.constant 16 : index
        %get3A_1607 = tpu.vector_load %arg14[%get3A_1605, %get3A_1606] {strides = array<i32>} : memref<640x64xf32, #tpu.memory_space<vmem>>, vector<16xf32>,
        %mul3A_1608 = arith.constant 20 : i32
        %mul3A_1609 = arith.muli %scan3A_1333, %mul3A_1608 : i32
        %add3A_1610 = arith.constant 15 : i32
        %add3A_1611 = arith.addi %mul3A_1609, %add3A_1610 : i32
        %get3A_1612 = arith.index_cast %add3A_1611 : i32 to index
        %get3A_1613 = arith.constant 16 : index
        %get3A_1614 = tpu.vector_load %arg14[%get3A_1612, %get3A_1613] {strides = array<i32>} : memref<640x64xf32, #tpu.memory_space<vmem>>, vector<16xf32>,
        %mul3A_1615 = arith.constant 20 : i32
        %mul3A_1616 = arith.muli %scan3A_1333, %mul3A_1615 : i32
        %add3A_1617 = arith.constant 16 : i32
        %add3A_1618 = arith.addi %mul3A_1616, %add3A_1617 : i32
        %get3A_1619 = arith.index_cast %add3A_1618 : i32 to index
        %get3A_1620 = arith.constant 16 : index
        %get3A_1621 = tpu.vector_load %arg14[%get3A_1619, %get3A_1620] {strides = array<i32>} : memref<640x64xf32, #tpu.memory_space<vmem>>, vector<16xf32>,
        %mul3A_1622 = arith.constant 20 : i32
        %mul3A_1623 = arith.muli %scan3A_1333, %mul3A_1622 : i32
        %add3A_1624 = arith.constant 17 : i32
        %add3A_1625 = arith.addi %mul3A_1623, %add3A_1624 : i32
        %get3A_1626 = arith.index_cast %add3A_1625 : i32 to index
        %get3A_1627 = arith.constant 16 : index
        %get3A_1628 = tpu.vector_load %arg14[%get3A_1626, %get3A_1627] {strides = array<i32>} : memref<640x64xf32, #tpu.memory_space<vmem>>, vector<16xf32>,
        %mul3A_1629 = arith.constant 20 : i32
        %mul3A_1630 = arith.muli %scan3A_1333, %mul3A_1629 : i32
        %add3A_1631 = arith.constant 18 : i32
        %add3A_1632 = arith.addi %mul3A_1630, %add3A_1631 : i32
        %get3A_1633 = arith.index_cast %add3A_1632 : i32 to index
        %get3A_1634 = arith.constant 16 : index
        %get3A_1635 = tpu.vector_load %arg14[%get3A_1633, %get3A_1634] {strides = array<i32>} : memref<640x64xf32, #tpu.memory_space<vmem>>, vector<16xf32>,
        %mul3A_1636 = arith.constant 20 : i32
        %mul3A_1637 = arith.muli %scan3A_1333, %mul3A_1636 : i32
        %add3A_1638 = arith.constant 19 : i32
        %add3A_1639 = arith.addi %mul3A_1637, %add3A_1638 : i32
        %get3A_1640 = arith.index_cast %add3A_1639 : i32 to index
        %get3A_1641 = arith.constant 16 : index
        %get3A_1642 = tpu.vector_load %arg14[%get3A_1640, %get3A_1641] {strides = array<i32>} : memref<640x64xf32, #tpu.memory_space<vmem>>, vector<16xf32>,
        %add3A_1643 = arith.addf %get3A_1509, %get3A_1516 : vector<16xf32>
        %add3A_1644 = arith.addf %get3A_1523, %get3A_1530 : vector<16xf32>
        %add3A_1645 = arith.addf %get3A_1537, %get3A_1544 : vector<16xf32>
        %add3A_1646 = arith.addf %get3A_1551, %get3A_1558 : vector<16xf32>
        %add3A_1647 = arith.addf %get3A_1565, %get3A_1572 : vector<16xf32>
        %add3A_1648 = arith.addf %get3A_1579, %get3A_1586 : vector<16xf32>
        %add3A_1649 = arith.addf %get3A_1593, %get3A_1600 : vector<16xf32>
        %add3A_1650 = arith.addf %get3A_1607, %get3A_1614 : vector<16xf32>
        %add3A_1651 = arith.addf %get3A_1621, %get3A_1628 : vector<16xf32>
        %add3A_1652 = arith.addf %get3A_1635, %get3A_1642 : vector<16xf32>
        %add3A_1653 = arith.addf %add3A_1643, %add3A_1644 : vector<16xf32>
        %add3A_1654 = arith.addf %add3A_1645, %add3A_1646 : vector<16xf32>
        %add3A_1655 = arith.addf %add3A_1647, %add3A_1648 : vector<16xf32>
        %add3A_1656 = arith.addf %add3A_1649, %add3A_1650 : vector<16xf32>
        %add3A_1657 = arith.addf %add3A_1651, %add3A_1652 : vector<16xf32>
        %add3A_1658 = arith.addf %add3A_1653, %add3A_1654 : vector<16xf32>
        %add3A_1659 = arith.addf %add3A_1655, %add3A_1656 : vector<16xf32>
        %add3A_1660 = arith.addf %add3A_1658, %add3A_1659 : vector<16xf32>
        %add3A_1661 = arith.addf %add3A_1660, %add3A_1657 : vector<16xf32>
        %get3A_1662 = arith.constant 16 : index
        %get3A_1663 = tpu.vector_load %arg20[%get3A_1662] {strides = array<i32>} : memref<64xf32, #tpu.memory_space<vmem>>, vector<16xf32>,
        %mul3A_1664 = arith.mulf %gather3A_1336, %get3A_1663 : vector<16xf32>
        %sub3A_1665 = arith.subf %add3A_1661, %mul3A_1664 : vector<16xf32>
        %mul3A_1666 = arith.mulf %sub3A_1665, %gather3A_1335 : vector<16xf32>
        %swap3A_1667 = arith.index_cast %scan3A_1333 : i32 to index
        %swap3A_1668 = arith.constant 16 : index
        %swap3A_1669 = tpu.vector_load %arg15[%swap3A_1667, %swap3A_1668] {strides = array<i32>} : memref<32x64xf32, #tpu.memory_space<vmem>>, vector<16xf32>,
        tpu.vector_store %arg15[%swap3A_1667, %swap3A_1668], %mul3A_1666 {strides = array<i32>} : memref<32x64xf32, #tpu.memory_space<vmem>>, vector<16xf32>,
        %mul3A_1670 = arith.constant 20 : i32
        %mul3A_1671 = arith.muli %scan3A_1333, %mul3A_1670 : i32
        %add3A_1672 = arith.constant 0 : i32
        %add3A_1673 = arith.addi %mul3A_1671, %add3A_1672 : i32
        %get3A_1674 = arith.index_cast %add3A_1673 : i32 to index
        %get3A_1675 = arith.constant 32 : index
        %get3A_1676 = tpu.vector_load %arg14[%get3A_1674, %get3A_1675] {strides = array<i32>} : memref<640x64xf32, #tpu.memory_space<vmem>>, vector<16xf32>,
        %mul3A_1677 = arith.constant 20 : i32
        %mul3A_1678 = arith.muli %scan3A_1333, %mul3A_1677 : i32
        %add3A_1679 = arith.constant 1 : i32
        %add3A_1680 = arith.addi %mul3A_1678, %add3A_1679 : i32
        %get3A_1681 = arith.index_cast %add3A_1680 : i32 to index
        %get3A_1682 = arith.constant 32 : index
        %get3A_1683 = tpu.vector_load %arg14[%get3A_1681, %get3A_1682] {strides = array<i32>} : memref<640x64xf32, #tpu.memory_space<vmem>>, vector<16xf32>,
        %mul3A_1684 = arith.constant 20 : i32
        %mul3A_1685 = arith.muli %scan3A_1333, %mul3A_1684 : i32
        %add3A_1686 = arith.constant 2 : i32
        %add3A_1687 = arith.addi %mul3A_1685, %add3A_1686 : i32
        %get3A_1688 = arith.index_cast %add3A_1687 : i32 to index
        %get3A_1689 = arith.constant 32 : index
        %get3A_1690 = tpu.vector_load %arg14[%get3A_1688, %get3A_1689] {strides = array<i32>} : memref<640x64xf32, #tpu.memory_space<vmem>>, vector<16xf32>,
        %mul3A_1691 = arith.constant 20 : i32
        %mul3A_1692 = arith.muli %scan3A_1333, %mul3A_1691 : i32
        %add3A_1693 = arith.constant 3 : i32
        %add3A_1694 = arith.addi %mul3A_1692, %add3A_1693 : i32
        %get3A_1695 = arith.index_cast %add3A_1694 : i32 to index
        %get3A_1696 = arith.constant 32 : index
        %get3A_1697 = tpu.vector_load %arg14[%get3A_1695, %get3A_1696] {strides = array<i32>} : memref<640x64xf32, #tpu.memory_space<vmem>>, vector<16xf32>,
        %mul3A_1698 = arith.constant 20 : i32
        %mul3A_1699 = arith.muli %scan3A_1333, %mul3A_1698 : i32
        %add3A_1700 = arith.constant 4 : i32
        %add3A_1701 = arith.addi %mul3A_1699, %add3A_1700 : i32
        %get3A_1702 = arith.index_cast %add3A_1701 : i32 to index
        %get3A_1703 = arith.constant 32 : index
        %get3A_1704 = tpu.vector_load %arg14[%get3A_1702, %get3A_1703] {strides = array<i32>} : memref<640x64xf32, #tpu.memory_space<vmem>>, vector<16xf32>,
        %mul3A_1705 = arith.constant 20 : i32
        %mul3A_1706 = arith.muli %scan3A_1333, %mul3A_1705 : i32
        %add3A_1707 = arith.constant 5 : i32
        %add3A_1708 = arith.addi %mul3A_1706, %add3A_1707 : i32
        %get3A_1709 = arith.index_cast %add3A_1708 : i32 to index
        %get3A_1710 = arith.constant 32 : index
        %get3A_1711 = tpu.vector_load %arg14[%get3A_1709, %get3A_1710] {strides = array<i32>} : memref<640x64xf32, #tpu.memory_space<vmem>>, vector<16xf32>,
        %mul3A_1712 = arith.constant 20 : i32
        %mul3A_1713 = arith.muli %scan3A_1333, %mul3A_1712 : i32
        %add3A_1714 = arith.constant 6 : i32
        %add3A_1715 = arith.addi %mul3A_1713, %add3A_1714 : i32
        %get3A_1716 = arith.index_cast %add3A_1715 : i32 to index
        %get3A_1717 = arith.constant 32 : index
        %get3A_1718 = tpu.vector_load %arg14[%get3A_1716, %get3A_1717] {strides = array<i32>} : memref<640x64xf32, #tpu.memory_space<vmem>>, vector<16xf32>,
        %mul3A_1719 = arith.constant 20 : i32
        %mul3A_1720 = arith.muli %scan3A_1333, %mul3A_1719 : i32
        %add3A_1721 = arith.constant 7 : i32
        %add3A_1722 = arith.addi %mul3A_1720, %add3A_1721 : i32
        %get3A_1723 = arith.index_cast %add3A_1722 : i32 to index
        %get3A_1724 = arith.constant 32 : index
        %get3A_1725 = tpu.vector_load %arg14[%get3A_1723, %get3A_1724] {strides = array<i32>} : memref<640x64xf32, #tpu.memory_space<vmem>>, vector<16xf32>,
        %mul3A_1726 = arith.constant 20 : i32
        %mul3A_1727 = arith.muli %scan3A_1333, %mul3A_1726 : i32
        %add3A_1728 = arith.constant 8 : i32
        %add3A_1729 = arith.addi %mul3A_1727, %add3A_1728 : i32
        %get3A_1730 = arith.index_cast %add3A_1729 : i32 to index
        %get3A_1731 = arith.constant 32 : index
        %get3A_1732 = tpu.vector_load %arg14[%get3A_1730, %get3A_1731] {strides = array<i32>} : memref<640x64xf32, #tpu.memory_space<vmem>>, vector<16xf32>,
        %mul3A_1733 = arith.constant 20 : i32
        %mul3A_1734 = arith.muli %scan3A_1333, %mul3A_1733 : i32
        %add3A_1735 = arith.constant 9 : i32
        %add3A_1736 = arith.addi %mul3A_1734, %add3A_1735 : i32
        %get3A_1737 = arith.index_cast %add3A_1736 : i32 to index
        %get3A_1738 = arith.constant 32 : index
        %get3A_1739 = tpu.vector_load %arg14[%get3A_1737, %get3A_1738] {strides = array<i32>} : memref<640x64xf32, #tpu.memory_space<vmem>>, vector<16xf32>,
        %mul3A_1740 = arith.constant 20 : i32
        %mul3A_1741 = arith.muli %scan3A_1333, %mul3A_1740 : i32
        %add3A_1742 = arith.constant 10 : i32
        %add3A_1743 = arith.addi %mul3A_1741, %add3A_1742 : i32
        %get3A_1744 = arith.index_cast %add3A_1743 : i32 to index
        %get3A_1745 = arith.constant 32 : index
        %get3A_1746 = tpu.vector_load %arg14[%get3A_1744, %get3A_1745] {strides = array<i32>} : memref<640x64xf32, #tpu.memory_space<vmem>>, vector<16xf32>,
        %mul3A_1747 = arith.constant 20 : i32
        %mul3A_1748 = arith.muli %scan3A_1333, %mul3A_1747 : i32
        %add3A_1749 = arith.constant 11 : i32
        %add3A_1750 = arith.addi %mul3A_1748, %add3A_1749 : i32
        %get3A_1751 = arith.index_cast %add3A_1750 : i32 to index
        %get3A_1752 = arith.constant 32 : index
        %get3A_1753 = tpu.vector_load %arg14[%get3A_1751, %get3A_1752] {strides = array<i32>} : memref<640x64xf32, #tpu.memory_space<vmem>>, vector<16xf32>,
        %mul3A_1754 = arith.constant 20 : i32
        %mul3A_1755 = arith.muli %scan3A_1333, %mul3A_1754 : i32
        %add3A_1756 = arith.constant 12 : i32
        %add3A_1757 = arith.addi %mul3A_1755, %add3A_1756 : i32
        %get3A_1758 = arith.index_cast %add3A_1757 : i32 to index
        %get3A_1759 = arith.constant 32 : index
        %get3A_1760 = tpu.vector_load %arg14[%get3A_1758, %get3A_1759] {strides = array<i32>} : memref<640x64xf32, #tpu.memory_space<vmem>>, vector<16xf32>,
        %mul3A_1761 = arith.constant 20 : i32
        %mul3A_1762 = arith.muli %scan3A_1333, %mul3A_1761 : i32
        %add3A_1763 = arith.constant 13 : i32
        %add3A_1764 = arith.addi %mul3A_1762, %add3A_1763 : i32
        %get3A_1765 = arith.index_cast %add3A_1764 : i32 to index
        %get3A_1766 = arith.constant 32 : index
        %get3A_1767 = tpu.vector_load %arg14[%get3A_1765, %get3A_1766] {strides = array<i32>} : memref<640x64xf32, #tpu.memory_space<vmem>>, vector<16xf32>,
        %mul3A_1768 = arith.constant 20 : i32
        %mul3A_1769 = arith.muli %scan3A_1333, %mul3A_1768 : i32
        %add3A_1770 = arith.constant 14 : i32
        %add3A_1771 = arith.addi %mul3A_1769, %add3A_1770 : i32
        %get3A_1772 = arith.index_cast %add3A_1771 : i32 to index
        %get3A_1773 = arith.constant 32 : index
        %get3A_1774 = tpu.vector_load %arg14[%get3A_1772, %get3A_1773] {strides = array<i32>} : memref<640x64xf32, #tpu.memory_space<vmem>>, vector<16xf32>,
        %mul3A_1775 = arith.constant 20 : i32
        %mul3A_1776 = arith.muli %scan3A_1333, %mul3A_1775 : i32
        %add3A_1777 = arith.constant 15 : i32
        %add3A_1778 = arith.addi %mul3A_1776, %add3A_1777 : i32
        %get3A_1779 = arith.index_cast %add3A_1778 : i32 to index
        %get3A_1780 = arith.constant 32 : index
        %get3A_1781 = tpu.vector_load %arg14[%get3A_1779, %get3A_1780] {strides = array<i32>} : memref<640x64xf32, #tpu.memory_space<vmem>>, vector<16xf32>,
        %mul3A_1782 = arith.constant 20 : i32
        %mul3A_1783 = arith.muli %scan3A_1333, %mul3A_1782 : i32
        %add3A_1784 = arith.constant 16 : i32
        %add3A_1785 = arith.addi %mul3A_1783, %add3A_1784 : i32
        %get3A_1786 = arith.index_cast %add3A_1785 : i32 to index
        %get3A_1787 = arith.constant 32 : index
        %get3A_1788 = tpu.vector_load %arg14[%get3A_1786, %get3A_1787] {strides = array<i32>} : memref<640x64xf32, #tpu.memory_space<vmem>>, vector<16xf32>,
        %mul3A_1789 = arith.constant 20 : i32
        %mul3A_1790 = arith.muli %scan3A_1333, %mul3A_1789 : i32
        %add3A_1791 = arith.constant 17 : i32
        %add3A_1792 = arith.addi %mul3A_1790, %add3A_1791 : i32
        %get3A_1793 = arith.index_cast %add3A_1792 : i32 to index
        %get3A_1794 = arith.constant 32 : index
        %get3A_1795 = tpu.vector_load %arg14[%get3A_1793, %get3A_1794] {strides = array<i32>} : memref<640x64xf32, #tpu.memory_space<vmem>>, vector<16xf32>,
        %mul3A_1796 = arith.constant 20 : i32
        %mul3A_1797 = arith.muli %scan3A_1333, %mul3A_1796 : i32
        %add3A_1798 = arith.constant 18 : i32
        %add3A_1799 = arith.addi %mul3A_1797, %add3A_1798 : i32
        %get3A_1800 = arith.index_cast %add3A_1799 : i32 to index
        %get3A_1801 = arith.constant 32 : index
        %get3A_1802 = tpu.vector_load %arg14[%get3A_1800, %get3A_1801] {strides = array<i32>} : memref<640x64xf32, #tpu.memory_space<vmem>>, vector<16xf32>,
        %mul3A_1803 = arith.constant 20 : i32
        %mul3A_1804 = arith.muli %scan3A_1333, %mul3A_1803 : i32
        %add3A_1805 = arith.constant 19 : i32
        %add3A_1806 = arith.addi %mul3A_1804, %add3A_1805 : i32
        %get3A_1807 = arith.index_cast %add3A_1806 : i32 to index
        %get3A_1808 = arith.constant 32 : index
        %get3A_1809 = tpu.vector_load %arg14[%get3A_1807, %get3A_1808] {strides = array<i32>} : memref<640x64xf32, #tpu.memory_space<vmem>>, vector<16xf32>,
        %add3A_1810 = arith.addf %get3A_1676, %get3A_1683 : vector<16xf32>
        %add3A_1811 = arith.addf %get3A_1690, %get3A_1697 : vector<16xf32>
        %add3A_1812 = arith.addf %get3A_1704, %get3A_1711 : vector<16xf32>
        %add3A_1813 = arith.addf %get3A_1718, %get3A_1725 : vector<16xf32>
        %add3A_1814 = arith.addf %get3A_1732, %get3A_1739 : vector<16xf32>
        %add3A_1815 = arith.addf %get3A_1746, %get3A_1753 : vector<16xf32>
        %add3A_1816 = arith.addf %get3A_1760, %get3A_1767 : vector<16xf32>
        %add3A_1817 = arith.addf %get3A_1774, %get3A_1781 : vector<16xf32>
        %add3A_1818 = arith.addf %get3A_1788, %get3A_1795 : vector<16xf32>
        %add3A_1819 = arith.addf %get3A_1802, %get3A_1809 : vector<16xf32>
        %add3A_1820 = arith.addf %add3A_1810, %add3A_1811 : vector<16xf32>
        %add3A_1821 = arith.addf %add3A_1812, %add3A_1813 : vector<16xf32>
        %add3A_1822 = arith.addf %add3A_1814, %add3A_1815 : vector<16xf32>
        %add3A_1823 = arith.addf %add3A_1816, %add3A_1817 : vector<16xf32>
        %add3A_1824 = arith.addf %add3A_1818, %add3A_1819 : vector<16xf32>
        %add3A_1825 = arith.addf %add3A_1820, %add3A_1821 : vector<16xf32>
        %add3A_1826 = arith.addf %add3A_1822, %add3A_1823 : vector<16xf32>
        %add3A_1827 = arith.addf %add3A_1825, %add3A_1826 : vector<16xf32>
        %add3A_1828 = arith.addf %add3A_1827, %add3A_1824 : vector<16xf32>
        %get3A_1829 = arith.constant 32 : index
        %get3A_1830 = tpu.vector_load %arg20[%get3A_1829] {strides = array<i32>} : memref<64xf32, #tpu.memory_space<vmem>>, vector<16xf32>,
        %mul3A_1831 = arith.mulf %gather3A_1336, %get3A_1830 : vector<16xf32>
        %sub3A_1832 = arith.subf %add3A_1828, %mul3A_1831 : vector<16xf32>
        %mul3A_1833 = arith.mulf %sub3A_1832, %gather3A_1335 : vector<16xf32>
        %swap3A_1834 = arith.index_cast %scan3A_1333 : i32 to index
        %swap3A_1835 = arith.constant 32 : index
        %swap3A_1836 = tpu.vector_load %arg15[%swap3A_1834, %swap3A_1835] {strides = array<i32>} : memref<32x64xf32, #tpu.memory_space<vmem>>, vector<16xf32>,
        tpu.vector_store %arg15[%swap3A_1834, %swap3A_1835], %mul3A_1833 {strides = array<i32>} : memref<32x64xf32, #tpu.memory_space<vmem>>, vector<16xf32>,
        %mul3A_1837 = arith.constant 20 : i32
        %mul3A_1838 = arith.muli %scan3A_1333, %mul3A_1837 : i32
        %add3A_1839 = arith.constant 0 : i32
        %add3A_1840 = arith.addi %mul3A_1838, %add3A_1839 : i32
        %get3A_1841 = arith.index_cast %add3A_1840 : i32 to index
        %get3A_1842 = arith.constant 48 : index
        %get3A_1843 = tpu.vector_load %arg14[%get3A_1841, %get3A_1842] {strides = array<i32>} : memref<640x64xf32, #tpu.memory_space<vmem>>, vector<16xf32>,
        %mul3A_1844 = arith.constant 20 : i32
        %mul3A_1845 = arith.muli %scan3A_1333, %mul3A_1844 : i32
        %add3A_1846 = arith.constant 1 : i32
        %add3A_1847 = arith.addi %mul3A_1845, %add3A_1846 : i32
        %get3A_1848 = arith.index_cast %add3A_1847 : i32 to index
        %get3A_1849 = arith.constant 48 : index
        %get3A_1850 = tpu.vector_load %arg14[%get3A_1848, %get3A_1849] {strides = array<i32>} : memref<640x64xf32, #tpu.memory_space<vmem>>, vector<16xf32>,
        %mul3A_1851 = arith.constant 20 : i32
        %mul3A_1852 = arith.muli %scan3A_1333, %mul3A_1851 : i32
        %add3A_1853 = arith.constant 2 : i32
        %add3A_1854 = arith.addi %mul3A_1852, %add3A_1853 : i32
        %get3A_1855 = arith.index_cast %add3A_1854 : i32 to index
        %get3A_1856 = arith.constant 48 : index
        %get3A_1857 = tpu.vector_load %arg14[%get3A_1855, %get3A_1856] {strides = array<i32>} : memref<640x64xf32, #tpu.memory_space<vmem>>, vector<16xf32>,
        %mul3A_1858 = arith.constant 20 : i32
        %mul3A_1859 = arith.muli %scan3A_1333, %mul3A_1858 : i32
        %add3A_1860 = arith.constant 3 : i32
        %add3A_1861 = arith.addi %mul3A_1859, %add3A_1860 : i32
        %get3A_1862 = arith.index_cast %add3A_1861 : i32 to index
        %get3A_1863 = arith.constant 48 : index
        %get3A_1864 = tpu.vector_load %arg14[%get3A_1862, %get3A_1863] {strides = array<i32>} : memref<640x64xf32, #tpu.memory_space<vmem>>, vector<16xf32>,
        %mul3A_1865 = arith.constant 20 : i32
        %mul3A_1866 = arith.muli %scan3A_1333, %mul3A_1865 : i32
        %add3A_1867 = arith.constant 4 : i32
        %add3A_1868 = arith.addi %mul3A_1866, %add3A_1867 : i32
        %get3A_1869 = arith.index_cast %add3A_1868 : i32 to index
        %get3A_1870 = arith.constant 48 : index
        %get3A_1871 = tpu.vector_load %arg14[%get3A_1869, %get3A_1870] {strides = array<i32>} : memref<640x64xf32, #tpu.memory_space<vmem>>, vector<16xf32>,
        %mul3A_1872 = arith.constant 20 : i32
        %mul3A_1873 = arith.muli %scan3A_1333, %mul3A_1872 : i32
        %add3A_1874 = arith.constant 5 : i32
        %add3A_1875 = arith.addi %mul3A_1873, %add3A_1874 : i32
        %get3A_1876 = arith.index_cast %add3A_1875 : i32 to index
        %get3A_1877 = arith.constant 48 : index
        %get3A_1878 = tpu.vector_load %arg14[%get3A_1876, %get3A_1877] {strides = array<i32>} : memref<640x64xf32, #tpu.memory_space<vmem>>, vector<16xf32>,
        %mul3A_1879 = arith.constant 20 : i32
        %mul3A_1880 = arith.muli %scan3A_1333, %mul3A_1879 : i32
        %add3A_1881 = arith.constant 6 : i32
        %add3A_1882 = arith.addi %mul3A_1880, %add3A_1881 : i32
        %get3A_1883 = arith.index_cast %add3A_1882 : i32 to index
        %get3A_1884 = arith.constant 48 : index
        %get3A_1885 = tpu.vector_load %arg14[%get3A_1883, %get3A_1884] {strides = array<i32>} : memref<640x64xf32, #tpu.memory_space<vmem>>, vector<16xf32>,
        %mul3A_1886 = arith.constant 20 : i32
        %mul3A_1887 = arith.muli %scan3A_1333, %mul3A_1886 : i32
        %add3A_1888 = arith.constant 7 : i32
        %add3A_1889 = arith.addi %mul3A_1887, %add3A_1888 : i32
        %get3A_1890 = arith.index_cast %add3A_1889 : i32 to index
        %get3A_1891 = arith.constant 48 : index
        %get3A_1892 = tpu.vector_load %arg14[%get3A_1890, %get3A_1891] {strides = array<i32>} : memref<640x64xf32, #tpu.memory_space<vmem>>, vector<16xf32>,
        %mul3A_1893 = arith.constant 20 : i32
        %mul3A_1894 = arith.muli %scan3A_1333, %mul3A_1893 : i32
        %add3A_1895 = arith.constant 8 : i32
        %add3A_1896 = arith.addi %mul3A_1894, %add3A_1895 : i32
        %get3A_1897 = arith.index_cast %add3A_1896 : i32 to index
        %get3A_1898 = arith.constant 48 : index
        %get3A_1899 = tpu.vector_load %arg14[%get3A_1897, %get3A_1898] {strides = array<i32>} : memref<640x64xf32, #tpu.memory_space<vmem>>, vector<16xf32>,
        %mul3A_1900 = arith.constant 20 : i32
        %mul3A_1901 = arith.muli %scan3A_1333, %mul3A_1900 : i32
        %add3A_1902 = arith.constant 9 : i32
        %add3A_1903 = arith.addi %mul3A_1901, %add3A_1902 : i32
        %get3A_1904 = arith.index_cast %add3A_1903 : i32 to index
        %get3A_1905 = arith.constant 48 : index
        %get3A_1906 = tpu.vector_load %arg14[%get3A_1904, %get3A_1905] {strides = array<i32>} : memref<640x64xf32, #tpu.memory_space<vmem>>, vector<16xf32>,
        %mul3A_1907 = arith.constant 20 : i32
        %mul3A_1908 = arith.muli %scan3A_1333, %mul3A_1907 : i32
        %add3A_1909 = arith.constant 10 : i32
        %add3A_1910 = arith.addi %mul3A_1908, %add3A_1909 : i32
        %get3A_1911 = arith.index_cast %add3A_1910 : i32 to index
        %get3A_1912 = arith.constant 48 : index
        %get3A_1913 = tpu.vector_load %arg14[%get3A_1911, %get3A_1912] {strides = array<i32>} : memref<640x64xf32, #tpu.memory_space<vmem>>, vector<16xf32>,
        %mul3A_1914 = arith.constant 20 : i32
        %mul3A_1915 = arith.muli %scan3A_1333, %mul3A_1914 : i32
        %add3A_1916 = arith.constant 11 : i32
        %add3A_1917 = arith.addi %mul3A_1915, %add3A_1916 : i32
        %get3A_1918 = arith.index_cast %add3A_1917 : i32 to index
        %get3A_1919 = arith.constant 48 : index
        %get3A_1920 = tpu.vector_load %arg14[%get3A_1918, %get3A_1919] {strides = array<i32>} : memref<640x64xf32, #tpu.memory_space<vmem>>, vector<16xf32>,
        %mul3A_1921 = arith.constant 20 : i32
        %mul3A_1922 = arith.muli %scan3A_1333, %mul3A_1921 : i32
        %add3A_1923 = arith.constant 12 : i32
        %add3A_1924 = arith.addi %mul3A_1922, %add3A_1923 : i32
        %get3A_1925 = arith.index_cast %add3A_1924 : i32 to index
        %get3A_1926 = arith.constant 48 : index
        %get3A_1927 = tpu.vector_load %arg14[%get3A_1925, %get3A_1926] {strides = array<i32>} : memref<640x64xf32, #tpu.memory_space<vmem>>, vector<16xf32>,
        %mul3A_1928 = arith.constant 20 : i32
        %mul3A_1929 = arith.muli %scan3A_1333, %mul3A_1928 : i32
        %add3A_1930 = arith.constant 13 : i32
        %add3A_1931 = arith.addi %mul3A_1929, %add3A_1930 : i32
        %get3A_1932 = arith.index_cast %add3A_1931 : i32 to index
        %get3A_1933 = arith.constant 48 : index
        %get3A_1934 = tpu.vector_load %arg14[%get3A_1932, %get3A_1933] {strides = array<i32>} : memref<640x64xf32, #tpu.memory_space<vmem>>, vector<16xf32>,
        %mul3A_1935 = arith.constant 20 : i32
        %mul3A_1936 = arith.muli %scan3A_1333, %mul3A_1935 : i32
        %add3A_1937 = arith.constant 14 : i32
        %add3A_1938 = arith.addi %mul3A_1936, %add3A_1937 : i32
        %get3A_1939 = arith.index_cast %add3A_1938 : i32 to index
        %get3A_1940 = arith.constant 48 : index
        %get3A_1941 = tpu.vector_load %arg14[%get3A_1939, %get3A_1940] {strides = array<i32>} : memref<640x64xf32, #tpu.memory_space<vmem>>, vector<16xf32>,
        %mul3A_1942 = arith.constant 20 : i32
        %mul3A_1943 = arith.muli %scan3A_1333, %mul3A_1942 : i32
        %add3A_1944 = arith.constant 15 : i32
        %add3A_1945 = arith.addi %mul3A_1943, %add3A_1944 : i32
        %get3A_1946 = arith.index_cast %add3A_1945 : i32 to index
        %get3A_1947 = arith.constant 48 : index
        %get3A_1948 = tpu.vector_load %arg14[%get3A_1946, %get3A_1947] {strides = array<i32>} : memref<640x64xf32, #tpu.memory_space<vmem>>, vector<16xf32>,
        %mul3A_1949 = arith.constant 20 : i32
        %mul3A_1950 = arith.muli %scan3A_1333, %mul3A_1949 : i32
        %add3A_1951 = arith.constant 16 : i32
        %add3A_1952 = arith.addi %mul3A_1950, %add3A_1951 : i32
        %get3A_1953 = arith.index_cast %add3A_1952 : i32 to index
        %get3A_1954 = arith.constant 48 : index
        %get3A_1955 = tpu.vector_load %arg14[%get3A_1953, %get3A_1954] {strides = array<i32>} : memref<640x64xf32, #tpu.memory_space<vmem>>, vector<16xf32>,
        %mul3A_1956 = arith.constant 20 : i32
        %mul3A_1957 = arith.muli %scan3A_1333, %mul3A_1956 : i32
        %add3A_1958 = arith.constant 17 : i32
        %add3A_1959 = arith.addi %mul3A_1957, %add3A_1958 : i32
        %get3A_1960 = arith.index_cast %add3A_1959 : i32 to index
        %get3A_1961 = arith.constant 48 : index
        %get3A_1962 = tpu.vector_load %arg14[%get3A_1960, %get3A_1961] {strides = array<i32>} : memref<640x64xf32, #tpu.memory_space<vmem>>, vector<16xf32>,
        %mul3A_1963 = arith.constant 20 : i32
        %mul3A_1964 = arith.muli %scan3A_1333, %mul3A_1963 : i32
        %add3A_1965 = arith.constant 18 : i32
        %add3A_1966 = arith.addi %mul3A_1964, %add3A_1965 : i32
        %get3A_1967 = arith.index_cast %add3A_1966 : i32 to index
        %get3A_1968 = arith.constant 48 : index
        %get3A_1969 = tpu.vector_load %arg14[%get3A_1967, %get3A_1968] {strides = array<i32>} : memref<640x64xf32, #tpu.memory_space<vmem>>, vector<16xf32>,
        %mul3A_1970 = arith.constant 20 : i32
        %mul3A_1971 = arith.muli %scan3A_1333, %mul3A_1970 : i32
        %add3A_1972 = arith.constant 19 : i32
        %add3A_1973 = arith.addi %mul3A_1971, %add3A_1972 : i32
        %get3A_1974 = arith.index_cast %add3A_1973 : i32 to index
        %get3A_1975 = arith.constant 48 : index
        %get3A_1976 = tpu.vector_load %arg14[%get3A_1974, %get3A_1975] {strides = array<i32>} : memref<640x64xf32, #tpu.memory_space<vmem>>, vector<16xf32>,
        %add3A_1977 = arith.addf %get3A_1843, %get3A_1850 : vector<16xf32>
        %add3A_1978 = arith.addf %get3A_1857, %get3A_1864 : vector<16xf32>
        %add3A_1979 = arith.addf %get3A_1871, %get3A_1878 : vector<16xf32>
        %add3A_1980 = arith.addf %get3A_1885, %get3A_1892 : vector<16xf32>
        %add3A_1981 = arith.addf %get3A_1899, %get3A_1906 : vector<16xf32>
        %add3A_1982 = arith.addf %get3A_1913, %get3A_1920 : vector<16xf32>
        %add3A_1983 = arith.addf %get3A_1927, %get3A_1934 : vector<16xf32>
        %add3A_1984 = arith.addf %get3A_1941, %get3A_1948 : vector<16xf32>
        %add3A_1985 = arith.addf %get3A_1955, %get3A_1962 : vector<16xf32>
        %add3A_1986 = arith.addf %get3A_1969, %get3A_1976 : vector<16xf32>
        %add3A_1987 = arith.addf %add3A_1977, %add3A_1978 : vector<16xf32>
        %add3A_1988 = arith.addf %add3A_1979, %add3A_1980 : vector<16xf32>
        %add3A_1989 = arith.addf %add3A_1981, %add3A_1982 : vector<16xf32>
        %add3A_1990 = arith.addf %add3A_1983, %add3A_1984 : vector<16xf32>
        %add3A_1991 = arith.addf %add3A_1985, %add3A_1986 : vector<16xf32>
        %add3A_1992 = arith.addf %add3A_1987, %add3A_1988 : vector<16xf32>
        %add3A_1993 = arith.addf %add3A_1989, %add3A_1990 : vector<16xf32>
        %add3A_1994 = arith.addf %add3A_1992, %add3A_1993 : vector<16xf32>
        %add3A_1995 = arith.addf %add3A_1994, %add3A_1991 : vector<16xf32>
        %get3A_1996 = arith.constant 48 : index
        %get3A_1997 = tpu.vector_load %arg20[%get3A_1996] {strides = array<i32>} : memref<64xf32, #tpu.memory_space<vmem>>, vector<16xf32>,
        %mul3A_1998 = arith.mulf %gather3A_1336, %get3A_1997 : vector<16xf32>
        %sub3A_1999 = arith.subf %add3A_1995, %mul3A_1998 : vector<16xf32>
        %mul3A_2000 = arith.mulf %sub3A_1999, %gather3A_1335 : vector<16xf32>
        %swap3A_2001 = arith.index_cast %scan3A_1333 : i32 to index
        %swap3A_2002 = arith.constant 48 : index
        %swap3A_2003 = tpu.vector_load %arg15[%swap3A_2001, %swap3A_2002] {strides = array<i32>} : memref<32x64xf32, #tpu.memory_space<vmem>>, vector<16xf32>,
        tpu.vector_store %arg15[%swap3A_2001, %swap3A_2002], %mul3A_2000 {strides = array<i32>} : memref<32x64xf32, #tpu.memory_space<vmem>>, vector<16xf32>,
      }
      %scan3A_1291 = arith.constant 32 : i32
      %dma_start3A_1292 = arith.constant 0 : i32
      %dma_start3A_1293 = arith.constant 0 : i32
      %dma_start3A_1294 = tpu.memref_slice %arg22[%dma_start3A_1292, %dma_start3A_1293] : memref<1x32xi32, #tpu.memory_space<vmem>> -> memref<1x32xi32, #tpu.memory_space<vmem>>
      %dma_start3A_1295 = tpu.memref_squeeze %dma_start3A_1294 : memref<1x32xi32, #tpu.memory_space<vmem>> -> memref<32xi32, #tpu.memory_space<vmem>>
      %dma_start3A_1296 = arith.constant 0 : i32
      %dma_start3A_1297 = arith.constant 0 : i32
      %dma_start3A_1298 = tpu.memref_slice %arg8[%dma_start3A_1296, %dma_start3A_1297] : memref<665600x64xf32, #tpu.memory_space<hbm>> -> memref<665600x64xf32, #tpu.memory_space<hbm>>
      tpu.enqueue_indirect_dma source(%arg15 : memref<32x64xf32, #tpu.memory_space<vmem>>) target(%dma_start3A_1298 : memref<665600x64xf32, #tpu.memory_space<hbm>>) offsets(%dma_start3A_1295 : memref<32xi32, #tpu.memory_space<vmem>>) semaphore(%arg25 : memref<!tpu.dma_semaphore, #tpu.memory_space<semaphore_mem>>)
      %dma_wait3A_1299 = arith.constant 0 : i32
      %dma_wait3A_1300 = arith.constant 0 : i32
      %dma_wait3A_1301 = arith.constant 0 : i32
      %dma_wait3A_1302 = tpu.memref_slice %arg13[%dma_wait3A_1300, %dma_wait3A_1301] : memref<256x64xf32, #tpu.memory_space<vmem>> -> memref<128x64xf32, #tpu.memory_space<vmem>>
      %dma_wait3A_1303 = arith.constant 0 : i32
      %dma_wait3A_1304 = tpu.memref_slice %arg21[%dma_wait3A_1299, %dma_wait3A_1303] : memref<3x128xi32, #tpu.memory_space<vmem>> -> memref<1x128xi32, #tpu.memory_space<vmem>>
      %dma_wait3A_1305 = tpu.memref_squeeze %dma_wait3A_1304 : memref<1x128xi32, #tpu.memory_space<vmem>> -> memref<128xi32, #tpu.memory_space<vmem>>
      %dma_wait3A_1306 = arith.constant 0 : i32
      %dma_wait3A_1307 = arith.constant 0 : i32
      %dma_wait3A_1308 = tpu.memref_slice %arg8[%dma_wait3A_1306, %dma_wait3A_1307] : memref<665600x64xf32, #tpu.memory_space<hbm>> -> memref<665600x64xf32, #tpu.memory_space<hbm>>
      tpu.wait_indirect_dma semaphore(%arg25 : memref<!tpu.dma_semaphore, #tpu.memory_space<semaphore_mem>>) src(%dma_wait3A_1302 : memref<128x64xf32, #tpu.memory_space<vmem>>) dst(%dma_wait3A_1308 : memref<665600x64xf32, #tpu.memory_space<hbm>>)
      %dma_wait3A_1309 = arith.constant 1 : i32
      %dma_wait3A_1310 = arith.constant 128 : i32
      %dma_wait3A_1311 = arith.constant 0 : i32
      %dma_wait3A_1312 = tpu.memref_slice %arg13[%dma_wait3A_1310, %dma_wait3A_1311] : memref<256x64xf32, #tpu.memory_space<vmem>> -> memref<128x64xf32, #tpu.memory_space<vmem>>
      %dma_wait3A_1313 = arith.constant 0 : i32
      %dma_wait3A_1314 = tpu.memref_slice %arg21[%dma_wait3A_1309, %dma_wait3A_1313] : memref<3x128xi32, #tpu.memory_space<vmem>> -> memref<1x128xi32, #tpu.memory_space<vmem>>
      %dma_wait3A_1315 = tpu.memref_squeeze %dma_wait3A_1314 : memref<1x128xi32, #tpu.memory_space<vmem>> -> memref<128xi32, #tpu.memory_space<vmem>>
      %dma_wait3A_1316 = arith.constant 0 : i32
      %dma_wait3A_1317 = arith.constant 0 : i32
      %dma_wait3A_1318 = tpu.memref_slice %arg8[%dma_wait3A_1316, %dma_wait3A_1317] : memref<665600x64xf32, #tpu.memory_space<hbm>> -> memref<665600x64xf32, #tpu.memory_space<hbm>>
      tpu.wait_indirect_dma semaphore(%arg25 : memref<!tpu.dma_semaphore, #tpu.memory_space<semaphore_mem>>) src(%dma_wait3A_1312 : memref<128x64xf32, #tpu.memory_space<vmem>>) dst(%dma_wait3A_1318 : memref<665600x64xf32, #tpu.memory_space<hbm>>)
      %dma_wait3A_1319 = arith.constant 2 : i32
      %dma_wait3A_1320 = arith.constant 0 : i32
      %dma_wait3A_1321 = tpu.memref_slice %arg21[%dma_wait3A_1319, %dma_wait3A_1320] : memref<3x128xi32, #tpu.memory_space<vmem>> -> memref<1x128xi32, #tpu.memory_space<vmem>>
      %dma_wait3A_1322 = tpu.memref_squeeze %dma_wait3A_1321 : memref<1x128xi32, #tpu.memory_space<vmem>> -> memref<128xi32, #tpu.memory_space<vmem>>
      %dma_wait3A_1323 = arith.constant 0 : i32
      %dma_wait3A_1324 = arith.constant 0 : i32
      %dma_wait3A_1325 = tpu.memref_slice %arg8[%dma_wait3A_1323, %dma_wait3A_1324] : memref<665600x64xf32, #tpu.memory_space<hbm>> -> memref<665600x64xf32, #tpu.memory_space<hbm>>
      tpu.wait_indirect_dma semaphore(%arg25 : memref<!tpu.dma_semaphore, #tpu.memory_space<semaphore_mem>>) src(%arg16 : memref<128x64xf32, #tpu.memory_space<vmem>>) dst(%dma_wait3A_1325 : memref<665600x64xf32, #tpu.memory_space<hbm>>)
      %dma_wait3A_1326 = arith.constant 0 : i32
      %dma_wait3A_1327 = arith.constant 0 : i32
      %dma_wait3A_1328 = tpu.memref_slice %arg22[%dma_wait3A_1326, %dma_wait3A_1327] : memref<1x32xi32, #tpu.memory_space<vmem>> -> memref<1x32xi32, #tpu.memory_space<vmem>>
      %dma_wait3A_1329 = tpu.memref_squeeze %dma_wait3A_1328 : memref<1x32xi32, #tpu.memory_space<vmem>> -> memref<32xi32, #tpu.memory_space<vmem>>
      %dma_wait3A_1330 = arith.constant 0 : i32
      %dma_wait3A_1331 = arith.constant 0 : i32
      %dma_wait3A_1332 = tpu.memref_slice %arg8[%dma_wait3A_1330, %dma_wait3A_1331] : memref<665600x64xf32, #tpu.memory_space<hbm>> -> memref<665600x64xf32, #tpu.memory_space<hbm>>
      tpu.wait_indirect_dma semaphore(%arg25 : memref<!tpu.dma_semaphore, #tpu.memory_space<semaphore_mem>>) src(%arg15 : memref<32x64xf32, #tpu.memory_space<vmem>>) dst(%dma_wait3A_1332 : memref<665600x64xf32, #tpu.memory_space<hbm>>)
    }
    %scan3A_4 = arith.constant 50 : i32
    return
  }
}

</mosaic_0001>

<sc_bundles>
// kernel: kernel.3.cloned.1.call-start
scs
__scs_entry_jumppad:
0x0: {  	(pc) =	sbr.rel $0x88, $3  }
0x1: {  	(tag) =	ssettag $0x0;
	lr =	simm.s32 $0x1  }
0x2: {  	[smem:$0x3F9B] =	sst lr;
	_ =	strace $0xD0000000  }
0x3: {  	_ = 	snop  }
0x4: {  	_ = 	snop  }
0x5: {  	_ = 	snop  }
0x6: {  	_ = 	snop  }
0x7: {  	_ = 	snop  }
__scs_overlays_trampoline_lowered:
0x8: {  	[smem:$0x3FAA] =	sst s0  }
0x9: {  	[smem:$0x3FAB] =	sst s1  }
0xa: {  	[smem:$0x3FAC] =	sst s2  }
0xb: {  	[smem:$0x3FAD] =	sst s3  }
0xc: {  	[smem:$0x3FAE] =	sst s4  }
0xd: {  	[smem:$0x3FAF] =	sst s5  }
0xe: {  	[smem:$0x3FB0] =	sst s6  }
0xf: {  	[smem:$0x3FB1] =	sst s7  }
0x10: {  	[smem:$0x3FB2] =	sst s8  }
0x11: {  	[smem:$0x3FB3] =	sst s9;
	s0 =	simm.s32 @!p0 $0x0  }
0x12: {  	s1 =	sld [smem:$0x3F99];
	s0 =	simm.s32 @p0 $0x1  }
0x13: {  	[smem:$0x3FB4] =	sst s0;
	s0 =	simm.s32 @!p1 $0x0  }
0x14: {  	s2 =	sld [smem:$0x3F98];
	s0 =	simm.s32 @p1 $0x1  }
0x15: {  	[smem:$0x3FB5] =	sst s0;
	s0 =	simm.s32 @!p2 $0x0  }
0x16: {  	s3 =	sld [smem:$0x3FDB];
	s0 =	simm.s32 @p2 $0x1  }
0x17: {  	s4 =	simm.s32 $0x1BF5;
	[smem:$0x3FB7] =	sst s0  }
0x18: {  	s0 =	sld [smem:$0x3F9A];
	_ =	swait.ge [sflag:s4], $0x0  }
0x19: {  	s7 =	sld [smem:$0x3F9B]  }
0x1a: {  	s8 =	sadd.s32 $0xFFFFE003, lr  }
0x1b: {  	s9 =	sadd.s32 $0xFFFFFEF7, lr;
	s5 =	simm.s32 $0xFFFFFFFF;
	p2 =	slt.u32 s8, $0xFFFFF086  }
0x1c: {  	p1 =	slt.u32 s9, $0xF7A;
	s5 =	simm.s32 @!p2 $0x0  }
0x1d: {  	s5 =	simm.s32 @p1 $0x1;
	p0 =	seq.s32 s7, s2  }
0x1e: {  	s7 =	smul.u32 @!p0 $0xF7A, s2;
	p2 =	seq.s32 @!p0 s5, $0x0  }
0x1f: {  	s9 =	smul.u32 $0xF7A, s1;
	s8 =	simm.s32 @!p0 $0x1BF5;
	p2 =	por !p2, p0  }
0x20: {  	[sflag:s8] =	ssyncset.s32 @!p0 $0xFFFFF086;
	s6 =	sadd.s32 @!p0 s3, s7;
	s7 =	simm.s32 @!p0 $0x108  }
0x21: {  	s3 =	sadd.s32 s3, s9;
	s6 =	sadd.s32 @!p0 $0x88, s6;
	s7 =	simm.s32 @p2 $0x1082  }
0x22: {  	[simem:s7], [sflag:s8] =	dma.local @!p0 [hbm:s6], $0xF7A  }
0x23: {  	s9 =	sor.u32 $0xD0000000, s2;
	s6 =	simm.s32 $0x108;
	_ =	swait.ge @!p0 [sflag:s8], $0x0  }
0x24: {  	s3 =	sadd.s32 $0x88, s3;
	s6 =	simm.s32 @!p1 $0x1082;
	[sflag:s4] =	ssyncset.s32 $0xFFFFF086  }
0x25: {  	[simem:s6], [sflag:s4] =	dma.local [hbm:s3], $0xF7A  }
0x26: {  	[smem:$0x3F9B] =	sst s1;
	(tag) =	ssettag s2;
	_ =	strace s9  }
0x27: {  	s1 =	sld [smem:$0x3FAB]  }
0x28: {  	s2 =	sld [smem:$0x3FAC]  }
0x29: {  	s4 =	sld [smem:$0x3FAE]  }
0x2a: {  	p0 =	seq.s32 s5, $0x0;
	s5 =	sld [smem:$0x3FAF]  }
0x2b: {  	s6 =	sld [smem:$0x3FB0]  }
0x2c: {  	s7 =	sld [smem:$0x3FB1]  }
0x2d: {  	s3 =	simm.s32 $0x108;
	s8 =	sld [smem:$0x3FB2]  }
0x2e: {  	s3 =	simm.s32 @!p0 $0x1082;
	s9 =	sld [smem:$0x3FB3]  }
0x2f: {  	lr =	sadd.s32 s0, s3;
	s0 =	sld [smem:$0x3FAA]  }
0x30: {  	s3 =	sld [smem:$0x3FAD]  }
0x31: {  	[smem:$0x3FB6] =	sst s10  }
0x32: {  	s10 =	sld [smem:$0x3FB4];
	_ =	sdelay $0x3  }
0x33: {  	p0 =	seq.s32 s10, $0x1;
	s10 =	sld [smem:$0x3FB6];
	_ =	sdelay $0x3  }
0x34: {  	[smem:$0x3FB6] =	sst s10  }
0x35: {  	s10 =	sld [smem:$0x3FB5];
	_ =	sdelay $0x3  }
0x36: {  	p1 =	seq.s32 s10, $0x1;
	s10 =	sld [smem:$0x3FB6];
	_ =	sdelay $0x3  }
0x37: {  	[smem:$0x3FB6] =	sst s10  }
0x38: {  	s10 =	sld [smem:$0x3FB7]  }
0x39: {  	_ = 	snop;
	(pc) =	sbr.ind lr, $3  }
0x3a: {  	_ = 	snop  }
0x3b: {  	_ = 	snop  }
0x3c: {  	p2 =	seq.s32 s10, $0x1;
	s10 =	sld [smem:$0x3FB6]  }
0x3d: {  	_ =	shalt  }
0x3e: {  	_ =	shalt  }
0x3f: {  	_ =	shalt  }
0x40: {  	_ =	shalt  }
0x41: {  	_ =	shalt  }
0x42: {  	_ =	shalt  }
0x43: {  	_ =	shalt  }
0x44: {  	_ =	shalt  }
0x45: {  	_ =	shalt  }
0x46: {  	_ =	shalt  }
0x47: {  	_ =	shalt  }
0x48: {  	_ =	shalt  }
0x49: {  	_ =	shalt  }
0x4a: {  	_ =	shalt  }
0x4b: {  	_ =	shalt  }
0x4c: {  	_ =	shalt  }
0x4d: {  	_ =	shalt  }
0x4e: {  	_ =	shalt  }
0x4f: {  	_ =	shalt  }
0x50: {  	_ =	shalt  }
0x51: {  	_ =	shalt  }
0x52: {  	_ =	shalt  }
0x53: {  	_ =	shalt  }
0x54: {  	_ =	shalt  }
0x55: {  	_ =	shalt  }
0x56: {  	_ =	shalt  }
0x57: {  	_ =	shalt  }
0x58: {  	_ =	shalt  }
0x59: {  	_ =	shalt  }
0x5a: {  	_ =	shalt  }
0x5b: {  	_ =	shalt  }
0x5c: {  	_ =	shalt  }
0x5d: {  	_ =	shalt  }
0x5e: {  	_ =	shalt  }
0x5f: {  	_ =	shalt  }
0x60: {  	_ =	shalt  }
0x61: {  	_ =	shalt  }
0x62: {  	_ =	shalt  }
0x63: {  	_ =	shalt  }
0x64: {  	_ =	shalt  }
0x65: {  	_ =	shalt  }
0x66: {  	_ =	shalt  }
0x67: {  	_ =	shalt  }
0x68: {  	_ =	shalt  }
0x69: {  	_ =	shalt  }
0x6a: {  	_ =	shalt  }
0x6b: {  	_ =	shalt  }
0x6c: {  	_ =	shalt  }
0x6d: {  	_ =	shalt  }
0x6e: {  	_ =	shalt  }
0x6f: {  	_ =	shalt  }
0x70: {  	_ =	shalt  }
0x71: {  	_ =	shalt  }
0x72: {  	_ =	shalt  }
0x73: {  	_ =	shalt  }
0x74: {  	_ =	shalt  }
0x75: {  	_ =	shalt  }
0x76: {  	_ =	shalt  }
0x77: {  	_ =	shalt  }
0x78: {  	_ =	shalt  }
0x79: {  	_ =	shalt  }
0x7a: {  	_ =	shalt  }
0x7b: {  	_ =	shalt  }
0x7c: {  	_ =	shalt  }
0x7d: {  	_ =	shalt  }
0x7e: {  	_ =	shalt  }
0x7f: {  	_ =	shalt  }
0x80: {  	_ =	shalt  }
0x81: {  	_ =	shalt  }
0x82: {  	_ =	shalt  }
0x83: {  	_ =	shalt  }
0x84: {  	_ =	shalt  }
0x85: {  	_ =	shalt  }
0x86: {  	_ =	shalt  }
0x87: {  	_ =	shalt  }
.Lfunc_end0:
.L_simem_size_0:
called_computation.1_lowered:
.L_overlay_start_0:
0x88: {  	s2 =	sld [smem:$0x3FD9]  }
0x89: {  	s3 =	sld [smem:$0x3FFE];
	_ =	sdelay $0x1  }
0x8a: {  	s1 =	srdreg.scid  }
0x8b: {  	s0 =	sand.u32 $0x1, s1  }
0x8c: {  	s17 =	sshll.u32 s0, $0xA;
	s2 =	sadd.s32 s3, s2  }
0x8d: {  	s2 =	sadd.s32 s2, s17  }
0x8e: {  	[smem:$0x3FC2] =	sst s2  }
0x8f: {  	_ = 	snop  }
0x90: {  	s2 =	sld [smem:$0x3FD0];
	(tm) =	ssettm $0x1  }
0x91: {  	s18 =	sld [smem:$0x3FFB];
	_ =	sdelay $0x3  }
0x92: {  	_ =	strace s18  }
0x93: {  	s3 =	sld [smem:$0x3FFC];
	_ =	sdelay $0x3  }
0x94: {  	_ =	strace s3  }
0x95: {  	s3 =	sld [smem:$0x3FFD];
	_ =	sdelay $0x3  }
0x96: {  	_ =	strace s3  }
0x97: {  	_ =	strace $0x8FFFFFFF  }
0x98: {  	s19 =	sld [smem:$0x3FDB];
	_ =	sdelay $0x1  }
0x99: {  	s4 =	simm.s32 $_scs_section_size  }
0x9a: {  	s5 =	simm.s32 $_size__tile_overlayer_lowered;
	s6 =	simm.s32 $_tile_overlayer_lowered  }
0x9b: {  	s22 =	simm.s32 $0x1BFF;
	s21 =	sshll.u32 s6, $0x1;
	s3 =	sadd.s32 s4, s19  }
0x9c: {  	s7 =	simm.s32 $0x0;
	s20 =	sshll.u32 s5, $0x1;
	s5 =	sadd.s32 s21, s3  }
0x9d: {  	[timem:s7], [sflag:s22] =	dma.local [hbm:s5], s20  }
0x9e: {  	_ =	swait.ge [sflag:s22], s20  }
0x9f: {  	s4 =	ssub.s32 $0x0, s20;
	[sflag:s22] =	ssyncset.done $0x0  }
0xa0: {  	[sflag:s22] =	ssyncadd.s32 s4;
	_ =	sdelay $0x1  }
0xa1: {  	s23 =	simm.s32 $0x1B8B  }
0xa2: {  	_ =	swait.ge [sflag:s23], $0x1  }
0xa3: {  	[sflag:s23] =	ssyncset.done $0x0  }
0xa4: {  	s25 =	simm.s32 $0x1B8E;
	s24 =	sld [smem:$0x3FFE];
	[sflag:s23] =	ssyncadd.s32 $0xFFFFFFFF  }
0xa5: {  	s26 =	simm.s32 $execute0_lowered;
	[smem:$0x3FD2] =	sst s25  }
0xa6: {  	s5 =	sshll.u32 s26, $0x1;
	_ =	strace $0x80000046;
	[dreg:$0x1] =	wrdreg $0xFFFFFFFF  }
0xa7: {  	s28 =	simm.s32 $_size_execute0_lowered;
	s3 =	sadd.s32 s3, s5;
	[dreg:$0x0] =	wrdreg $0x0  }
0xa8: {  	s5 =	sshll.u32 s28, $0x1;
	[dreg:$0x2] =	wrdreg s3  }
0xa9: {  	[dreg:$0x3] =	wrdreg s5  }
0xaa: {  	[dreg:$0x4] =	wrdreg $0xC0  }
0xab: {  	_ =	task [dreg:s7], $0x5FFFF  }
0xac: {  	[dreg:$0x1] =	wrdreg $0xFFFFFFFF  }
0xad: {  	[dreg:$0x0] =	wrdreg $0x60  }
0xae: {  	[dreg:$0x2] =	wrdreg s24  }
0xaf: {  	[dreg:$0x3] =	wrdreg s2  }
0xb0: {  	[dreg:$0x4] =	wrdreg $0x9  }
0xb1: {  	_ =	task.clear_ibuf [dreg:s7], $0x5FFFF;
	_ =	strace $0x90000046  }
0xb2: {  	s29 =	simm.s32 $0x9;
	_ =	strace $0x80000048  }
0xb3: {  	_ =	swait.ge [sflag:s29], $0x1  }
0xb4: {  	[sflag:s29] =	ssyncadd.s32 $0xFFFFFFFF  }
0xb5: {  	_ =	strace $0x90000048  }
0xb6: {  	_ =	sfence  }
0xb7: {  	s30 =	sld [smem:$0x0];
	_ =	sdelay $0x2  }
0xb8: {  	s31 =	sshll.u32 s1, $0xD;
	s1 =	sshrl.u32 s1, $0x2  }
0xb9: {  	s3 =	sand.u32 $0x4000, s31;
	s1 =	sadd.s32 s1, s30  }
0xba: {  	s0 =	sor.u32 s3, s0;
	s1 =	sshll.u32 s1, $0x11  }
0xbb: {  	s0 =	sor.u32 s1, s0  }
0xbc: {  	s0 =	sadd.s32 $0x8F2B, s0  }
0xbd: {  	[sflag:s0] =	ssyncadd.remote.s32 $0x1  }
0xbe: {  	_ =	sfence.sel $0xFFFF  }
0xbf: {  	[dreg:$0x0] =	wrdreg $0xFFFFFFFF;
	(pc) =	sbr.abs _section_cstart, $3  }
0xc0: {  	[dreg:$0x1] =	wrdreg $0xFFFFFFFF  }
0xc1: {  	_ =	task.clear_ibuf [dreg:s7], $0x2FFFF;
	_ =	strace $0x9FFFFFFF  }
0xc2: {  	(tm) =	ssettm $0x7FFFFFFF  }
0xc3: {  	_ =	shalt  }
tec
execute0_lowered:
.L_overlay_start_1:
0x0: {  	(tag) =	ssettag $0x1  }
0x1: {  	v2 =	vlaneseq.u32  }
0x2: {  	v0 =	vmul.u32 $0x8, v2  }
0x3: {  	s0 =	rddreg [dreg:$0x0];
	s2 =	simm.s32 $0x0;
	v1 =	vmul.u32 $0xD, v2  }
0x4: {  	[smem:$0x7FF] =	sst s2;
	v3 =	vor.u32 $0x1, v0  }
0x5: {  	s1 =	rddreg [dreg:$0x1];
	v43 =	vimm.s32 $0x0;
	v38 =	vmul.u32 $0x14, v2;
	_ =	strace $0x80000047;
	v45 =	vadd.s32 $0x1, v1;
	[tilespmem:$0x1FEC0] =	vst v3  }
0x6: {  	v46 =	vor.u32 $0x2, v0;
	v47 =	vadd.s32 $0x2, v1;
	v48 =	vor.u32 $0x3, v0;
	[tilespmem:$0x1FED0] =	vst v45  }
0x7: {  	v49 =	vadd.s32 $0x3, v1;
	v50 =	vor.u32 $0x4, v0;
	v51 =	vadd.s32 $0x4, v1;
	[tilespmem:$0x1FEE0] =	vst v46  }
0x8: {  	v52 =	vor.u32 $0x5, v0;
	v53 =	vadd.s32 $0x5, v1;
	v54 =	vor.u32 $0x6, v0;
	[tilespmem:$0x1FEF0] =	vst v47  }
0x9: {  	v55 =	vadd.s32 $0x6, v1;
	v56 =	vor.u32 $0x7, v0;
	v57 =	vadd.s32 $0x7, v1;
	[tilespmem:$0x1FF00] =	vst v48  }
0xa: {  	v58 =	vadd.s32 $0x8, v1;
	v59 =	vadd.s32 $0x9, v1;
	v60 =	vadd.s32 $0xA, v1;
	[tilespmem:$0x1FF10] =	vst v49  }
0xb: {  	v61 =	vadd.s32 $0xB, v1;
	v62 =	vadd.s32 $0xC, v1;
	v63 =	vadd.s32 $0xD0, v1;
	[tilespmem:$0x1FF20] =	vst v50  }
0xc: {  	s25 =	srdreg.scid;
	s16 =	simm.s32 $0x380;
	v22 =	vor.u32 $0x80, v0;
	v23 =	vor.u32 $0x81, v0;
	v24 =	vadd.s32 $0xD1, v1;
	[tilespmem:$0x1FF30] =	vst v51  }
0xd: {  	s8 =	stileid.u32;
	s20 =	simm.s32 $0x500;
	s29 =	simm.s32 $0x2500;
	v25 =	vor.u32 $0x82, v0;
	v26 =	vadd.s32 $0xD2, v1;
	v27 =	vor.u32 $0x83, v0;
	[tilespmem:$0x1FF40] =	vst v52  }
0xe: {  	s15 =	simm.s32 $0x100;
	s24 =	simm.s32 $0x300;
	s28 =	simm.s32 $0x10E80;
	v28 =	vadd.s32 $0xD3, v1;
	v29 =	vor.u32 $0x84, v0;
	v30 =	vadd.s32 $0xD4, v1;
	[tilespmem:$0x1FF50] =	vst v53  }
0xf: {  	s17 =	simm.s32 $0x1;
	s30 =	simm.s32 $0x10F00;
	s31 =	simm.s32 $0x10F80;
	v31 =	vor.u32 $0x85, v0;
	v32 =	vadd.s32 $0xD5, v1;
	v33 =	vor.u32 $0x86, v0;
	[tilespmem:$0x1FF60] =	vst v54  }
0x10: {  	s18 =	simm.s32 $0x20;
	s12 =	simm.s32 $0x10D20;
	s14 =	simm.s32 $0x11000;
	v34 =	vadd.s32 $0xD6, v1;
	v35 =	vor.u32 $0x87, v0;
	v36 =	vadd.s32 $0xD7, v1;
	[tilespmem:$0x1FF70] =	vst v55  }
0x11: {  	s11 =	simm.s32 $0x3;
	s19 =	simm.s32 $0x0;
	s3 =	sadd.s32 $0xE3A00, s0;
	v37 =	vadd.s32 $0xD8, v1;
	v39 =	vadd.s32 $0xD9, v1;
	v40 =	vadd.s32 $0xDA, v1;
	[tilespmem:$0x1FF80] =	vst v56  }
0x12: {  	s4 =	sadd.s32 $0xF0200, s0;
	s6 =	sadd.s32 $0xC4600, s0;
	s2 =	sand.u32 $0x1, s25;
	v41 =	vadd.s32 $0xDB, v1;
	v42 =	vadd.s32 $0xDC, v1;
	v44 =	vor.u32 $0x1, v38;
	[tilespmem:$0x1FF90] =	vst v57  }
0x13: {  	s7 =	sadd.s32 $0xC36000, s0;
	s8 =	sshll.u32 s8, $0x1;
	s9 =	sadd.s32 $0xF6600, s0;
	[tilespmem:$0x1FFA0] =	vst v58;
	v45 =	vor.u32 $0x2, v38;
	v46 =	vor.u32 $0x3, v38;
	v47 =	vadd.s32 $0x4, v38  }
0x14: {  	s25 =	simm.s32 $0xC500;
	s5 =	ssub.s32 $0x2, s2;
	[dreg:$0x3] =	wrdreg s9;
	[tilespmem:$0x1FFB0] =	vst v59;
	v48 =	vadd.s32 $0x5, v38;
	v49 =	vadd.s32 $0x6, v38;
	v50 =	vadd.s32 $0x7, v38  }
0x15: {  	s2 =	sor.u32 s2, s8;
	s9 =	sadd.s32 $0x1000, s0;
	s10 =	sshrl.u32 s5, $0x1;
	[tilespmem:$0x1FFC0] =	vst v60;
	v51 =	vadd.s32 $0x8, v38;
	v52 =	vadd.s32 $0x9, v38;
	v53 =	vadd.s32 $0xA, v38  }
0x16: {  	s8 =	simm.s32 $0xE500;
	s26 =	ssub.s32 s5, s10;
	s10 =	smul.u32 $0x640, s2;
	[tilespmem:$0x1FFD0] =	vst v61;
	v54 =	vadd.s32 $0xB, v38;
	v55 =	vadd.s32 $0xC, v38;
	v56 =	vadd.s32 $0xD, v38  }
0x17: {  	[tilespmem:$0x1FFE0] =	vst v62;
	s2 =	simm.s32 $0x80;
	v57 =	vadd.s32 $0xE, v38;
	v58 =	vadd.s32 $0xF, v38;
	v59 =	vadd.s32 $0x10, v38;
	s5 =	simm.s32 $0x10D00;
	s0 =	smax.u32 s26, $0x1  }
0x18: {  	v20 =	vmovc v0;
	v21 =	vmovc v1;
	[tilespmem:$0x1FFF0] =	vst v63;
	v60 =	vadd.s32 $0x11, v38;
	v61 =	vadd.s32 $0x12, v38;
	v62 =	vadd.s32 $0x13, v38;
	s26 =	simm.s32 $0x2;
	[dreg:$0x4] =	wrdreg s0;
	s0 =	simm.s32 $0xED00  }
.LBB2_1:
0x19: {  	[dreg:$0x5] =	wrdreg s19;
	s13 =	simm.s32 $0x0  }
0x1a: {  	s23 =	rddreg [dreg:$0x3];
	s21 =	simm.s32 $0x10D40;
	s22 =	simm.s32 $0x4  }
0x1b: {  	[tilespmem:s21], [sflag:$0x4] =	stream.linear.gather [hbm4b:s23+s13], $0x100, $0x38;
	[tilespmem:$0x11020] =	vst v63  }
0x1c: {  	_ =	swait.ge [sflag:s22], $0x100  }
0x1d: {  	[sflag:s22] =	ssyncset.done $0x0  }
0x1e: {  	s23 =	simm.s32 $0x10E40;
	[sflag:s22] =	ssyncadd.s32 $0xFFFFFF00  }
0x1f: {  	[tilespmem:s23], [sflag:$0x4] =	stream.linear.gather [hbm4b:s9+s13], $0x40, $0x38;
	[tilespmem:$0x11020] =	vst v63  }
0x20: {  	_ =	swait.ge [sflag:s22], $0x40  }
0x21: {  	[sflag:s22] =	ssyncset.done $0x0  }
0x22: {  	s13 =	simm.s32 $0x0;
	[sflag:s22] =	ssyncadd.s32 $0xFFFFFFC0  }
.LBB2_2:
0x23: {  	s19 =	sshll.u32 s13, $0x5  }
0x24: {  	s21 =	sadd.s32 s10, s19  }
0x25: {  	s19 =	simm.s32 $0x0;
	s22 =	sadd.s32 s3, s21;
	s23 =	smul.u32 $0x14, s21  }
0x26: {  	[tilespmem:s19], [sflag:$0x1] =	stream.linear.gather [hbm4b:s22+s19], $0x100, $0x38;
	[tilespmem:$0x11020] =	vst v63  }
0x27: {  	s23 =	sshrl.u32 s23, $0x3  }
0x28: {  	s22 =	sadd.s32 s6, s23;
	s23 =	sshrl.u32 s21, $0x1  }
0x29: {  	[tilespmem:s15], [sflag:$0x1] =	stream.linear.gather [hbm4b:s22+s19], $0x280, $0x38;
	[tilespmem:$0x11020] =	vst v63  }
0x2a: {  	s22 =	sadd.s32 s4, s23  }
0x2b: {  	[tilespmem:s16], [sflag:$0x1] =	stream.linear.gather [hbm4b:s22+s19], $0x80, $0x38;
	[tilespmem:$0x11020] =	vst v63  }
0x2c: {  	_ =	swait.ge [sflag:s17], $0x100  }
0x2d: {  	[sflag:s17] =	ssyncset.done $0x0  }
0x2e: {  	[sflag:s17] =	ssyncadd.s32 $0xFFFFFF00  }
0x2f: {  	_ =	swait.ge [sflag:s17], $0x280  }
0x30: {  	[sflag:s17] =	ssyncset.done $0x0  }
0x31: {  	[sflag:s17] =	ssyncadd.s32 $0xFFFFFD80  }
0x32: {  	_ =	swait.ge [sflag:s17], $0x80  }
0x33: {  	v2 =	vmov s21;
	[sflag:s17] =	ssyncset.done $0x0;
	v0 =	vld [tilespmem:$0x1FEC0]  }
0x34: {  	v2 =	vmul.u32 $0xD, v2;
	[sflag:s17] =	ssyncadd.s32 $0xFFFFFF80  }
0x35: {  	v3 =	vld.idx.msk [tilespmem:v20+s19+$0x0], $0xffff  }
0x36: {  	v2 =	vbroadcast v2, $0x0;
	_ =	sdelay $0x1  }
0x37: {  	v63 =	vadd.s32 v21, v2  }
0x38: {  	[tilespmem:$0x10E80] =	vst v63  }
0x39: {  	[tilespmem:$0x400] =	vst v3  }
0x3a: {  	v3 =	vld.idx.msk [tilespmem:v0+s19+$0x0], $0xffff  }
0x3b: {  	v0 =	vld [tilespmem:$0x1FED0];
	_ =	sdelay $0x3  }
0x3c: {  	v3 =	vadd.s32 $0x186A0, v3  }
0x3d: {  	[tilespmem:$0x420] =	vst v3;
	v3 =	vadd.s32 v0, v2;
	v0 =	vld [tilespmem:$0x1FEE0];
	_ =	sdelay $0x6  }
0x3e: {  	[tilespmem:$0x10EA0] =	vst v3  }
0x3f: {  	v3 =	vld.idx.msk [tilespmem:v0+s19+$0x0], $0xffff  }
0x40: {  	v0 =	vld [tilespmem:$0x1FEF0];
	_ =	sdelay $0x3  }
0x41: {  	v3 =	vadd.s32 $0x30D40, v3  }
0x42: {  	[tilespmem:$0x440] =	vst v3;
	v3 =	vadd.s32 v0, v2;
	v0 =	vld [tilespmem:$0x1FF00];
	_ =	sdelay $0x6  }
0x43: {  	[tilespmem:$0x10EC0] =	vst v3  }
0x44: {  	v3 =	vld.idx.msk [tilespmem:v0+s19+$0x0], $0xffff  }
0x45: {  	v0 =	vld [tilespmem:$0x1FF10];
	_ =	sdelay $0x3  }
0x46: {  	v3 =	vadd.s32 $0x493E0, v3  }
0x47: {  	[tilespmem:$0x460] =	vst v3;
	v3 =	vadd.s32 v0, v2;
	v0 =	vld [tilespmem:$0x1FF20];
	_ =	sdelay $0x6  }
0x48: {  	[tilespmem:$0x10EE0] =	vst v3  }
0x49: {  	v3 =	vld.idx.msk [tilespmem:v0+s19+$0x0], $0xffff  }
0x4a: {  	v0 =	vld [tilespmem:$0x1FF30];
	_ =	sdelay $0x3  }
0x4b: {  	v3 =	vadd.s32 $0x61A80, v3  }
0x4c: {  	[tilespmem:$0x480] =	vst v3;
	v3 =	vadd.s32 v0, v2;
	v0 =	vld [tilespmem:$0x1FF40];
	_ =	sdelay $0x6  }
0x4d: {  	[tilespmem:$0x10F00] =	vst v3  }
0x4e: {  	v3 =	vld.idx.msk [tilespmem:v0+s19+$0x0], $0xffff  }
0x4f: {  	v0 =	vld [tilespmem:$0x1FF50];
	_ =	sdelay $0x3  }
0x50: {  	v3 =	vadd.s32 $0x7A120, v3  }
0x51: {  	[tilespmem:$0x4A0] =	vst v3;
	v3 =	vadd.s32 v0, v2;
	v0 =	vld [tilespmem:$0x1FF60];
	_ =	sdelay $0x6  }
0x52: {  	[tilespmem:$0x10F20] =	vst v3  }
0x53: {  	v3 =	vld.idx.msk [tilespmem:v0+s19+$0x0], $0xffff  }
0x54: {  	v0 =	vld [tilespmem:$0x1FF70];
	_ =	sdelay $0x3  }
0x55: {  	v3 =	vadd.s32 $0x927C0, v3  }
0x56: {  	[tilespmem:$0x4C0] =	vst v3;
	v3 =	vadd.s32 v0, v2;
	v0 =	vld [tilespmem:$0x1FF80];
	_ =	sdelay $0x6  }
0x57: {  	[tilespmem:$0x10F40] =	vst v3  }
0x58: {  	v3 =	vld.idx.msk [tilespmem:v0+s19+$0x0], $0xffff  }
0x59: {  	v0 =	vld [tilespmem:$0x1FF90];
	_ =	sdelay $0x3  }
0x5a: {  	v3 =	vadd.s32 $0xAAE60, v3  }
0x5b: {  	[tilespmem:$0x4E0] =	vst v3;
	v3 =	vadd.s32 v0, v2;
	v0 =	vld [tilespmem:$0x1FFA0];
	_ =	sdelay $0x4  }
0x5c: {  	[tilespmem:$0x10F60] =	vst v3;
	v3 =	vadd.s32 v0, v2;
	v0 =	vld [tilespmem:$0x1FFB0];
	_ =	sdelay $0x4  }
0x5d: {  	[tilespmem:$0x10F80] =	vst v3;
	v3 =	vadd.s32 v0, v2;
	v0 =	vld [tilespmem:$0x1FFC0];
	_ =	sdelay $0x4  }
0x5e: {  	[tilespmem:$0x10FA0] =	vst v3;
	v3 =	vadd.s32 v0, v2;
	v0 =	vld [tilespmem:$0x1FFD0];
	_ =	sdelay $0x4  }
0x5f: {  	[tilespmem:$0x10FC0] =	vst v3;
	v3 =	vadd.s32 v0, v2;
	v0 =	vld [tilespmem:$0x1FFE0];
	_ =	sdelay $0x4  }
0x60: {  	[tilespmem:$0x10FE0] =	vst v3;
	v3 =	vadd.s32 v0, v2;
	v0 =	vld [tilespmem:$0x1FFF0]  }
0x61: {  	[tilespmem:$0x11000] =	vst v3  }
0x62: {  	v3 =	vld.idx.msk [tilespmem:v22+s19+$0x0], $0xffff;
	_ =	sdelay $0x2  }
0x63: {  	v11 =	vadd.s32 v0, v2  }
0x64: {  	[tilespmem:$0x10E90] =	vst v11  }
0x65: {  	[tilespmem:$0x410] =	vst v3  }
0x66: {  	v3 =	vld.idx.msk [tilespmem:v23+s19+$0x0], $0xffff;
	_ =	sdelay $0x4  }
0x67: {  	v3 =	vadd.s32 $0x186A0, v3  }
0x68: {  	[tilespmem:$0x430] =	vst v3;
	v3 =	vadd.s32 v24, v2  }
0x69: {  	[tilespmem:$0x10EB0] =	vst v3  }
0x6a: {  	v3 =	vld.idx.msk [tilespmem:v25+s19+$0x0], $0xffff;
	_ =	sdelay $0x4  }
0x6b: {  	v3 =	vadd.s32 $0x30D40, v3  }
0x6c: {  	[tilespmem:$0x450] =	vst v3;
	v3 =	vadd.s32 v26, v2  }
0x6d: {  	[tilespmem:$0x10ED0] =	vst v3  }
0x6e: {  	v3 =	vld.idx.msk [tilespmem:v27+s19+$0x0], $0xffff;
	_ =	sdelay $0x4  }
0x6f: {  	v3 =	vadd.s32 $0x493E0, v3  }
0x70: {  	[tilespmem:$0x470] =	vst v3;
	v3 =	vadd.s32 v28, v2  }
0x71: {  	[tilespmem:$0x10EF0] =	vst v3  }
0x72: {  	v3 =	vld.idx.msk [tilespmem:v29+s19+$0x0], $0xffff;
	_ =	sdelay $0x4  }
0x73: {  	v3 =	vadd.s32 $0x61A80, v3  }
0x74: {  	[tilespmem:$0x490] =	vst v3;
	v3 =	vadd.s32 v30, v2  }
0x75: {  	[tilespmem:$0x10F10] =	vst v3  }
0x76: {  	v3 =	vld.idx.msk [tilespmem:v31+s19+$0x0], $0xffff;
	_ =	sdelay $0x4  }
0x77: {  	v3 =	vadd.s32 $0x7A120, v3  }
0x78: {  	[tilespmem:$0x4B0] =	vst v3;
	v3 =	vadd.s32 v32, v2  }
0x79: {  	[tilespmem:$0x10F30] =	vst v3  }
0x7a: {  	v3 =	vld.idx.msk [tilespmem:v33+s19+$0x0], $0xffff;
	_ =	sdelay $0x4  }
0x7b: {  	v3 =	vadd.s32 $0x927C0, v3  }
0x7c: {  	[tilespmem:$0x4D0] =	vst v3;
	v3 =	vadd.s32 v34, v2  }
0x7d: {  	[tilespmem:$0x10F50] =	vst v3  }
0x7e: {  	v3 =	vld.idx.msk [tilespmem:v35+s19+$0x0], $0xffff;
	_ =	sdelay $0x4  }
0x7f: {  	v3 =	vadd.s32 $0xAAE60, v3  }
0x80: {  	[tilespmem:$0x4F0] =	vst v3;
	v3 =	vadd.s32 v36, v2  }
0x81: {  	[tilespmem:$0x10F70] =	vst v3;
	v3 =	vadd.s32 v37, v2  }
0x82: {  	[tilespmem:$0x10F90] =	vst v3;
	v3 =	vadd.s32 v39, v2  }
0x83: {  	[tilespmem:$0x10FB0] =	vst v3;
	v3 =	vadd.s32 v40, v2  }
0x84: {  	[tilespmem:$0x10FD0] =	vst v3;
	v3 =	vadd.s32 v41, v2  }
0x85: {  	v2 =	vadd.s32 v42, v2;
	[tilespmem:$0x10FF0] =	vst v3  }
0x86: {  	[tilespmem:$0x11010] =	vst v2  }
0x87: {  	v2 =	vld.idx.msk [tilespmem:v38+s15+$0x0], $0xffff  }
0x88: {  	v3 =	vld.idx.msk [tilespmem:v44+s15+$0x0], $0xffff  }
0x89: {  	v63 =	vld.idx.msk [tilespmem:v45+s15+$0x0], $0xffff  }
0x8a: {  	v4 =	vld.idx.msk [tilespmem:v46+s15+$0x0], $0xffff  }
0x8b: {  	v5 =	vld.idx.msk [tilespmem:v47+s15+$0x0], $0xffff  }
0x8c: {  	v6 =	vld.idx.msk [tilespmem:v48+s15+$0x0], $0xffff  }
0x8d: {  	vm0 =	vne.s32 v2, $0x0;
	vm1 =	vne.s32 v3, $0x0;
	v2 =	vld.idx.msk [tilespmem:v49+s15+$0x0], $0xffff  }
0x8e: {  	v12 =	vld.idx.msk [tilespmem:v50+s15+$0x0], $0xffff;
	vm12 =	vne.s32 v63, $0x0;
	v3 =	vsel vm0, $0x1, v43;
	v7 =	vsel vm1, $0x1, v43  }
0x8f: {  	vm13 =	vne.s32 v4, $0x0;
	v4 =	vld.idx.msk [tilespmem:v51+s15+$0x0], $0xffff;
	v13 =	vsel vm12, $0x1, v43;
	v3 =	vadd.s32 v3, v7  }
0x90: {  	vm14 =	vne.s32 v5, $0x0;
	v5 =	vld.idx.msk [tilespmem:v52+s15+$0x0], $0xffff;
	v14 =	vsel vm13, $0x1, v43;
	v3 =	vadd.s32 v13, v3  }
0x91: {  	v16 =	vld.idx.msk [tilespmem:v53+s15+$0x0], $0xffff;
	vm15 =	vne.s32 v6, $0x0;
	v15 =	vsel vm14, $0x1, v43;
	v3 =	vadd.s32 v14, v3  }
0x92: {  	v17 =	vsel vm15, $0x1, v43;
	v3 =	vadd.s32 v15, v3;
	vm4 =	vne.s32 v2, $0x0;
	v2 =	vld.idx.msk [tilespmem:v54+s15+$0x0], $0xffff  }
0x93: {  	v10 =	vld.idx.msk [tilespmem:v55+s15+$0x0], $0xffff;
	vm5 =	vne.s32 v12, $0x0;
	v3 =	vadd.s32 v17, v3;
	v9 =	vsel vm4, $0x1, v43  }
0x94: {  	v11 =	vsel vm5, $0x1, v43;
	vm6 =	vne.s32 v4, $0x0;
	v4 =	vld.idx.msk [tilespmem:v56+s15+$0x0], $0xffff;
	v3 =	vadd.s32 v9, v3  }
0x95: {  	vm7 =	vne.s32 v5, $0x0;
	v5 =	vld.idx.msk [tilespmem:v57+s15+$0x0], $0xffff;
	v12 =	vsel vm6, $0x1, v43;
	v3 =	vadd.s32 v11, v3  }
0x96: {  	vm8 =	vne.s32 v16, $0x0;
	v14 =	vld.idx.msk [tilespmem:v58+s15+$0x0], $0xffff;
	v13 =	vsel vm7, $0x1, v43;
	v3 =	vadd.s32 v12, v3  }
0x97: {  	v15 =	vsel vm8, $0x1, v43;
	v3 =	vadd.s32 v13, v3;
	vm9 =	vne.s32 v2, $0x0;
	v2 =	vld.idx.msk [tilespmem:v59+s15+$0x0], $0xffff  }
0x98: {  	vm10 =	vne.s32 v10, $0x0;
	v17 =	vld.idx.msk [tilespmem:v60+s15+$0x0], $0xffff;
	v3 =	vadd.s32 v15, v3;
	v16 =	vsel vm9, $0x1, v43  }
0x99: {  	v9 =	vsel vm10, $0x1, v43;
	vm11 =	vne.s32 v4, $0x0;
	v4 =	vld.idx.msk [tilespmem:v61+s15+$0x0], $0xffff;
	v3 =	vadd.s32 v16, v3  }
0x9a: {  	vm12 =	vne.s32 v5, $0x0;
	v5 =	vld.idx.msk [tilespmem:v62+s15+$0x0], $0xffff;
	v10 =	vsel vm11, $0x1, v43;
	v3 =	vadd.s32 v9, v3  }
0x9b: {  	vm13 =	vne.s32 v14, $0x0;
	v11 =	vsel vm12, $0x1, v43;
	v3 =	vadd.s32 v10, v3  }
0x9c: {  	v6 =	vsel vm13, $0x1, v43;
	v3 =	vadd.s32 v11, v3;
	vm14 =	vne.s32 v2, $0x0  }
0x9d: {  	vm15 =	vne.s32 v17, $0x0;
	v2 =	vadd.s32 v6, v3;
	v3 =	vsel vm14, $0x1, v43  }
0x9e: {  	vm4 =	vne.s32 v4, $0x0;
	v2 =	vadd.s32 v3, v2;
	v3 =	vsel vm15, $0x1, v43  }
0x9f: {  	vm5 =	vne.s32 v5, $0x0;
	v2 =	vadd.s32 v3, v2;
	v3 =	vsel vm4, $0x1, v43  }
0xa0: {  	v2 =	vadd.s32 v3, v2;
	v3 =	vsel vm5, $0x1, v43  }
0xa1: {  	v2 =	vadd.s32 v3, v2  }
0xa2: {  	v3 =	vcvt.s32.f32 v2;
	_ =	sdelay $0x1  }
0xa3: {  	v4 =	vadd.f32 $9.999999930e-09, v3;
	_ =	sdelay $0x1  }
0xa4: {  	(erf) = vrcp.f32 v4;
	_ =	sdelay $0x7  }
0xa5: {  	v3 =	vsub.f32 $2.000000000e+01, v3;
	v4 =	vadd.s32 $0x140, v38  }
0xa6: {  	v5 =	vadd.s32 $0x141, v38;
	vm6 =	veq.s32 v2, $0x0;
	v2 =	vpop (erf)  }
0xa7: {  	[tilespmem:$0x10D20] =	vst v3;
	v3 =	vadd.s32 $0x143, v38;
	v2 =	vsel vm6, $0x0, v2  }
0xa8: {  	[tilespmem:$0x10D00] =	vst v2;
	v2 =	vadd.s32 $0x142, v38;
	_ =	sdelay $0x1  }
0xa9: {  	v13 =	vadd.s32 $0x145, v38;
	v4 =	vld.idx.msk [tilespmem:v4+s15+$0x0], $0xffff  }
0xaa: {  	v12 =	vadd.s32 $0x144, v38;
	v5 =	vld.idx.msk [tilespmem:v5+s15+$0x0], $0xffff  }
0xab: {  	v0 =	vadd.s32 $0x147, v38;
	v3 =	vld.idx.msk [tilespmem:v3+s15+$0x0], $0xffff  }
0xac: {  	v14 =	vadd.s32 $0x146, v38;
	v2 =	vld.idx.msk [tilespmem:v2+s15+$0x0], $0xffff  }
0xad: {  	v8 =	vadd.s32 $0x148, v38  }
0xae: {  	v7 =	vld.idx.msk [tilespmem:v13+s15+$0x0], $0xffff  }
0xaf: {  	vm7 =	vne.s32 v4, $0x0;
	v4 =	vld.idx.msk [tilespmem:v12+s15+$0x0], $0xffff  }
0xb0: {  	v17 =	vadd.s32 $0x14A, v38;
	v9 =	vadd.s32 $0x14B, v38;
	v0 =	vld.idx.msk [tilespmem:v0+s15+$0x0], $0xffff;
	vm8 =	vne.s32 v5, $0x0  }
0xb1: {  	vm10 =	vne.s32 v3, $0x0;
	v3 =	vld.idx.msk [tilespmem:v14+s15+$0x0], $0xffff;
	vm9 =	vne.s32 v2, $0x0;
	v2 =	vadd.s32 $0x149, v38  }
0xb2: {  	v10 =	vadd.s32 $0x14E, v38;
	v14 =	vld.idx.msk [tilespmem:v8+s15+$0x0], $0xffff;
	v5 =	vsel vm7, $0x1, v43;
	v15 =	vsel vm8, $0x1, v43  }
0xb3: {  	v11 =	vadd.s32 $0x151, v38;
	v5 =	vadd.s32 v5, v15;
	v15 =	vadd.s32 $0x14D, v38  }
0xb4: {  	v6 =	vadd.s32 $0x14F, v38;
	vm11 =	vne.s32 v4, $0x0;
	v4 =	vadd.s32 $0x14C, v38  }
0xb5: {  	vm12 =	vne.s32 v7, $0x0;
	vm14 =	vne.s32 v0, $0x0;
	v0 =	vld.idx.msk [tilespmem:v9+s15+$0x0], $0xffff;
	v16 =	vsel vm9, $0x1, v43  }
0xb6: {  	v12 =	vsel vm10, $0x1, v43;
	vm13 =	vne.s32 v3, $0x0;
	v5 =	vadd.s32 v16, v5;
	v2 =	vld.idx.msk [tilespmem:v2+s15+$0x0], $0xffff  }
0xb7: {  	v3 =	vld.idx.msk [tilespmem:v17+s15+$0x0], $0xffff;
	vm15 =	vne.s32 v14, $0x0;
	v13 =	vsel vm11, $0x1, v43;
	v5 =	vadd.s32 v12, v5  }
0xb8: {  	v16 =	vsel vm12, $0x1, v43;
	v12 =	vadd.s32 $0x150, v38;
	v14 =	vld.idx.msk [tilespmem:v15+s15+$0x0], $0xffff;
	v5 =	vadd.s32 v13, v5  }
0xb9: {  	v17 =	vsel vm13, $0x1, v43;
	v15 =	vadd.s32 $0x152, v38;
	v5 =	vadd.s32 v16, v5;
	v4 =	vld.idx.msk [tilespmem:v4+s15+$0x0], $0xffff  }
0xba: {  	v13 =	vsel vm14, $0x1, v43;
	v16 =	vsel vm15, $0x1, v43;
	v5 =	vadd.s32 v17, v5  }
0xbb: {  	v17 =	vadd.s32 $0x153, v38;
	v5 =	vadd.s32 v13, v5;
	vm4 =	vne.s32 v2, $0x0;
	v2 =	vld.idx.msk [tilespmem:v10+s15+$0x0], $0xffff  }
0xbc: {  	v6 =	vld.idx.msk [tilespmem:v6+s15+$0x0], $0xffff;
	vm5 =	vne.s32 v3, $0x0;
	v5 =	vadd.s32 v16, v5;
	v3 =	vsel vm4, $0x1, v43  }
0xbd: {  	vm6 =	vne.s32 v0, $0x0;
	v0 =	vsel vm5, $0x1, v43;
	v3 =	vadd.s32 v3, v5;
	v5 =	vld.idx.msk [tilespmem:v12+s15+$0x0], $0xffff  }
0xbe: {  	vm7 =	vne.s32 v4, $0x0;
	v4 =	vld.idx.msk [tilespmem:v11+s15+$0x0], $0xffff;
	v0 =	vadd.s32 v0, v3;
	v3 =	vsel vm6, $0x1, v43  }
0xbf: {  	vm8 =	vne.s32 v14, $0x0;
	v63 =	vld.idx.msk [tilespmem:v15+s15+$0x0], $0xffff;
	v0 =	vadd.s32 v3, v0;
	v3 =	vsel vm7, $0x1, v43  }
0xc0: {  	v0 =	vadd.s32 v3, v0;
	vm9 =	vne.s32 v2, $0x0;
	v2 =	vsel vm8, $0x1, v43;
	v3 =	vld.idx.msk [tilespmem:v17+s15+$0x0], $0xffff  }
0xc1: {  	vm10 =	vne.s32 v6, $0x0;
	v0 =	vadd.s32 v2, v0;
	v2 =	vsel vm9, $0x1, v43  }
0xc2: {  	v0 =	vadd.s32 v2, v0;
	vm11 =	vne.s32 v5, $0x0;
	v2 =	vsel vm10, $0x1, v43  }
0xc3: {  	vm12 =	vne.s32 v4, $0x0;
	v0 =	vadd.s32 v2, v0;
	v2 =	vsel vm11, $0x1, v43  }
0xc4: {  	vm13 =	vne.s32 v63, $0x0;
	v0 =	vadd.s32 v2, v0;
	v2 =	vsel vm12, $0x1, v43  }
0xc5: {  	v0 =	vadd.s32 v2, v0;
	v2 =	vsel vm13, $0x1, v43;
	vm14 =	vne.s32 v3, $0x0  }
0xc6: {  	v0 =	vadd.s32 v2, v0;
	v2 =	vsel vm14, $0x1, v43  }
0xc7: {  	v0 =	vadd.s32 v2, v0  }
0xc8: {  	v2 =	vcvt.s32.f32 v0;
	_ =	sdelay $0x1  }
0xc9: {  	v3 =	vadd.f32 $9.999999930e-09, v2;
	_ =	sdelay $0x1  }
0xca: {  	(erf) = vrcp.f32 v3;
	_ =	sdelay $0x7  }
0xcb: {  	v2 =	vsub.f32 $2.000000000e+01, v2  }
0xcc: {  	vm15 =	veq.s32 v0, $0x0;
	v0 =	vpop (erf)  }
0xcd: {  	[tilespmem:$0x10D30] =	vst v2;
	v0 =	vsel vm15, $0x0, v0  }
0xce: {  	s23 =	simm.s32 $0x400;
	[tilespmem:$0x10D10] =	vst v0  }
0xcf: {  	[tilespmem:s20], [sflag:$0x2] =	stream.indirect.gather [hbm4b:s7+s18], $0x40, s23, s18, $0xb8;
	[tilespmem:$0x11020] =	vst v63  }
0xd0: {  	s22 =	simm.s32 $0x420;
	s23 =	simm.s32 $0xD00  }
0xd1: {  	[tilespmem:s23], [sflag:$0x2] =	stream.indirect.gather [hbm4b:s7+s18], $0x40, s22, s18, $0xb8;
	[tilespmem:$0x11020] =	vst v63  }
0xd2: {  	s22 =	simm.s32 $0x440;
	s23 =	simm.s32 $0x1500  }
0xd3: {  	[tilespmem:s23], [sflag:$0x2] =	stream.indirect.gather [hbm4b:s7+s18], $0x40, s22, s18, $0xb8;
	[tilespmem:$0x11020] =	vst v63  }
0xd4: {  	s22 =	simm.s32 $0x460;
	s23 =	simm.s32 $0x1D00  }
0xd5: {  	[tilespmem:s23], [sflag:$0x2] =	stream.indirect.gather [hbm4b:s7+s18], $0x40, s22, s18, $0xb8;
	[tilespmem:$0x11020] =	vst v63  }
0xd6: {  	s23 =	simm.s32 $0x480  }
0xd7: {  	[tilespmem:s29], [sflag:$0x2] =	stream.indirect.gather [hbm4b:s7+s18], $0x40, s23, s18, $0xb8;
	[tilespmem:$0x11020] =	vst v63  }
0xd8: {  	s22 =	simm.s32 $0x4A0;
	s23 =	simm.s32 $0x2D00  }
0xd9: {  	[tilespmem:s23], [sflag:$0x2] =	stream.indirect.gather [hbm4b:s7+s18], $0x40, s22, s18, $0xb8;
	[tilespmem:$0x11020] =	vst v63  }
0xda: {  	s22 =	simm.s32 $0x4C0;
	s23 =	simm.s32 $0x3500  }
0xdb: {  	[tilespmem:s23], [sflag:$0x2] =	stream.indirect.gather [hbm4b:s7+s18], $0x40, s22, s18, $0xb8;
	[tilespmem:$0x11020] =	vst v63  }
0xdc: {  	s22 =	simm.s32 $0x4E0;
	s23 =	simm.s32 $0x3D00  }
0xdd: {  	[tilespmem:s23], [sflag:$0x2] =	stream.indirect.gather [hbm4b:s7+s18], $0x40, s22, s18, $0xb8;
	[tilespmem:$0x11020] =	vst v63  }
0xde: {  	s23 =	simm.s32 $0x4500  }
0xdf: {  	[tilespmem:s23], [sflag:$0x2] =	stream.indirect.gather [hbm4b:s9+s2], $0x40, s15, s2, $0xb8;
	[tilespmem:$0x11020] =	vst v63  }
0xe0: {  	v0 =	vmov s19;
	s22 =	simm.s32 $0x180;
	s23 =	simm.s32 $0x6500  }
0xe1: {  	v0 =	vand.u32 $0xFFFFFFFC, v0;
	[tilespmem:s23], [sflag:$0x2] =	stream.indirect.gather [hbm4b:s9+s2], $0x40, s22, s2, $0xb8;
	[tilespmem:$0x11020] =	vst v63  }
0xe2: {  	v0 =	vbroadcast v0, $0x0;
	s22 =	simm.s32 $0x200;
	s23 =	simm.s32 $0x8500  }
0xe3: {  	[tilespmem:s23], [sflag:$0x2] =	stream.indirect.gather [hbm4b:s9+s2], $0x40, s22, s2, $0xb8;
	[tilespmem:$0x11020] =	vst v63  }
0xe4: {  	s21 =	simm.s32 $0x280;
	s22 =	simm.s32 $0xA500  }
0xe5: {  	[tilespmem:s22], [sflag:$0x2] =	stream.indirect.gather [hbm4b:s9+s2], $0x40, s21, s2, $0xb8;
	[tilespmem:$0x11020] =	vst v63  }
0xe6: {  	_ = 	snop  }
0xe7: {  	[tilespmem:s25], [sflag:$0x2] =	stream.indirect.gather [hbm4b:s9+s2], $0x40, s24, s2, $0xb8;
	[tilespmem:$0x11020] =	vst v63  }
0xe8: {  	v0 =	vld.idx.msk [tilespmem:v0+s16+$0x0], $0xffff  }
0xe9: {  	v2 =	vld [tilespmem:$0x10D40];
	_ =	sdelay $0x4  }
0xea: {  	v2 =	vmul.f32 v2, v0  }
0xeb: {  	s19 =	simm.s32 $0xFD00  }
0xec: {  	[tilespmem:s19+$0xFFFFF000] =	vst v2  }
0xed: {  	v2 =	vld [tilespmem:$0x10D50];
	_ =	sdelay $0x4  }
0xee: {  	v2 =	vmul.f32 v2, v0;
	_ =	sdelay $0x1  }
0xef: {  	[tilespmem:s19+$0xFFFFF010] =	vst v2  }
0xf0: {  	v2 =	vld [tilespmem:$0x10D60];
	_ =	sdelay $0x4  }
0xf1: {  	v2 =	vmul.f32 v2, v0;
	_ =	sdelay $0x1  }
0xf2: {  	s23 =	simm.s32 $0x1;
	[tilespmem:s19+$0xFFFFF020] =	vst v2  }
0xf3: {  	v3 =	vmov s23;
	v2 =	vld [tilespmem:$0x10D70]  }
0xf4: {  	v3 =	vand.u32 $0xFFFFFFFD, v3  }
0xf5: {  	v3 =	vbroadcast v3, $0x0;
	_ =	sdelay $0x2  }
0xf6: {  	v0 =	vmul.f32 v2, v0;
	_ =	sdelay $0x1  }
0xf7: {  	[tilespmem:s19+$0xFFFFF030] =	vst v0  }
0xf8: {  	v0 =	vld.idx.msk [tilespmem:v3+s16+$0x0], $0xffff  }
0xf9: {  	v2 =	vld [tilespmem:$0x10D80];
	_ =	sdelay $0x4  }
0xfa: {  	v2 =	vmul.f32 v2, v0;
	_ =	sdelay $0x1  }
0xfb: {  	[tilespmem:s19+$0xFFFFF800] =	vst v2  }
0xfc: {  	v2 =	vld [tilespmem:$0x10D90];
	_ =	sdelay $0x4  }
0xfd: {  	v2 =	vmul.f32 v2, v0;
	_ =	sdelay $0x1  }
0xfe: {  	[tilespmem:s19+$0xFFFFF810] =	vst v2  }
0xff: {  	v2 =	vld [tilespmem:$0x10DA0];
	_ =	sdelay $0x4  }
0x100: {  	v2 =	vmul.f32 v2, v0;
	_ =	sdelay $0x1  }
0x101: {  	s22 =	simm.s32 $0x2;
	[tilespmem:s19+$0xFFFFF820] =	vst v2  }
0x102: {  	v3 =	vmov s22;
	v2 =	vld [tilespmem:$0x10DB0]  }
0x103: {  	v3 =	vand.u32 $0xFFFFFFFE, v3  }
0x104: {  	v3 =	vbroadcast v3, $0x0;
	_ =	sdelay $0x2  }
0x105: {  	v0 =	vmul.f32 v2, v0;
	_ =	sdelay $0x1  }
0x106: {  	[tilespmem:s19+$0xFFFFF830] =	vst v0  }
0x107: {  	v0 =	vld.idx.msk [tilespmem:v3+s16+$0x0], $0xffff  }
0x108: {  	v2 =	vld [tilespmem:$0x10DC0];
	_ =	sdelay $0x4  }
0x109: {  	v2 =	vmul.f32 v2, v0;
	_ =	sdelay $0x1  }
0x10a: {  	[tilespmem:s19+$0x0] =	vst v2  }
0x10b: {  	v2 =	vld [tilespmem:$0x10DD0];
	_ =	sdelay $0x4  }
0x10c: {  	v2 =	vmul.f32 v2, v0;
	_ =	sdelay $0x1  }
0x10d: {  	[tilespmem:s19+$0x10] =	vst v2  }
0x10e: {  	v2 =	vld [tilespmem:$0x10DE0];
	_ =	sdelay $0x4  }
0x10f: {  	v2 =	vmul.f32 v2, v0;
	_ =	sdelay $0x1  }
0x110: {  	[tilespmem:s19+$0x20] =	vst v2  }
0x111: {  	v2 =	vld [tilespmem:$0x10DF0];
	_ =	sdelay $0x1  }
0x112: {  	s23 =	simm.s32 $0x3  }
0x113: {  	v3 =	vmov s23;
	_ =	sdelay $0x1  }
0x114: {  	v0 =	vmul.f32 v2, v0;
	_ =	sdelay $0x1  }
0x115: {  	[tilespmem:s19+$0x30] =	vst v0  }
0x116: {  	v2 =	vld.idx.msk [tilespmem:v3+s16+$0x0], $0xffff  }
0x117: {  	v0 =	vld [tilespmem:$0x10E00];
	_ =	sdelay $0x4  }
0x118: {  	v0 =	vmul.f32 v0, v2;
	_ =	sdelay $0x1  }
0x119: {  	[tilespmem:s19+$0x800] =	vst v0  }
0x11a: {  	v0 =	vld [tilespmem:$0x10E10];
	_ =	sdelay $0x4  }
0x11b: {  	v0 =	vmul.f32 v0, v2;
	_ =	sdelay $0x1  }
0x11c: {  	[tilespmem:s19+$0x810] =	vst v0  }
0x11d: {  	v0 =	vld [tilespmem:$0x10E20];
	_ =	sdelay $0x4  }
0x11e: {  	v0 =	vmul.f32 v0, v2;
	_ =	sdelay $0x1  }
0x11f: {  	s21 =	simm.s32 $0x4;
	[tilespmem:s19+$0x820] =	vst v0  }
0x120: {  	s22 =	simm.s32 $0x8;
	v3 =	vmov s21;
	v63 =	vld [tilespmem:$0x10E30]  }
.LBB2_3:
0x121: {  	p0 =	sne.s32 s22, $0x7C;
	v0 =	vand.u32 $0xFFFFFFFC, v3  }
0x122: {  	v0 =	vbroadcast v0, $0x0;
	_ =	sdelay $0x2  }
0x123: {  	v2 =	vmul.f32 v63, v2;
	_ =	sdelay $0x1  }
0x124: {  	[tilespmem:s19+$0x830] =	vst v2  }
0x125: {  	v0 =	vld.idx.msk [tilespmem:v0+s16+$0x0], $0xffff  }
0x126: {  	v2 =	vld [tilespmem:$0x10D40];
	_ =	sdelay $0x4  }
0x127: {  	v2 =	vmul.f32 v2, v0  }
0x128: {  	s19 =	sadd.s32 $0x40, s19  }
0x129: {  	[tilespmem:s19+$0xFFFFF000] =	vst v2  }
0x12a: {  	v2 =	vld [tilespmem:$0x10D50];
	_ =	sdelay $0x4  }
0x12b: {  	v2 =	vmul.f32 v2, v0;
	_ =	sdelay $0x1  }
0x12c: {  	[tilespmem:s19+$0xFFFFF010] =	vst v2  }
0x12d: {  	v2 =	vld [tilespmem:$0x10D60];
	_ =	sdelay $0x4  }
0x12e: {  	v2 =	vmul.f32 v2, v0;
	_ =	sdelay $0x1  }
0x12f: {  	s23 =	sadd.s32 $0x1, s21;
	[tilespmem:s19+$0xFFFFF020] =	vst v2  }
0x130: {  	v3 =	vmov s23;
	v2 =	vld [tilespmem:$0x10D70]  }
0x131: {  	v3 =	vand.u32 $0xFFFFFFFD, v3  }
0x132: {  	v3 =	vbroadcast v3, $0x0;
	_ =	sdelay $0x2  }
0x133: {  	v0 =	vmul.f32 v2, v0;
	_ =	sdelay $0x1  }
0x134: {  	[tilespmem:s19+$0xFFFFF030] =	vst v0  }
0x135: {  	v0 =	vld.idx.msk [tilespmem:v3+s16+$0x0], $0xffff  }
0x136: {  	v2 =	vld [tilespmem:$0x10D80];
	_ =	sdelay $0x4  }
0x137: {  	v2 =	vmul.f32 v2, v0;
	_ =	sdelay $0x1  }
0x138: {  	[tilespmem:s19+$0xFFFFF800] =	vst v2  }
0x139: {  	v2 =	vld [tilespmem:$0x10D90];
	_ =	sdelay $0x4  }
0x13a: {  	v2 =	vmul.f32 v2, v0;
	_ =	sdelay $0x1  }
0x13b: {  	[tilespmem:s19+$0xFFFFF810] =	vst v2  }
0x13c: {  	v2 =	vld [tilespmem:$0x10DA0];
	_ =	sdelay $0x4  }
0x13d: {  	v2 =	vmul.f32 v2, v0;
	_ =	sdelay $0x1  }
0x13e: {  	s23 =	sadd.s32 $0x2, s21;
	[tilespmem:s19+$0xFFFFF820] =	vst v2  }
0x13f: {  	v3 =	vmov s23;
	v2 =	vld [tilespmem:$0x10DB0]  }
0x140: {  	v3 =	vand.u32 $0xFFFFFFFE, v3  }
0x141: {  	v3 =	vbroadcast v3, $0x0;
	_ =	sdelay $0x2  }
0x142: {  	v0 =	vmul.f32 v2, v0;
	_ =	sdelay $0x1  }
0x143: {  	[tilespmem:s19+$0xFFFFF830] =	vst v0  }
0x144: {  	v0 =	vld.idx.msk [tilespmem:v3+s16+$0x0], $0xffff  }
0x145: {  	v2 =	vld [tilespmem:$0x10DC0];
	_ =	sdelay $0x4  }
0x146: {  	v2 =	vmul.f32 v2, v0;
	_ =	sdelay $0x1  }
0x147: {  	[tilespmem:s19+$0x0] =	vst v2  }
0x148: {  	v2 =	vld [tilespmem:$0x10DD0];
	_ =	sdelay $0x4  }
0x149: {  	v2 =	vmul.f32 v2, v0;
	_ =	sdelay $0x1  }
0x14a: {  	[tilespmem:s19+$0x10] =	vst v2  }
0x14b: {  	v2 =	vld [tilespmem:$0x10DE0];
	_ =	sdelay $0x4  }
0x14c: {  	v2 =	vmul.f32 v2, v0;
	_ =	sdelay $0x1  }
0x14d: {  	[tilespmem:s19+$0x20] =	vst v2  }
0x14e: {  	v2 =	vld [tilespmem:$0x10DF0];
	_ =	sdelay $0x1  }
0x14f: {  	s23 =	sadd.s32 $0x3, s21;
	s21 =	smov.u32 s22  }
0x150: {  	v3 =	vmov s23;
	_ =	sdelay $0x1  }
0x151: {  	v0 =	vmul.f32 v2, v0;
	_ =	sdelay $0x1  }
0x152: {  	[tilespmem:s19+$0x30] =	vst v0  }
0x153: {  	v2 =	vld.idx.msk [tilespmem:v3+s16+$0x0], $0xffff  }
0x154: {  	v0 =	vld [tilespmem:$0x10E00];
	_ =	sdelay $0x4  }
0x155: {  	v0 =	vmul.f32 v0, v2;
	_ =	sdelay $0x1  }
0x156: {  	[tilespmem:s19+$0x800] =	vst v0  }
0x157: {  	v0 =	vld [tilespmem:$0x10E10];
	_ =	sdelay $0x4  }
0x158: {  	v0 =	vmul.f32 v0, v2;
	_ =	sdelay $0x1  }
0x159: {  	[tilespmem:s19+$0x810] =	vst v0  }
0x15a: {  	v0 =	vld [tilespmem:$0x10E20];
	_ =	sdelay $0x3  }
.Ltmp0:
0x15b: {  	(pc) =	sbr.rel @p0 .LBB2_3-.Ltmp0, $3  }
0x15c: {  	v0 =	vmul.f32 v0, v2;
	_ =	sdelay $0x1  }
0x15d: {  	[tilespmem:s19+$0x820] =	vst v0  }
0x15e: {  	s22 =	sadd.s32 $0x4, s22;
	v3 =	vmov s21;
	v63 =	vld [tilespmem:$0x10E30]  }
0x15f: {  	v0 =	vand.u32 $0xFFFFFFFC, v3  }
0x160: {  	v0 =	vbroadcast v0, $0x0;
	_ =	sdelay $0x2  }
0x161: {  	v2 =	vmul.f32 v63, v2;
	_ =	sdelay $0x1  }
0x162: {  	[tilespmem:s19+$0x830] =	vst v2  }
0x163: {  	v0 =	vld.idx.msk [tilespmem:v0+s16+$0x0], $0xffff  }
0x164: {  	v2 =	vld [tilespmem:$0x10D40];
	_ =	sdelay $0x4  }
0x165: {  	v2 =	vmul.f32 v2, v0  }
0x166: {  	s19 =	sadd.s32 $0x40, s19  }
0x167: {  	[tilespmem:s19+$0xFFFFF000] =	vst v2  }
0x168: {  	v2 =	vld [tilespmem:$0x10D50];
	_ =	sdelay $0x4  }
0x169: {  	v2 =	vmul.f32 v2, v0;
	_ =	sdelay $0x1  }
0x16a: {  	[tilespmem:s19+$0xFFFFF010] =	vst v2  }
0x16b: {  	v2 =	vld [tilespmem:$0x10D60];
	_ =	sdelay $0x4  }
0x16c: {  	v2 =	vmul.f32 v2, v0;
	_ =	sdelay $0x1  }
0x16d: {  	s22 =	sadd.s32 $0x1, s21;
	[tilespmem:s19+$0xFFFFF020] =	vst v2  }
0x16e: {  	v13 =	vmov s22;
	v2 =	vld [tilespmem:$0x10D70]  }
0x16f: {  	v3 =	vand.u32 $0xFFFFFFFD, v13  }
0x170: {  	v3 =	vbroadcast v3, $0x0;
	_ =	sdelay $0x2  }
0x171: {  	v0 =	vmul.f32 v2, v0;
	_ =	sdelay $0x1  }
0x172: {  	[tilespmem:s19+$0xFFFFF030] =	vst v0  }
0x173: {  	v0 =	vld.idx.msk [tilespmem:v3+s16+$0x0], $0xffff  }
0x174: {  	v14 =	vld [tilespmem:$0x10D80];
	_ =	sdelay $0x4  }
0x175: {  	v2 =	vmul.f32 v14, v0;
	_ =	sdelay $0x1  }
0x176: {  	[tilespmem:s19+$0xFFFFF800] =	vst v2  }
0x177: {  	v2 =	vld [tilespmem:$0x10D90];
	_ =	sdelay $0x4  }
0x178: {  	v2 =	vmul.f32 v2, v0;
	_ =	sdelay $0x1  }
0x179: {  	[tilespmem:s19+$0xFFFFF810] =	vst v2  }
0x17a: {  	v2 =	vld [tilespmem:$0x10DA0];
	_ =	sdelay $0x4  }
0x17b: {  	v2 =	vmul.f32 v2, v0;
	_ =	sdelay $0x1  }
0x17c: {  	s23 =	sadd.s32 $0x2, s21;
	[tilespmem:s19+$0xFFFFF820] =	vst v2  }
0x17d: {  	v15 =	vmov s23;
	v2 =	vld [tilespmem:$0x10DB0]  }
0x17e: {  	v3 =	vand.u32 $0xFFFFFFFE, v15  }
0x17f: {  	v3 =	vbroadcast v3, $0x0;
	_ =	sdelay $0x2  }
0x180: {  	v0 =	vmul.f32 v2, v0;
	_ =	sdelay $0x1  }
0x181: {  	[tilespmem:s19+$0xFFFFF830] =	vst v0  }
0x182: {  	v0 =	vld.idx.msk [tilespmem:v3+s16+$0x0], $0xffff  }
0x183: {  	v16 =	vld [tilespmem:$0x10DC0];
	_ =	sdelay $0x4  }
0x184: {  	v2 =	vmul.f32 v16, v0;
	_ =	sdelay $0x1  }
0x185: {  	[tilespmem:s19+$0x0] =	vst v2  }
0x186: {  	v2 =	vld [tilespmem:$0x10DD0];
	_ =	sdelay $0x4  }
0x187: {  	v2 =	vmul.f32 v2, v0;
	_ =	sdelay $0x1  }
0x188: {  	[tilespmem:s19+$0x10] =	vst v2  }
0x189: {  	v2 =	vld [tilespmem:$0x10DE0];
	_ =	sdelay $0x4  }
0x18a: {  	v2 =	vmul.f32 v2, v0;
	_ =	sdelay $0x1  }
0x18b: {  	[tilespmem:s19+$0x20] =	vst v2  }
0x18c: {  	v2 =	vld [tilespmem:$0x10DF0];
	_ =	sdelay $0x1  }
0x18d: {  	s23 =	sadd.s32 $0x3, s21  }
0x18e: {  	v17 =	vmov s23;
	_ =	sdelay $0x1  }
0x18f: {  	v0 =	vmul.f32 v2, v0;
	_ =	sdelay $0x1  }
0x190: {  	[tilespmem:s19+$0x30] =	vst v0  }
0x191: {  	v0 =	vld.idx.msk [tilespmem:v17+s16+$0x0], $0xffff  }
0x192: {  	v63 =	vld [tilespmem:$0x10E00];
	_ =	sdelay $0x4  }
0x193: {  	v2 =	vmul.f32 v63, v0;
	_ =	sdelay $0x1  }
0x194: {  	[tilespmem:s19+$0x800] =	vst v2  }
0x195: {  	v2 =	vld [tilespmem:$0x10E10];
	_ =	sdelay $0x4  }
0x196: {  	v2 =	vmul.f32 v2, v0;
	_ =	sdelay $0x1  }
0x197: {  	[tilespmem:s19+$0x810] =	vst v2  }
0x198: {  	v2 =	vld [tilespmem:$0x10E20];
	_ =	sdelay $0x4  }
0x199: {  	v2 =	vmul.f32 v2, v0;
	_ =	sdelay $0x1  }
0x19a: {  	[tilespmem:s19+$0x820] =	vst v2  }
0x19b: {  	v2 =	vld [tilespmem:$0x10E30];
	_ =	sdelay $0x4  }
0x19c: {  	v0 =	vmul.f32 v2, v0;
	_ =	sdelay $0x1  }
0x19d: {  	[tilespmem:s19+$0x830] =	vst v0  }
0x19e: {  	_ =	swait.ge [sflag:s26], $0x800  }
0x19f: {  	[sflag:s26] =	ssyncset.done $0x0  }
0x1a0: {  	[sflag:s26] =	ssyncadd.s32 $0xFFFFF800  }
0x1a1: {  	_ =	swait.ge [sflag:s26], $0x800  }
0x1a2: {  	[sflag:s26] =	ssyncset.done $0x0  }
0x1a3: {  	[sflag:s26] =	ssyncadd.s32 $0xFFFFF800  }
0x1a4: {  	_ =	swait.ge [sflag:s26], $0x800  }
0x1a5: {  	[sflag:s26] =	ssyncset.done $0x0  }
0x1a6: {  	[sflag:s26] =	ssyncadd.s32 $0xFFFFF800  }
0x1a7: {  	_ =	swait.ge [sflag:s26], $0x800  }
0x1a8: {  	[sflag:s26] =	ssyncset.done $0x0  }
0x1a9: {  	[sflag:s26] =	ssyncadd.s32 $0xFFFFF800  }
0x1aa: {  	_ =	swait.ge [sflag:s26], $0x800  }
0x1ab: {  	[sflag:s26] =	ssyncset.done $0x0  }
0x1ac: {  	[sflag:s26] =	ssyncadd.s32 $0xFFFFF800  }
0x1ad: {  	_ =	swait.ge [sflag:s26], $0x800  }
0x1ae: {  	[sflag:s26] =	ssyncset.done $0x0  }
0x1af: {  	[sflag:s26] =	ssyncadd.s32 $0xFFFFF800  }
0x1b0: {  	_ =	swait.ge [sflag:s26], $0x800  }
0x1b1: {  	[sflag:s26] =	ssyncset.done $0x0  }
0x1b2: {  	[sflag:s26] =	ssyncadd.s32 $0xFFFFF800  }
0x1b3: {  	_ =	swait.ge [sflag:s26], $0x800  }
0x1b4: {  	[sflag:s26] =	ssyncset.done $0x0  }
0x1b5: {  	[sflag:s26] =	ssyncadd.s32 $0xFFFFF800  }
0x1b6: {  	_ =	swait.ge [sflag:s26], $0x2000  }
0x1b7: {  	[sflag:s26] =	ssyncset.done $0x0  }
0x1b8: {  	[sflag:s26] =	ssyncadd.s32 $0xFFFFE000  }
0x1b9: {  	_ =	swait.ge [sflag:s26], $0x2000  }
0x1ba: {  	[sflag:s26] =	ssyncset.done $0x0  }
0x1bb: {  	[sflag:s26] =	ssyncadd.s32 $0xFFFFE000  }
0x1bc: {  	_ =	swait.ge [sflag:s26], $0x2000  }
0x1bd: {  	[sflag:s26] =	ssyncset.done $0x0  }
0x1be: {  	[sflag:s26] =	ssyncadd.s32 $0xFFFFE000  }
0x1bf: {  	_ =	swait.ge [sflag:s26], $0x2000  }
0x1c0: {  	[sflag:s26] =	ssyncset.done $0x0  }
0x1c1: {  	[sflag:s26] =	ssyncadd.s32 $0xFFFFE000  }
0x1c2: {  	_ =	swait.ge [sflag:s26], $0x2000  }
0x1c3: {  	[sflag:s26] =	ssyncset.done $0x0  }
0x1c4: {  	[sflag:s26] =	ssyncadd.s32 $0xFFFFE000  }
0x1c5: {  	[hbm4b:s1+s2] =	stream.indirect.scatter [tilespmem:s20], [sflag:$0x3], $0x40, s28, s2, $0xb8;
	[tilespmem:$0x11020] =	vst v63  }
0x1c6: {  	_ = 	snop  }
0x1c7: {  	[hbm4b:s1+s2] =	stream.indirect.scatter [tilespmem:s29], [sflag:$0x3], $0x40, s30, s2, $0xb8;
	[tilespmem:$0x11020] =	vst v63  }
0x1c8: {  	s21 =	simm.s32 $0xE520;
	s22 =	simm.s32 $0x4780;
	s19 =	simm.s32 $0x0  }
0x1c9: {  	[hbm4b:s1+s2] =	stream.indirect.scatter [tilespmem:s0], [sflag:$0x3], $0x40, s31, s2, $0xb8;
	[tilespmem:$0x11020] =	vst v63  }
.LBB2_5:
0x1ca: {  	v0 =	vld [tilespmem:s22+$0xFFFFFD80]  }
0x1cb: {  	v2 =	vld [tilespmem:s22+$0xFFFFFDC0]  }
0x1cc: {  	v3 =	vld [tilespmem:s22+$0xFFFFFE00]  }
0x1cd: {  	v4 =	vld [tilespmem:s22+$0xFFFFFE40]  }
0x1ce: {  	v5 =	vld [tilespmem:s22+$0xFFFFFE80]  }
0x1cf: {  	v6 =	vld [tilespmem:s22+$0xFFFFFEC0]  }
0x1d0: {  	v7 =	vld [tilespmem:s22+$0xFFFFFF00]  }
0x1d1: {  	v8 =	vld [tilespmem:s22+$0xFFFFFF40]  }
0x1d2: {  	v9 =	vld [tilespmem:s22+$0xFFFFFF80]  }
0x1d3: {  	v10 =	vld [tilespmem:s22+$0xFFFFFFC0]  }
0x1d4: {  	v11 =	vld [tilespmem:s22+$0x0]  }
0x1d5: {  	v63 =	vld [tilespmem:s22+$0x40]  }
0x1d6: {  	v12 =	vld [tilespmem:s22+$0x80]  }
0x1d7: {  	v13 =	vld [tilespmem:s22+$0xC0]  }
0x1d8: {  	v1 =	vld [tilespmem:s22+$0x100]  }
0x1d9: {  	v14 =	vld [tilespmem:s22+$0x140]  }
0x1da: {  	v15 =	vld [tilespmem:s22+$0x180]  }
0x1db: {  	v16 =	vld [tilespmem:s22+$0x1C0];
	v17 =	vmov s19;
	v0 =	vadd.f32 v2, v0;
	v2 =	vadd.f32 v4, v3  }
0x1dc: {  	v18 =	vld [tilespmem:s22+$0x200];
	v4 =	vadd.f32 v6, v5;
	v5 =	vadd.f32 v8, v7  }
0x1dd: {  	v3 =	vld [tilespmem:s22+$0x240];
	v6 =	vadd.f32 v10, v9;
	v7 =	vadd.f32 v63, v11  }
0x1de: {  	v12 =	vadd.f32 v13, v12;
	v1 =	vadd.f32 v14, v1  }
0x1df: {  	v0 =	vadd.f32 v2, v0;
	v13 =	vadd.f32 v5, v4  }
0x1e0: {  	v63 =	vld.idx.msk [tilespmem:v17+s12+$0x0], $0xffff;
	v14 =	vadd.f32 v7, v6;
	v1 =	vadd.f32 v1, v12  }
0x1e1: {  	v9 =	vadd.f32 v16, v15;
	v10 =	vld [tilespmem:$0x10E40];
	v0 =	vadd.f32 v13, v0  }
0x1e2: {  	v1 =	vadd.f32 v1, v14;
	v3 =	vadd.f32 v3, v18;
	_ =	sdelay $0x1  }
0x1e3: {  	v0 =	vadd.f32 v1, v0;
	v3 =	vadd.f32 v3, v9  }
0x1e4: {  	v2 =	vld.idx.msk [tilespmem:v17+s5+$0x0], $0xffff  }
0x1e5: {  	v11 =	vmul.f32 v10, v63;
	v0 =	vadd.f32 v3, v0;
	_ =	sdelay $0x1  }
0x1e6: {  	v0 =	vsub.f32 v0, v11;
	_ =	sdelay $0x1  }
0x1e7: {  	v0 =	vmul.f32 v0, v2;
	_ =	sdelay $0x1  }
0x1e8: {  	[tilespmem:s21+$0xFFFFFFE0] =	vst v0  }
0x1e9: {  	v0 =	vld [tilespmem:s22+$0xFFFFFD90]  }
0x1ea: {  	v1 =	vld [tilespmem:s22+$0xFFFFFDD0]  }
0x1eb: {  	v3 =	vld [tilespmem:s22+$0xFFFFFE10]  }
0x1ec: {  	v4 =	vld [tilespmem:s22+$0xFFFFFE50]  }
0x1ed: {  	v5 =	vld [tilespmem:s22+$0xFFFFFE90]  }
0x1ee: {  	v6 =	vld [tilespmem:s22+$0xFFFFFED0]  }
0x1ef: {  	v7 =	vld [tilespmem:s22+$0xFFFFFF10]  }
0x1f0: {  	v8 =	vld [tilespmem:s22+$0xFFFFFF50]  }
0x1f1: {  	v9 =	vld [tilespmem:s22+$0xFFFFFF90]  }
0x1f2: {  	v10 =	vld [tilespmem:s22+$0xFFFFFFD0]  }
0x1f3: {  	v11 =	vld [tilespmem:s22+$0x10]  }
0x1f4: {  	v12 =	vld [tilespmem:s22+$0x50]  }
0x1f5: {  	v13 =	vld [tilespmem:s22+$0x90]  }
0x1f6: {  	v14 =	vld [tilespmem:s22+$0xD0]  }
0x1f7: {  	v15 =	vld [tilespmem:s22+$0x110]  }
0x1f8: {  	v16 =	vld [tilespmem:s22+$0x150]  }
0x1f9: {  	v17 =	vld [tilespmem:s22+$0x190]  }
0x1fa: {  	v18 =	vld [tilespmem:s22+$0x1D0];
	v0 =	vadd.f32 v1, v0;
	v1 =	vadd.f32 v4, v3  }
0x1fb: {  	v19 =	vld [tilespmem:s22+$0x210];
	v4 =	vadd.f32 v6, v5;
	v5 =	vadd.f32 v8, v7  }
0x1fc: {  	v3 =	vld [tilespmem:s22+$0x250];
	v6 =	vadd.f32 v10, v9;
	v7 =	vadd.f32 v12, v11  }
0x1fd: {  	v12 =	vadd.f32 v14, v13;
	v13 =	vadd.f32 v16, v15  }
0x1fe: {  	v0 =	vadd.f32 v1, v0;
	v14 =	vadd.f32 v5, v4  }
0x1ff: {  	v15 =	vadd.f32 v7, v6;
	v16 =	vadd.f32 v13, v12  }
0x200: {  	v17 =	vadd.f32 v18, v17;
	v9 =	vld [tilespmem:$0x10E50];
	v0 =	vadd.f32 v14, v0  }
0x201: {  	v10 =	vadd.f32 v16, v15;
	v3 =	vadd.f32 v3, v19;
	_ =	sdelay $0x1  }
0x202: {  	v0 =	vadd.f32 v10, v0;
	v3 =	vadd.f32 v3, v17;
	_ =	sdelay $0x1  }
0x203: {  	v11 =	vmul.f32 v9, v63;
	v0 =	vadd.f32 v3, v0;
	_ =	sdelay $0x1  }
0x204: {  	v0 =	vsub.f32 v0, v11;
	_ =	sdelay $0x1  }
0x205: {  	v0 =	vmul.f32 v0, v2;
	_ =	sdelay $0x1  }
0x206: {  	[tilespmem:s21+$0xFFFFFFF0] =	vst v0  }
0x207: {  	v0 =	vld [tilespmem:s22+$0xFFFFFDA0]  }
0x208: {  	v1 =	vld [tilespmem:s22+$0xFFFFFDE0]  }
0x209: {  	v3 =	vld [tilespmem:s22+$0xFFFFFE20]  }
0x20a: {  	v4 =	vld [tilespmem:s22+$0xFFFFFE60]  }
0x20b: {  	v5 =	vld [tilespmem:s22+$0xFFFFFEA0]  }
0x20c: {  	v6 =	vld [tilespmem:s22+$0xFFFFFEE0]  }
0x20d: {  	v7 =	vld [tilespmem:s22+$0xFFFFFF20]  }
0x20e: {  	v8 =	vld [tilespmem:s22+$0xFFFFFF60]  }
0x20f: {  	v9 =	vld [tilespmem:s22+$0xFFFFFFA0]  }
0x210: {  	v10 =	vld [tilespmem:s22+$0xFFFFFFE0]  }
0x211: {  	v11 =	vld [tilespmem:s22+$0x20]  }
0x212: {  	v12 =	vld [tilespmem:s22+$0x60]  }
0x213: {  	v13 =	vld [tilespmem:s22+$0xA0]  }
0x214: {  	v14 =	vld [tilespmem:s22+$0xE0]  }
0x215: {  	v15 =	vld [tilespmem:s22+$0x120]  }
0x216: {  	v16 =	vld [tilespmem:s22+$0x160]  }
0x217: {  	v17 =	vld [tilespmem:s22+$0x1A0]  }
0x218: {  	v18 =	vld [tilespmem:s22+$0x1E0];
	v0 =	vadd.f32 v1, v0;
	v1 =	vadd.f32 v4, v3  }
0x219: {  	v19 =	vld [tilespmem:s22+$0x220];
	v4 =	vadd.f32 v6, v5;
	v5 =	vadd.f32 v8, v7  }
0x21a: {  	v3 =	vld [tilespmem:s22+$0x260];
	v6 =	vadd.f32 v10, v9;
	v12 =	vadd.f32 v12, v11  }
0x21b: {  	v13 =	vadd.f32 v14, v13;
	v14 =	vadd.f32 v16, v15  }
0x21c: {  	v0 =	vadd.f32 v1, v0;
	v15 =	vadd.f32 v5, v4  }
0x21d: {  	v16 =	vadd.f32 v12, v6;
	v9 =	vadd.f32 v14, v13  }
0x21e: {  	v10 =	vadd.f32 v18, v17;
	v11 =	vld [tilespmem:$0x10E60];
	v0 =	vadd.f32 v15, v0  }
0x21f: {  	v12 =	vadd.f32 v9, v16;
	v3 =	vadd.f32 v3, v19;
	_ =	sdelay $0x1  }
0x220: {  	v0 =	vadd.f32 v12, v0;
	v3 =	vadd.f32 v3, v10;
	_ =	sdelay $0x1  }
0x221: {  	v13 =	vmul.f32 v11, v63;
	v0 =	vadd.f32 v3, v0;
	_ =	sdelay $0x1  }
0x222: {  	v0 =	vsub.f32 v0, v13;
	_ =	sdelay $0x1  }
0x223: {  	v0 =	vmul.f32 v0, v2;
	_ =	sdelay $0x1  }
0x224: {  	[tilespmem:s21+$0x0] =	vst v0  }
0x225: {  	v0 =	vld [tilespmem:s22+$0xFFFFFDB0]  }
0x226: {  	v1 =	vld [tilespmem:s22+$0xFFFFFDF0]  }
0x227: {  	v3 =	vld [tilespmem:s22+$0xFFFFFE30]  }
0x228: {  	v4 =	vld [tilespmem:s22+$0xFFFFFE70]  }
0x229: {  	v5 =	vld [tilespmem:s22+$0xFFFFFEB0]  }
0x22a: {  	v6 =	vld [tilespmem:s22+$0xFFFFFEF0]  }
0x22b: {  	v7 =	vld [tilespmem:s22+$0xFFFFFF30]  }
0x22c: {  	v8 =	vld [tilespmem:s22+$0xFFFFFF70]  }
0x22d: {  	v9 =	vld [tilespmem:s22+$0xFFFFFFB0]  }
0x22e: {  	v10 =	vld [tilespmem:s22+$0xFFFFFFF0]  }
0x22f: {  	v11 =	vld [tilespmem:s22+$0x30]  }
0x230: {  	v12 =	vld [tilespmem:s22+$0x70]  }
0x231: {  	v13 =	vld [tilespmem:s22+$0xB0]  }
0x232: {  	v14 =	vld [tilespmem:s22+$0xF0]  }
0x233: {  	v15 =	vld [tilespmem:s22+$0x130]  }
0x234: {  	v16 =	vld [tilespmem:s22+$0x170]  }
0x235: {  	v17 =	vld [tilespmem:s22+$0x1B0]  }
0x236: {  	v18 =	vld [tilespmem:s22+$0x1F0];
	v0 =	vadd.f32 v1, v0;
	v1 =	vadd.f32 v4, v3  }
0x237: {  	v19 =	vld [tilespmem:s22+$0x230];
	v4 =	vadd.f32 v6, v5;
	v5 =	vadd.f32 v8, v7  }
0x238: {  	v3 =	vld [tilespmem:s22+$0x270];
	v6 =	vadd.f32 v10, v9;
	v7 =	vadd.f32 v12, v11  }
0x239: {  	v14 =	vadd.f32 v14, v13;
	v16 =	vadd.f32 v16, v15  }
0x23a: {  	v0 =	vadd.f32 v1, v0;
	v12 =	vadd.f32 v5, v4  }
0x23b: {  	v13 =	vadd.f32 v7, v6;
	v14 =	vadd.f32 v16, v14  }
0x23c: {  	v15 =	vadd.f32 v18, v17;
	v16 =	vld [tilespmem:$0x10E70];
	v0 =	vadd.f32 v12, v0  }
0x23d: {  	v17 =	vadd.f32 v14, v13;
	v3 =	vadd.f32 v3, v19;
	_ =	sdelay $0x1  }
0x23e: {  	v0 =	vadd.f32 v17, v0;
	v3 =	vadd.f32 v3, v15;
	_ =	sdelay $0x1  }
0x23f: {  	v63 =	vmul.f32 v16, v63;
	v0 =	vadd.f32 v3, v0  }
0x240: {  	p0 =	sne.s32 s19, $0x1F  }
.Ltmp1:
0x241: {  	v0 =	vsub.f32 v0, v63;
	(pc) =	sbr.rel @p0 .LBB2_5-.Ltmp1, $3  }
0x242: {  	_ = 	snop  }
0x243: {  	v0 =	vmul.f32 v0, v2;
	_ =	sdelay $0x1  }
0x244: {  	s19 =	sadd.s32 $0x1, s19;
	s22 =	sadd.s32 $0x500, s22;
	[tilespmem:s21+$0x10] =	vst v0;
	s21 =	sadd.s32 $0x40, s21  }
0x245: {  	[hbm4b:s1+s18] =	stream.indirect.scatter [tilespmem:s8], [sflag:$0x3], $0x40, s14, s18, $0xb8;
	[tilespmem:$0x11020] =	vst v63  }
0x246: {  	_ =	swait.ge [sflag:s11], $0x2000  }
0x247: {  	[sflag:s11] =	ssyncset.done $0x0  }
0x248: {  	[sflag:s11] =	ssyncadd.s32 $0xFFFFE000  }
0x249: {  	_ =	swait.ge [sflag:s11], $0x2000  }
0x24a: {  	[sflag:s11] =	ssyncset.done $0x0  }
0x24b: {  	s13 =	sadd.s32 $0x1, s13;
	[sflag:s11] =	ssyncadd.s32 $0xFFFFE000  }
0x24c: {  	p0 =	sne.s32 s13, $0x32;
	_ =	swait.ge [sflag:s11], $0x2000  }
.Ltmp2:
0x24d: {  	[sflag:s11] =	ssyncset.done $0x0;
	(pc) =	sbr.rel @p0 .LBB2_2-.Ltmp2, $4  }
0x24e: {  	[sflag:s11] =	ssyncadd.s32 $0xFFFFE000  }
0x24f: {  	_ =	swait.ge [sflag:s11], $0x800  }
0x250: {  	[sflag:s11] =	ssyncset.done $0x0  }
0x251: {  	[sflag:s11] =	ssyncadd.s32 $0xFFFFF800  }
0x252: {  	s19 =	rddreg [dreg:$0x5]  }
0x253: {  	s13 =	rddreg [dreg:$0x4];
	s19 =	sadd.s32 $0x1, s19  }
0x254: {  	p0 =	sne.s32 s19, s13  }
.Ltmp3:
0x255: {  	_ = 	snop;
	(pc) =	sbr.rel @p0 .LBB2_1-.Ltmp3, $1  }
0x256: {  	_ =	sdelay $0x3  }
0x257: {  	_ =	sfence.sel $0x180000  }
0x258: {  	[bflag:$0x0] =	sbarrier.arrive $0xFFFF  }
0x259: {  	_ =	strace $0x90000047  }
0x25a: {  	s0 =	stileid.u32;
	[bflag:$0x2] =	sbarrier.arrive $0xFFFF  }
0x25b: {  	p0 =	sne.s32 s0, $0x0;
	s0 =	rddreg [dreg:$0x2]  }
0x25c: {  	s0 =	sadd.s32 @!p0 $0x100000, s0  }
0x25d: {  	[sflag:s0] =	ssyncadd.tile.s32 @!p0 $0x1;
	_ =	shalt  }
.Lfunc_end2:
_tile_overlayer_lowered:
.L_overlay_start_2:
0x25e: {  	(tag) =	ssettag $0x2  }
0x25f: {  	s0 =	rddreg [dreg:$0x0];
	s2 =	stileid.u32  }
0x260: {  	s1 =	rddreg [dreg:$0x1];
	p0 =	sne.s32 s2, $0x0  }
0x261: {  	s3 =	rddreg [dreg:$0x2];
	[bflag:$0x3] =	sbarrier.arrive $0xFFFF;
	s2 =	simm.s32 @!p0 $0x1C04  }
0x262: {  	[timem:s3], [sflag:s2] =	dma.local @!p0 [hbm:s0], s1  }
0x263: {  	s0 =	simm.s32 @!p0 $0x4  }
0x264: {  	_ =	swait.ge @!p0 [sflag:s0], s1  }
0x265: {  	s1 =	ssub.s32 @!p0 $0x0, s1;
	[sflag:s0] =	ssyncset.done @!p0 $0x0  }
0x266: {  	[sflag:s0] =	ssyncadd.s32 @!p0 s1  }
0x267: {  	[bflag:$0x3] =	sbarrier.arrive $0xFFFF  }
0x268: {  	_ =	shalt  }

// kernel: sparse-core-data-format-call.cloned.1.call-start
scs
called_computation_lowered:
.L_overlay_start_0:
0x0: {  	s2 =	sld [smem:$0x3FD9]  }
0x1: {  	s3 =	sld [smem:$0x3FFE];
	_ =	sdelay $0x1  }
0x2: {  	s1 =	srdreg.scid  }
0x3: {  	s0 =	sand.u32 $0x1, s1  }
0x4: {  	s18 =	sshll.u32 s0, $0xA;
	s2 =	sadd.s32 s3, s2  }
0x5: {  	s2 =	sadd.s32 s2, s18  }
0x6: {  	[smem:$0x3FC2] =	sst s2  }
0x7: {  	_ = 	snop  }
0x8: {  	s2 =	sld [smem:$0x3FD0];
	(tm) =	ssettm $0x1  }
0x9: {  	s19 =	sld [smem:$0x3FFB];
	_ =	sdelay $0x3  }
0xa: {  	_ =	strace s19  }
0xb: {  	s3 =	sld [smem:$0x3FFC];
	_ =	sdelay $0x3  }
0xc: {  	_ =	strace s3  }
0xd: {  	s3 =	sld [smem:$0x3FFD];
	_ =	sdelay $0x3  }
0xe: {  	_ =	strace s3  }
0xf: {  	_ =	strace $0x8FFFFFFF  }
0x10: {  	s20 =	sld [smem:$0x3FDB];
	_ =	sdelay $0x1  }
0x11: {  	s4 =	simm.s32 $_scs_section_size  }
0x12: {  	s5 =	simm.s32 $_size__tile_overlayer_lowered;
	s6 =	simm.s32 $_tile_overlayer_lowered  }
0x13: {  	s23 =	simm.s32 $0x1BFF;
	s22 =	sshll.u32 s6, $0x1;
	s3 =	sadd.s32 s4, s20  }
0x14: {  	s7 =	simm.s32 $0x0;
	s21 =	sshll.u32 s5, $0x1;
	s5 =	sadd.s32 s22, s3  }
0x15: {  	[timem:s7], [sflag:s23] =	dma.local [hbm:s5], s21  }
0x16: {  	_ =	swait.ge [sflag:s23], s21  }
0x17: {  	s4 =	ssub.s32 $0x0, s21;
	[sflag:s23] =	ssyncset.done $0x0  }
0x18: {  	[sflag:s23] =	ssyncadd.s32 s4;
	_ =	sdelay $0x1  }
0x19: {  	s24 =	simm.s32 $0x1B8B  }
0x1a: {  	_ =	swait.ge [sflag:s24], $0x1  }
0x1b: {  	[sflag:s24] =	ssyncset.done $0x0  }
0x1c: {  	s26 =	simm.s32 $0x1B8E;
	s25 =	sld [smem:$0x3FFE];
	[sflag:s24] =	ssyncadd.s32 $0xFFFFFFFF  }
0x1d: {  	s27 =	simm.s32 $execute0_lowered;
	[smem:$0x3FD2] =	sst s26  }
0x1e: {  	s5 =	sshll.u32 s27, $0x1;
	_ =	strace $0x80000049;
	[dreg:$0x1] =	wrdreg $0xFFFFFFFF  }
0x1f: {  	s28 =	simm.s32 $_size_execute0_lowered;
	s3 =	sadd.s32 s3, s5;
	[dreg:$0x0] =	wrdreg $0x0  }
0x20: {  	s5 =	sshll.u32 s28, $0x1;
	[dreg:$0x2] =	wrdreg s3  }
0x21: {  	[dreg:$0x3] =	wrdreg s5  }
0x22: {  	[dreg:$0x4] =	wrdreg $0xC0  }
0x23: {  	_ =	task [dreg:s7], $0x5FFFF  }
0x24: {  	[dreg:$0x1] =	wrdreg $0xFFFFFFFF  }
0x25: {  	[dreg:$0x0] =	wrdreg $0x60  }
0x26: {  	[dreg:$0x2] =	wrdreg s25  }
0x27: {  	[dreg:$0x3] =	wrdreg s2  }
0x28: {  	[dreg:$0x4] =	wrdreg $0x9  }
0x29: {  	_ =	task.clear_ibuf [dreg:s7], $0x5FFFF;
	_ =	strace $0x90000049  }
0x2a: {  	s29 =	simm.s32 $0x9;
	_ =	strace $0x8000004B  }
0x2b: {  	_ =	swait.ge [sflag:s29], $0x1  }
0x2c: {  	[sflag:s29] =	ssyncadd.s32 $0xFFFFFFFF  }
0x2d: {  	_ =	strace $0x9000004B  }
0x2e: {  	_ =	sfence  }
0x2f: {  	s30 =	sld [smem:$0x0];
	_ =	sdelay $0x2  }
0x30: {  	s31 =	sshll.u32 s1, $0xD;
	s1 =	sshrl.u32 s1, $0x2  }
0x31: {  	s3 =	sand.u32 $0x4000, s31;
	s1 =	sadd.s32 s1, s30  }
0x32: {  	s0 =	sor.u32 s3, s0;
	s1 =	sshll.u32 s1, $0x11  }
0x33: {  	s0 =	sor.u32 s1, s0  }
0x34: {  	s0 =	sadd.s32 $0x8F2B, s0  }
0x35: {  	[sflag:s0] =	ssyncadd.remote.s32 $0x1  }
0x36: {  	_ =	sfence.sel $0xFFFF  }
0x37: {  	[dreg:$0x0] =	wrdreg $0xFFFFFFFF;
	(pc) =	sbr.abs _section_cstart, $3  }
0x38: {  	[dreg:$0x1] =	wrdreg $0xFFFFFFFF  }
0x39: {  	_ =	task.clear_ibuf [dreg:s7], $0x2FFFF;
	_ =	strace $0x9FFFFFFF  }
0x3a: {  	(tm) =	ssettm $0x7FFFFFFF  }
0x3b: {  	_ =	shalt  }
tec
execute0_lowered:
.L_overlay_start_1:
0x0: {  	(tag) =	ssettag $0x1  }
0x1: {  	s0 =	stileid.u32  }
0x2: {  	s1 =	srdreg.scid;
	s2 =	sshll.u32 s0, $0x7  }
0x3: {  	s7 =	rddreg [dreg:$0x0];
	s3 =	sshll.u32 s1, $0x4;
	s1 =	sand.u32 $0x380, s2  }
0x4: {  	s8 =	simm.s32 $0x2;
	s30 =	sand.u32 $0x10, s3;
	s31 =	ssub.s32 $0x400, s1  }
0x5: {  	s14 =	simm.s32 $0x0;
	s2 =	sor.u32 s0, s30;
	s4 =	sand.u32 $0x380, s31  }
0x6: {  	s2 =	sshrl.u32 s2, $0x3;
	p0 =	sne.s32 s4, $0x0;
	s4 =	simm.s32 $0x1  }
0x7: {  	s3 =	sshrl.u32 s31, $0xA;
	s5 =	ssub.s32 $0x10, s2;
	s4 =	simm.s32 @!p0 $0x0  }
0x8: {  	s9 =	simm.s32 $0x2000;
	s5 =	sshrl.u32 s5, $0x2;
	s3 =	sadd.s32 s4, s3  }
0x9: {  	s16 =	simm.s32 $0x0;
	s15 =	simm.s32 $0x0;
	s6 =	smul.u32 s5, s3  }
.Ltmp0:
0xa: {  	s11 =	simm.s32 $0x0;
	s4 =	rddreg [dreg:$0x1];
	(pc) =	sbr.rel .LBB1_1-.Ltmp0, $4  }
0xb: {  	s13 =	simm.s32 $0x0;
	s7 =	sadd.s32 $0x1000, s7;
	s3 =	rddreg [dreg:$0x2]  }
0xc: {  	_ =	strace $0x8000004A;
	s5 =	simm.s32 $0x1;
	s6 =	smul.u32 $0x32, s6  }
0xd: {  	s12 =	smov.u32 s1;
	s10 =	smov.u32 s2;
	[sflag:s5] =	ssyncpa.u1 $0x0  }
0xe: {  	p0 =	por $0x0, $0x0;
	[sflag:s8] =	ssyncpa.u1 $0x0;
	s8 =	sor.u32 $0x1, s6  }
.LBB1_4:
0xf: {  	s19 =	sand.u32 $0x1F80, s15;
	s16 =	smul.u32 $0x1A000, s16  }
0x10: {  	s20 =	sshrl.u32 s15, $0x3;
	s19 =	sadd.s32 s4, s19  }
0x11: {  	[tilespmem:s18+$0x810 ss:$0x81] =	vst.msk $0xffff, v2;
	s31 =	sand.u32 $0x7, s15;
	s20 =	sand.u32 $0xF, s20;
	s16 =	sadd.s32 s16, s19  }
0x12: {  	[tilespmem:s18+$0x1020 ss:$0x81] =	vst.msk $0xffff, v0;
	s14 =	sshll.u32 s14, $0xD;
	s15 =	sshll.u32 s31, $0x12;
	s16 =	sadd.s32 s20, s16  }
0x13: {  	[tilespmem:s18+$0x0 ss:$0x81] =	vst.msk $0xffff, v1;
	s15 =	sor.u32 $0x400, s15;
	s14 =	sadd.s32 s14, s16  }
0x14: {  	[hbm4b:s14+s15] =	stream.strided.scatter [tilespmem:s17], [sflag:$0x2], $0x2000, s9, s15, $0x20;
	[tilespmem:$0x8080] =	vst v63  }
.LBB1_5:
0x15: {  	s17 =	sadd.s32 $0x4, s10  }
0x16: {  	s14 =	simm.s32 $0x1;
	p2 =	sgt.s32 s17, $0xC  }
0x17: {  	s14 =	simm.s32 @!p2 $0x0  }
0x18: {  	s18 =	sadd.s32 s14, s11  }
0x19: {  	s20 =	smov.u32 s12;
	s14 =	sadd.s32 $0x400, s12;
	p3 =	sgt.s32 s18, $0x31  }
0x1a: {  	s20 =	smov.u32 @p3 s14  }
0x1b: {  	p1 =	slt.u32 s13, $0x2;
	s17 =	smov.u32 @p2 s2;
	p2 =	sgt.s32 s20, $0x3FF  }
0x1c: {  	s19 =	simm.s32 @!p1 $0x2;
	s20 =	smov.u32 @p2 s1;
	p2 =	sne.s32 s13, s8  }
.Ltmp1:
0x1d: {  	_ =	swait.ge @!p1 [sflag:s19], $0x2000;
	(pc) =	sbr.rel @!p2 .LBB1_6-.Ltmp1, $4  }
0x1e: {  	s16 =	smov.u32 s11;
	[sflag:s19] =	ssyncset.done @!p1 $0x0  }
0x1f: {  	s15 =	smov.u32 s12;
	p0 =	por !p0, !p0;
	[sflag:s19] =	ssyncadd.s32 @!p1 $0xFFFFE000  }
0x20: {  	s18 =	simm.s32 @p3 $0x0;
	s14 =	smov.u32 s10;
	s10 =	smov.u32 s17  }
0x21: {  	s11 =	smov.u32 s18;
	s13 =	sadd.s32 $0x1, s13;
	s12 =	smov.u32 s20  }
.LBB1_1:
0x22: {  	p1 =	sge.u32 s13, s6  }
0x23: {  	s18 =	smul.u32 @!p1 $0x3200, s12  }
0x24: {  	s31 =	sadd.s32 $0xFFFFFFFF, s13;
	s17 =	sxor.u32 @!p1 $0xFFFFFFFF, s13;
	s19 =	sshll.u32 @!p1 s11, $0x8  }
0x25: {  	s20 =	sshll.u32 @!p1 s10, $0x4;
	s17 =	sshll.u32 @!p1 s17, $0xD;
	s18 =	sadd.s32 @!p1 s7, s18  }
0x26: {  	s20 =	sand.u32 @!p1 $0xF0, s20;
	s17 =	sand.u32 @!p1 $0x2000, s17;
	s18 =	sadd.s32 @!p1 s19, s18  }
0x27: {  	s19 =	simm.s32 @!p1 $0x40;
	s18 =	sadd.s32 @!p1 s20, s18;
	s20 =	simm.s32 @!p1 $0x19000  }
0x28: {  	[tilespmem:s17], [sflag:$0x1] =	stream.strided.gather @!p1 [hbm4b:s18+s19], $0x2000, s20, s19, $0x38;
	[tilespmem:$0x8080] =	vst v63  }
0x29: {  	p1 =	sge.u32 s31, s6  }
.Ltmp2:
0x2a: {  	_ = 	snop;
	(pc) =	sbr.rel @p1 .LBB1_5-.Ltmp2, $1  }
0x2b: {  	_ =	sdelay $0x3  }
0x2c: {  	s17 =	simm.s32 $0x1  }
0x2d: {  	_ =	swait.ge [sflag:s5], $0x2000;
	s17 =	simm.s32 @!p0 $0x0  }
0x2e: {  	[sflag:s5] =	ssyncset.done $0x0;
	s18 =	sshll.u32 s17, $0xD  }
0x2f: {  	[sflag:s5] =	ssyncadd.s32 $0xFFFFE000;
	s21 =	sor.u32 $0x20, s18  }
0x30: {  	s17 =	smul.u32 $0x8100, s17;
	v3 =	vld [tilespmem:s21+$0x10]  }
0x31: {  	s30 =	sand.u32 $0x1, s13;
	v2 =	vld [tilespmem:s21+$0xFFFFFFF0]  }
0x32: {  	s18 =	smul.u32 $0x8100, s30;
	s17 =	sshrl.u32 s17, $0x2;
	v0 =	vld [tilespmem:s21+$0x0]  }
0x33: {  	v1 =	vld [tilespmem:s21+$0xFFFFFFE0];
	s19 =	sor.u32 $0x4000, s17  }
0x34: {  	s31 =	sshrl.u32 s18, $0x2;
	s18 =	sadd.s32 $0x0, s19  }
0x35: {  	s20 =	simm.s32 $0x4;
	s21 =	sadd.s32 $0x40, s21;
	s17 =	sor.u32 $0x4000, s31;
	[tilespmem:s18+$0x1830 ss:$0x81] =	vst.msk $0xffff, v3  }
.LBB1_3:
0x36: {  	v3 =	vld [tilespmem:s21+$0x10];
	p1 =	sne.s32 s20, $0x1FC;
	[tilespmem:s18+$0x810 ss:$0x81] =	vst.msk $0xffff, v2;
	s22 =	smov.u32 s20;
	s20 =	sadd.s32 $0x4, s20  }
.Ltmp3:
0x37: {  	v2 =	vld [tilespmem:s21+$0xFFFFFFF0];
	[tilespmem:s18+$0x1020 ss:$0x81] =	vst.msk $0xffff, v0;
	(pc) =	sbr.rel @p1 .LBB1_3-.Ltmp3, $4  }
0x38: {  	v0 =	vld [tilespmem:s21+$0x0];
	[tilespmem:s18+$0x0 ss:$0x81] =	vst.msk $0xffff, v1  }
0x39: {  	s18 =	sshra.s32 s22, $0x2;
	v1 =	vld [tilespmem:s21+$0xFFFFFFE0]  }
0x3a: {  	s18 =	sadd.s32 s18, s19  }
0x3b: {  	s21 =	sadd.s32 $0x40, s21;
	[tilespmem:s18+$0x1830 ss:$0x81] =	vst.msk $0xffff, v3  }
.Ltmp4:
0x3c: {  	_ = 	snop;
	(pc) =	sbr.rel .LBB1_4-.Ltmp4, $1  }
0x3d: {  	_ =	sdelay $0x3  }
.LBB1_6:
0x3e: {  	_ =	sfence.sel $0x180000  }
0x3f: {  	s1 =	simm.s32 $0x1;
	[bflag:$0x0] =	sbarrier.arrive $0xFFFF  }
0x40: {  	s31 =	simm.s32 $0x2;
	[sflag:s1] =	ssyncpa.u1 $0x1  }
0x41: {  	[sflag:s31] =	ssyncpa.u1 $0x1  }
0x42: {  	p0 =	sne.s32 s0, $0x0;
	_ =	strace $0x9000004A  }
0x43: {  	s0 =	sadd.s32 @!p0 $0x100000, s3;
	[bflag:$0x2] =	sbarrier.arrive $0xFFFF  }
0x44: {  	[sflag:s0] =	ssyncadd.tile.s32 @!p0 $0x1;
	_ =	shalt  }
.Lfunc_end1:
_tile_overlayer_lowered:
.L_overlay_start_2:
0x45: {  	(tag) =	ssettag $0x2  }
0x46: {  	s0 =	rddreg [dreg:$0x0];
	s2 =	stileid.u32  }
0x47: {  	s1 =	rddreg [dreg:$0x1];
	p0 =	sne.s32 s2, $0x0  }
0x48: {  	s3 =	rddreg [dreg:$0x2];
	[bflag:$0x3] =	sbarrier.arrive $0xFFFF;
	s2 =	simm.s32 @!p0 $0x1C01  }
0x49: {  	[timem:s3], [sflag:s2] =	dma.local @!p0 [hbm:s0], s1  }
0x4a: {  	s0 =	simm.s32 @!p0 $0x1  }
0x4b: {  	_ =	swait.ge @!p0 [sflag:s0], s1  }
0x4c: {  	s1 =	ssub.s32 @!p0 $0x0, s1;
	[sflag:s0] =	ssyncset.done @!p0 $0x0  }
0x4d: {  	[sflag:s0] =	ssyncadd.s32 @!p0 s1  }
0x4e: {  	[bflag:$0x3] =	sbarrier.arrive $0xFFFF  }
0x4f: {  	_ =	shalt  }

</sc_bundles>
